<compile_context>
chip_gen: v7x
topology: tpu7x:2x2x1
jax: 0.10.2.dev20260603
libtpu: 0.0.44.dev20260713+nightly
codegen_flags: <defaults>
</compile_context>

<pallas_src>
import functools

import jax
import jax.numpy as jnp
from jax import lax
from jax.experimental import pallas as pl
from jax.experimental.pallas import tpu as pltpu
from jax.experimental.pallas import tpu_sc as plsc

_PITCH = 137


def _gather_sc(weights, idxflat, h_dim, d_dim):
    n_rows, lanes = idxflat.shape
    d_hi = d_dim // 8
    b_hi = n_rows // h_dim
    info = plsc.get_sparse_core_info()
    nc, ns = info.num_cores, info.num_subcores
    nw = nc * ns
    rows_per_w = n_rows // nw
    n2 = rows_per_w // 2

    mesh = plsc.VectorSubcoreMesh(core_axis_name="c", subcore_axis_name="s")

    @functools.partial(
        pl.kernel,
        mesh=mesh,
        compiler_params=pltpu.CompilerParams(
            use_tc_tiling_on_sc=False, needs_layout_passes=False
        ),
        out_type=jax.ShapeDtypeStruct((h_dim, d_hi, b_hi, 8, lanes), jnp.float32),
        scratch_types=[
            pltpu.VMEM((rows_per_w, lanes), jnp.int32),
            pltpu.VMEM((lanes, d_dim), jnp.float32),
            pltpu.VMEM((lanes, d_dim), jnp.float32),
            pltpu.VMEM((d_dim, _PITCH), jnp.float32),
            pltpu.VMEM((d_dim, _PITCH), jnp.float32),
            pltpu.SemaphoreType.DMA,
            pltpu.SemaphoreType.DMA,
            pltpu.SemaphoreType.DMA,
            pltpu.SemaphoreType.DMA,
        ],
    )
    def k(table_hbm, idx_hbm, out_hbm, idx_all, rows0, rows1, out0, out1,
          sg0, sg1, sw0, sw1):
        wid = lax.axis_index("s") * nc + lax.axis_index("c")
        base = wid * rows_per_w
        rows = (rows0, rows1)
        outs = (out0, out1)
        sg = (sg0, sg1)
        sw = (sw0, sw1)

        pltpu.sync_copy(idx_hbm.at[pl.ds(base, rows_per_w)], idx_all)

        iota = lax.iota(jnp.int32, 16)
        ddvecs = [iota + (16 * k) for k in range(d_dim // 16)]

        def fire_gather(g, p):
            pltpu.make_async_copy(
                table_hbm.at[idx_all.at[g]], rows[p], sg[p]
            ).start()

        def drain_gather(p):
            pltpu.make_async_copy(
                table_hbm.at[pl.ds(0, lanes)], rows[p], sg[p]
            ).wait()

        def transpose(p):
            r, o = rows[p], outs[p]

            @plsc.parallel_loop(0, lanes, 1, unroll=16)
            def _(bl):
                blvec = jnp.zeros((16,), jnp.int32) + bl
                for kk in range(d_dim // 16):
                    val = r[bl, pl.ds(16 * kk, 16)]
                    plsc.store_scatter(o, [ddvecs[kk], blvec], val)

        def fire_wb(g, p):
            c = base + g
            h = c // b_hi
            bc = lax.rem(c, b_hi)
            for dr in range(d_hi):
                pltpu.make_async_copy(
                    outs[p].at[pl.ds(8 * dr, 8), pl.ds(0, lanes)],
                    out_hbm.at[h, dr, bc],
                    sw[p],
                ).start()

        def wait_wb(p):
            for dr in range(d_hi):
                pltpu.make_async_copy(
                    outs[p].at[pl.ds(8 * dr, 8), pl.ds(0, lanes)],
                    out_hbm.at[0, dr, 0],
                    sw[p],
                ).wait()

        fire_gather(0, 0)
        fire_gather(1, 1)

        def body(i, carry):
            g0 = 2 * i
            drain_gather(0)

            @pl.when(i > 0)
            def _():
                wait_wb(0)

            transpose(0)
            fire_wb(g0, 0)

            @pl.when(i < n2 - 1)
            def _():
                fire_gather(g0 + 2, 0)

            drain_gather(1)

            @pl.when(i > 0)
            def _():
                wait_wb(1)

            transpose(1)
            fire_wb(g0 + 1, 1)

            @pl.when(i < n2 - 1)
            def _():
                fire_gather(g0 + 3, 1)

            return carry

        lax.fori_loop(0, n2, body, 0)
        wait_wb(0)
        wait_wb(1)

    return k(weights, idxflat)


def kernel(tokenIndex, weights):
    b, h = tokenIndex.shape
    d = weights.shape[1]
    idxflat = tokenIndex.T.reshape(-1, 128)
    out_phys = _gather_sc(weights, idxflat, h, d)
    return out_phys.transpose(2, 4, 0, 1, 3).reshape(b, h, d)

# --- scband reference (transcript-rebuilt; emitter-appended) ---
"""Pipeline reference for scband-embedlayer-31963146617318 (READ-ONLY COPY).

The authoritative reference and input builder live on the scoring server;
editing this copy changes nothing except your own understanding.
"""

import jax, jax.numpy as jnp
import numpy as np

VOCAB = 1000000
EMBED_DIM = 64
BATCH = 16384
HIST = 50

def setup_inputs(seed: int = 0) -> dict:
    key = jax.random.key(seed)
    k_idx, k_w = jax.random.split(key)
    tokenIndex = jax.random.randint(k_idx, (BATCH, HIST), 0, VOCAB, dtype=jnp.int64) if jax.config.jax_enable_x64 else jax.random.randint(k_idx, (BATCH, HIST), 0, VOCAB, dtype=jnp.int32)
    weights = jax.random.normal(k_w, (VOCAB, EMBED_DIM), dtype=jnp.float32) * 0.01
    return {"tokenIndex": tokenIndex, "weights": weights}

def reference(tokenIndex, weights):
    # EMBEDLAYER.forward: embedVector = self.weights[tokenIndex]
    embedVector = jnp.take(weights, tokenIndex, axis=0)
    return embedVector

if __name__ == "__main__":
    import jax
    _d = setup_inputs()
    print(jax.jit(kernel)(*tuple(_d.values())))

</pallas_src>

<mosaic_0001>
#map = affine_map<(d0, d1) -> (0, 0)>
#map1 = affine_map<(d0, d1) -> (0, 0, 0, 0, 0)>
module attributes {stable_mosaic.version = 14 : i64} {
  func.func @k(%arg0: i32, %arg1: i32, %arg2: memref<1000000x64xf32, #tpu.memory_space<hbm>>, %arg3: memref<6400x128xi32, #tpu.memory_space<hbm>>, %arg4: memref<50x8x128x8x128xf32, #tpu.memory_space<hbm>>, %arg5: memref<200x128xi32, #tpu.memory_space<vmem>>, %arg6: memref<128x64xf32, #tpu.memory_space<vmem>>, %arg7: memref<128x64xf32, #tpu.memory_space<vmem>>, %arg8: memref<64x137xf32, #tpu.memory_space<vmem>>, %arg9: memref<64x137xf32, #tpu.memory_space<vmem>>, %arg10: memref<!tpu.dma_semaphore, #tpu.memory_space<semaphore_mem>>, %arg11: memref<!tpu.dma_semaphore, #tpu.memory_space<semaphore_mem>>, %arg12: memref<!tpu.dma_semaphore, #tpu.memory_space<semaphore_mem>>, %arg13: memref<!tpu.dma_semaphore, #tpu.memory_space<semaphore_mem>>) attributes {dimension_semantics = [#tpu.dimension_semantics<core_parallel>, #tpu.dimension_semantics<subcore_parallel>], iteration_bounds = array<i64: 2, 16>, scalar_prefetch = 0 : i64, scratch_operands = 9 : i64, tpu.core_type = #tpu.core_type<sc_vector_subcore>, window_params = [{transform_indices = #map}, {transform_indices = #map}, {transform_indices = #map1}]} {
    %mul3A = arith.constant 2 : i32
    %mul3A_0 = arith.muli %arg1, %mul3A : i32
    %add3A = arith.addi %mul3A_0, %arg0 : i32
    %mul3A_1 = arith.constant 200 : i32
    %mul3A_2 = arith.muli %add3A, %mul3A_1 : i32
    "tpu.region"() ({
      %run_scoped3A = tpu.sem_alloc : memref<!tpu.dma_semaphore, #tpu.memory_space<semaphore_mem>>
      %dma_start3A_304 = arith.constant 0 : i32
      %dma_start3A_305 = tpu.memref_slice %arg3[%mul3A_2, %dma_start3A_304] : memref<6400x128xi32, #tpu.memory_space<hbm>> -> memref<200x128xi32, #tpu.memory_space<hbm>>
      %dma_start3A_306 = arith.constant 0 : i32
      %dma_start3A_307 = tpu.memref_slice %arg3[%mul3A_2, %dma_start3A_306] : memref<6400x128xi32, #tpu.memory_space<hbm>> -> memref<200x128xi32, #tpu.memory_space<hbm>>
      tpu.enqueue_dma source(%dma_start3A_307 : memref<200x128xi32, #tpu.memory_space<hbm>>) target(%arg5 : memref<200x128xi32, #tpu.memory_space<vmem>>) target_semaphore(%run_scoped3A : memref<!tpu.dma_semaphore, #tpu.memory_space<semaphore_mem>>)
      %dma_wait3A_308 = arith.constant 0 : i32
      %dma_wait3A_309 = tpu.memref_slice %arg3[%mul3A_2, %dma_wait3A_308] : memref<6400x128xi32, #tpu.memory_space<hbm>> -> memref<200x128xi32, #tpu.memory_space<hbm>>
      %dma_wait3A_310 = arith.constant 0 : i32
      %dma_wait3A_311 = tpu.memref_slice %arg3[%mul3A_2, %dma_wait3A_310] : memref<6400x128xi32, #tpu.memory_space<hbm>> -> memref<200x128xi32, #tpu.memory_space<hbm>>
      tpu.wait_dma2 semaphore(%run_scoped3A : memref<!tpu.dma_semaphore, #tpu.memory_space<semaphore_mem>>) src(%dma_wait3A_311 : memref<200x128xi32, #tpu.memory_space<hbm>>) dst(%arg5 : memref<200x128xi32, #tpu.memory_space<vmem>>)
      tpu.yield
    }) : () -> ()
    %iota3A = tpu.iota {dimensions = array<i32: 0>} : vector<16xi32>
    %add3A_3 = arith.constant 0 : i32
    %add3A_4 = vector.broadcast %add3A_3 : i32 to vector<16xi32>
    %add3A_5 = arith.addi %iota3A, %add3A_4 : vector<16xi32>
    %add3A_6 = arith.constant 16 : i32
    %add3A_7 = vector.broadcast %add3A_6 : i32 to vector<16xi32>
    %add3A_8 = arith.addi %iota3A, %add3A_7 : vector<16xi32>
    %add3A_9 = arith.constant 32 : i32
    %add3A_10 = vector.broadcast %add3A_9 : i32 to vector<16xi32>
    %add3A_11 = arith.addi %iota3A, %add3A_10 : vector<16xi32>
    %add3A_12 = arith.constant 48 : i32
    %add3A_13 = vector.broadcast %add3A_12 : i32 to vector<16xi32>
    %add3A_14 = arith.addi %iota3A, %add3A_13 : vector<16xi32>
    %dma_start3A = arith.constant 0 : i32
    %dma_start3A_15 = arith.constant 0 : i32
    %dma_start3A_16 = tpu.memref_slice %arg5[%dma_start3A, %dma_start3A_15] : memref<200x128xi32, #tpu.memory_space<vmem>> -> memref<1x128xi32, #tpu.memory_space<vmem>>
    %dma_start3A_17 = tpu.memref_squeeze %dma_start3A_16 : memref<1x128xi32, #tpu.memory_space<vmem>> -> memref<128xi32, #tpu.memory_space<vmem>>
    %dma_start3A_18 = arith.constant 0 : i32
    %dma_start3A_19 = arith.constant 0 : i32
    %dma_start3A_20 = tpu.memref_slice %arg2[%dma_start3A_18, %dma_start3A_19] : memref<1000000x64xf32, #tpu.memory_space<hbm>> -> memref<1000000x64xf32, #tpu.memory_space<hbm>>
    tpu.enqueue_indirect_dma source(%dma_start3A_20 : memref<1000000x64xf32, #tpu.memory_space<hbm>>) target(%arg6 : memref<128x64xf32, #tpu.memory_space<vmem>>) offsets(%dma_start3A_17 : memref<128xi32, #tpu.memory_space<vmem>>) semaphore(%arg10 : memref<!tpu.dma_semaphore, #tpu.memory_space<semaphore_mem>>)
    %dma_start3A_21 = arith.constant 1 : i32
    %dma_start3A_22 = arith.constant 0 : i32
    %dma_start3A_23 = tpu.memref_slice %arg5[%dma_start3A_21, %dma_start3A_22] : memref<200x128xi32, #tpu.memory_space<vmem>> -> memref<1x128xi32, #tpu.memory_space<vmem>>
    %dma_start3A_24 = tpu.memref_squeeze %dma_start3A_23 : memref<1x128xi32, #tpu.memory_space<vmem>> -> memref<128xi32, #tpu.memory_space<vmem>>
    %dma_start3A_25 = arith.constant 0 : i32
    %dma_start3A_26 = arith.constant 0 : i32
    %dma_start3A_27 = tpu.memref_slice %arg2[%dma_start3A_25, %dma_start3A_26] : memref<1000000x64xf32, #tpu.memory_space<hbm>> -> memref<1000000x64xf32, #tpu.memory_space<hbm>>
    tpu.enqueue_indirect_dma source(%dma_start3A_27 : memref<1000000x64xf32, #tpu.memory_space<hbm>>) target(%arg7 : memref<128x64xf32, #tpu.memory_space<vmem>>) offsets(%dma_start3A_24 : memref<128xi32, #tpu.memory_space<vmem>>) semaphore(%arg11 : memref<!tpu.dma_semaphore, #tpu.memory_space<semaphore_mem>>)
    %scan3A = arith.constant 0 : i32
    %scan3A_28 = arith.constant 0 : i32
    %scan3A_29 = arith.constant 100 : i32
    %scan3A_30 = arith.addi %scan3A_28, %scan3A_29 : i32
    %scan3A_31 = arith.constant 1 : i32
    scf.for %scan3A_304 = %scan3A_28 to %scan3A_30 step %scan3A_31  : i32 {
      %mul3A_305 = arith.constant 2 : i32
      %mul3A_306 = arith.muli %mul3A_305, %scan3A_304 : i32
      %dma_wait3A_307 = arith.constant 0 : i32
      %dma_wait3A_308 = arith.constant 0 : i32
      %dma_wait3A_309 = tpu.memref_slice %arg2[%dma_wait3A_307, %dma_wait3A_308] : memref<1000000x64xf32, #tpu.memory_space<hbm>> -> memref<128x64xf32, #tpu.memory_space<hbm>>
      %dma_wait3A_310 = arith.constant 0 : i32
      %dma_wait3A_311 = arith.constant 0 : i32
      %dma_wait3A_312 = tpu.memref_slice %arg2[%dma_wait3A_310, %dma_wait3A_311] : memref<1000000x64xf32, #tpu.memory_space<hbm>> -> memref<128x64xf32, #tpu.memory_space<hbm>>
      tpu.wait_dma2 semaphore(%arg10 : memref<!tpu.dma_semaphore, #tpu.memory_space<semaphore_mem>>) src(%dma_wait3A_312 : memref<128x64xf32, #tpu.memory_space<hbm>>) dst(%arg6 : memref<128x64xf32, #tpu.memory_space<vmem>>)
      %gt3A = arith.constant 0 : i32
      %gt3A_313 = arith.cmpi sgt, %scan3A_304, %gt3A : i32
      %convert_element_type3A = arith.extui %gt3A_313 : i1 to i32
      %cond3A = arith.constant 0 : i32
      %cond3A_314 = arith.cmpi ne, %convert_element_type3A, %cond3A : i32
      scf.if %cond3A_314 {
        %dma_wait3A_628 = arith.constant 0 : i32
        %dma_wait3A_629 = arith.constant 0 : i32
        %dma_wait3A_630 = arith.constant 0 : i32
        %dma_wait3A_631 = arith.constant 0 : i32
        %dma_wait3A_632 = arith.constant 0 : i32
        %dma_wait3A_633 = tpu.memref_slice %arg8[%dma_wait3A_631, %dma_wait3A_632] : memref<64x137xf32, #tpu.memory_space<vmem>> -> memref<8x128xf32, #tpu.memory_space<vmem>>
        %dma_wait3A_634 = arith.constant 0 : i32
        %dma_wait3A_635 = arith.constant 0 : i32
        %dma_wait3A_636 = tpu.memref_slice %arg4[%dma_wait3A_628, %dma_wait3A_629, %dma_wait3A_630, %dma_wait3A_634, %dma_wait3A_635] : memref<50x8x128x8x128xf32, #tpu.memory_space<hbm>> -> memref<1x1x1x8x128xf32, #tpu.memory_space<hbm>>
        %dma_wait3A_637 = tpu.memref_squeeze %dma_wait3A_636 : memref<1x1x1x8x128xf32, #tpu.memory_space<hbm>> -> memref<8x128xf32, #tpu.memory_space<hbm>>
        %dma_wait3A_638 = arith.constant 0 : i32
        %dma_wait3A_639 = arith.constant 0 : i32
        %dma_wait3A_640 = tpu.memref_slice %arg4[%dma_wait3A_628, %dma_wait3A_629, %dma_wait3A_630, %dma_wait3A_638, %dma_wait3A_639] : memref<50x8x128x8x128xf32, #tpu.memory_space<hbm>> -> memref<1x1x1x8x128xf32, #tpu.memory_space<hbm>>
        %dma_wait3A_641 = tpu.memref_squeeze %dma_wait3A_640 : memref<1x1x1x8x128xf32, #tpu.memory_space<hbm>> -> memref<8x128xf32, #tpu.memory_space<hbm>>
        %dma_wait3A_642 = arith.constant 0 : i32
        %dma_wait3A_643 = arith.constant 0 : i32
        %dma_wait3A_644 = tpu.memref_slice %arg8[%dma_wait3A_642, %dma_wait3A_643] : memref<64x137xf32, #tpu.memory_space<vmem>> -> memref<8x128xf32, #tpu.memory_space<vmem>>
        tpu.wait_dma2 semaphore(%arg12 : memref<!tpu.dma_semaphore, #tpu.memory_space<semaphore_mem>>) src(%dma_wait3A_644 : memref<8x128xf32, #tpu.memory_space<vmem>>) dst(%dma_wait3A_641 : memref<8x128xf32, #tpu.memory_space<hbm>>)
        %dma_wait3A_645 = arith.constant 0 : i32
        %dma_wait3A_646 = arith.constant 1 : i32
        %dma_wait3A_647 = arith.constant 0 : i32
        %dma_wait3A_648 = arith.constant 8 : i32
        %dma_wait3A_649 = arith.constant 0 : i32
        %dma_wait3A_650 = tpu.memref_slice %arg8[%dma_wait3A_648, %dma_wait3A_649] : memref<64x137xf32, #tpu.memory_space<vmem>> -> memref<8x128xf32, #tpu.memory_space<vmem>>
        %dma_wait3A_651 = arith.constant 0 : i32
        %dma_wait3A_652 = arith.constant 0 : i32
        %dma_wait3A_653 = tpu.memref_slice %arg4[%dma_wait3A_645, %dma_wait3A_646, %dma_wait3A_647, %dma_wait3A_651, %dma_wait3A_652] : memref<50x8x128x8x128xf32, #tpu.memory_space<hbm>> -> memref<1x1x1x8x128xf32, #tpu.memory_space<hbm>>
        %dma_wait3A_654 = tpu.memref_squeeze %dma_wait3A_653 : memref<1x1x1x8x128xf32, #tpu.memory_space<hbm>> -> memref<8x128xf32, #tpu.memory_space<hbm>>
        %dma_wait3A_655 = arith.constant 0 : i32
        %dma_wait3A_656 = arith.constant 0 : i32
        %dma_wait3A_657 = tpu.memref_slice %arg4[%dma_wait3A_645, %dma_wait3A_646, %dma_wait3A_647, %dma_wait3A_655, %dma_wait3A_656] : memref<50x8x128x8x128xf32, #tpu.memory_space<hbm>> -> memref<1x1x1x8x128xf32, #tpu.memory_space<hbm>>
        %dma_wait3A_658 = tpu.memref_squeeze %dma_wait3A_657 : memref<1x1x1x8x128xf32, #tpu.memory_space<hbm>> -> memref<8x128xf32, #tpu.memory_space<hbm>>
        %dma_wait3A_659 = arith.constant 8 : i32
        %dma_wait3A_660 = arith.constant 0 : i32
        %dma_wait3A_661 = tpu.memref_slice %arg8[%dma_wait3A_659, %dma_wait3A_660] : memref<64x137xf32, #tpu.memory_space<vmem>> -> memref<8x128xf32, #tpu.memory_space<vmem>>
        tpu.wait_dma2 semaphore(%arg12 : memref<!tpu.dma_semaphore, #tpu.memory_space<semaphore_mem>>) src(%dma_wait3A_661 : memref<8x128xf32, #tpu.memory_space<vmem>>) dst(%dma_wait3A_658 : memref<8x128xf32, #tpu.memory_space<hbm>>)
        %dma_wait3A_662 = arith.constant 0 : i32
        %dma_wait3A_663 = arith.constant 2 : i32
        %dma_wait3A_664 = arith.constant 0 : i32
        %dma_wait3A_665 = arith.constant 16 : i32
        %dma_wait3A_666 = arith.constant 0 : i32
        %dma_wait3A_667 = tpu.memref_slice %arg8[%dma_wait3A_665, %dma_wait3A_666] : memref<64x137xf32, #tpu.memory_space<vmem>> -> memref<8x128xf32, #tpu.memory_space<vmem>>
        %dma_wait3A_668 = arith.constant 0 : i32
        %dma_wait3A_669 = arith.constant 0 : i32
        %dma_wait3A_670 = tpu.memref_slice %arg4[%dma_wait3A_662, %dma_wait3A_663, %dma_wait3A_664, %dma_wait3A_668, %dma_wait3A_669] : memref<50x8x128x8x128xf32, #tpu.memory_space<hbm>> -> memref<1x1x1x8x128xf32, #tpu.memory_space<hbm>>
        %dma_wait3A_671 = tpu.memref_squeeze %dma_wait3A_670 : memref<1x1x1x8x128xf32, #tpu.memory_space<hbm>> -> memref<8x128xf32, #tpu.memory_space<hbm>>
        %dma_wait3A_672 = arith.constant 0 : i32
        %dma_wait3A_673 = arith.constant 0 : i32
        %dma_wait3A_674 = tpu.memref_slice %arg4[%dma_wait3A_662, %dma_wait3A_663, %dma_wait3A_664, %dma_wait3A_672, %dma_wait3A_673] : memref<50x8x128x8x128xf32, #tpu.memory_space<hbm>> -> memref<1x1x1x8x128xf32, #tpu.memory_space<hbm>>
        %dma_wait3A_675 = tpu.memref_squeeze %dma_wait3A_674 : memref<1x1x1x8x128xf32, #tpu.memory_space<hbm>> -> memref<8x128xf32, #tpu.memory_space<hbm>>
        %dma_wait3A_676 = arith.constant 16 : i32
        %dma_wait3A_677 = arith.constant 0 : i32
        %dma_wait3A_678 = tpu.memref_slice %arg8[%dma_wait3A_676, %dma_wait3A_677] : memref<64x137xf32, #tpu.memory_space<vmem>> -> memref<8x128xf32, #tpu.memory_space<vmem>>
        tpu.wait_dma2 semaphore(%arg12 : memref<!tpu.dma_semaphore, #tpu.memory_space<semaphore_mem>>) src(%dma_wait3A_678 : memref<8x128xf32, #tpu.memory_space<vmem>>) dst(%dma_wait3A_675 : memref<8x128xf32, #tpu.memory_space<hbm>>)
        %dma_wait3A_679 = arith.constant 0 : i32
        %dma_wait3A_680 = arith.constant 3 : i32
        %dma_wait3A_681 = arith.constant 0 : i32
        %dma_wait3A_682 = arith.constant 24 : i32
        %dma_wait3A_683 = arith.constant 0 : i32
        %dma_wait3A_684 = tpu.memref_slice %arg8[%dma_wait3A_682, %dma_wait3A_683] : memref<64x137xf32, #tpu.memory_space<vmem>> -> memref<8x128xf32, #tpu.memory_space<vmem>>
        %dma_wait3A_685 = arith.constant 0 : i32
        %dma_wait3A_686 = arith.constant 0 : i32
        %dma_wait3A_687 = tpu.memref_slice %arg4[%dma_wait3A_679, %dma_wait3A_680, %dma_wait3A_681, %dma_wait3A_685, %dma_wait3A_686] : memref<50x8x128x8x128xf32, #tpu.memory_space<hbm>> -> memref<1x1x1x8x128xf32, #tpu.memory_space<hbm>>
        %dma_wait3A_688 = tpu.memref_squeeze %dma_wait3A_687 : memref<1x1x1x8x128xf32, #tpu.memory_space<hbm>> -> memref<8x128xf32, #tpu.memory_space<hbm>>
        %dma_wait3A_689 = arith.constant 0 : i32
        %dma_wait3A_690 = arith.constant 0 : i32
        %dma_wait3A_691 = tpu.memref_slice %arg4[%dma_wait3A_679, %dma_wait3A_680, %dma_wait3A_681, %dma_wait3A_689, %dma_wait3A_690] : memref<50x8x128x8x128xf32, #tpu.memory_space<hbm>> -> memref<1x1x1x8x128xf32, #tpu.memory_space<hbm>>
        %dma_wait3A_692 = tpu.memref_squeeze %dma_wait3A_691 : memref<1x1x1x8x128xf32, #tpu.memory_space<hbm>> -> memref<8x128xf32, #tpu.memory_space<hbm>>
        %dma_wait3A_693 = arith.constant 24 : i32
        %dma_wait3A_694 = arith.constant 0 : i32
        %dma_wait3A_695 = tpu.memref_slice %arg8[%dma_wait3A_693, %dma_wait3A_694] : memref<64x137xf32, #tpu.memory_space<vmem>> -> memref<8x128xf32, #tpu.memory_space<vmem>>
        tpu.wait_dma2 semaphore(%arg12 : memref<!tpu.dma_semaphore, #tpu.memory_space<semaphore_mem>>) src(%dma_wait3A_695 : memref<8x128xf32, #tpu.memory_space<vmem>>) dst(%dma_wait3A_692 : memref<8x128xf32, #tpu.memory_space<hbm>>)
        %dma_wait3A_696 = arith.constant 0 : i32
        %dma_wait3A_697 = arith.constant 4 : i32
        %dma_wait3A_698 = arith.constant 0 : i32
        %dma_wait3A_699 = arith.constant 32 : i32
        %dma_wait3A_700 = arith.constant 0 : i32
        %dma_wait3A_701 = tpu.memref_slice %arg8[%dma_wait3A_699, %dma_wait3A_700] : memref<64x137xf32, #tpu.memory_space<vmem>> -> memref<8x128xf32, #tpu.memory_space<vmem>>
        %dma_wait3A_702 = arith.constant 0 : i32
        %dma_wait3A_703 = arith.constant 0 : i32
        %dma_wait3A_704 = tpu.memref_slice %arg4[%dma_wait3A_696, %dma_wait3A_697, %dma_wait3A_698, %dma_wait3A_702, %dma_wait3A_703] : memref<50x8x128x8x128xf32, #tpu.memory_space<hbm>> -> memref<1x1x1x8x128xf32, #tpu.memory_space<hbm>>
        %dma_wait3A_705 = tpu.memref_squeeze %dma_wait3A_704 : memref<1x1x1x8x128xf32, #tpu.memory_space<hbm>> -> memref<8x128xf32, #tpu.memory_space<hbm>>
        %dma_wait3A_706 = arith.constant 0 : i32
        %dma_wait3A_707 = arith.constant 0 : i32
        %dma_wait3A_708 = tpu.memref_slice %arg4[%dma_wait3A_696, %dma_wait3A_697, %dma_wait3A_698, %dma_wait3A_706, %dma_wait3A_707] : memref<50x8x128x8x128xf32, #tpu.memory_space<hbm>> -> memref<1x1x1x8x128xf32, #tpu.memory_space<hbm>>
        %dma_wait3A_709 = tpu.memref_squeeze %dma_wait3A_708 : memref<1x1x1x8x128xf32, #tpu.memory_space<hbm>> -> memref<8x128xf32, #tpu.memory_space<hbm>>
        %dma_wait3A_710 = arith.constant 32 : i32
        %dma_wait3A_711 = arith.constant 0 : i32
        %dma_wait3A_712 = tpu.memref_slice %arg8[%dma_wait3A_710, %dma_wait3A_711] : memref<64x137xf32, #tpu.memory_space<vmem>> -> memref<8x128xf32, #tpu.memory_space<vmem>>
        tpu.wait_dma2 semaphore(%arg12 : memref<!tpu.dma_semaphore, #tpu.memory_space<semaphore_mem>>) src(%dma_wait3A_712 : memref<8x128xf32, #tpu.memory_space<vmem>>) dst(%dma_wait3A_709 : memref<8x128xf32, #tpu.memory_space<hbm>>)
        %dma_wait3A_713 = arith.constant 0 : i32
        %dma_wait3A_714 = arith.constant 5 : i32
        %dma_wait3A_715 = arith.constant 0 : i32
        %dma_wait3A_716 = arith.constant 40 : i32
        %dma_wait3A_717 = arith.constant 0 : i32
        %dma_wait3A_718 = tpu.memref_slice %arg8[%dma_wait3A_716, %dma_wait3A_717] : memref<64x137xf32, #tpu.memory_space<vmem>> -> memref<8x128xf32, #tpu.memory_space<vmem>>
        %dma_wait3A_719 = arith.constant 0 : i32
        %dma_wait3A_720 = arith.constant 0 : i32
        %dma_wait3A_721 = tpu.memref_slice %arg4[%dma_wait3A_713, %dma_wait3A_714, %dma_wait3A_715, %dma_wait3A_719, %dma_wait3A_720] : memref<50x8x128x8x128xf32, #tpu.memory_space<hbm>> -> memref<1x1x1x8x128xf32, #tpu.memory_space<hbm>>
        %dma_wait3A_722 = tpu.memref_squeeze %dma_wait3A_721 : memref<1x1x1x8x128xf32, #tpu.memory_space<hbm>> -> memref<8x128xf32, #tpu.memory_space<hbm>>
        %dma_wait3A_723 = arith.constant 0 : i32
        %dma_wait3A_724 = arith.constant 0 : i32
        %dma_wait3A_725 = tpu.memref_slice %arg4[%dma_wait3A_713, %dma_wait3A_714, %dma_wait3A_715, %dma_wait3A_723, %dma_wait3A_724] : memref<50x8x128x8x128xf32, #tpu.memory_space<hbm>> -> memref<1x1x1x8x128xf32, #tpu.memory_space<hbm>>
        %dma_wait3A_726 = tpu.memref_squeeze %dma_wait3A_725 : memref<1x1x1x8x128xf32, #tpu.memory_space<hbm>> -> memref<8x128xf32, #tpu.memory_space<hbm>>
        %dma_wait3A_727 = arith.constant 40 : i32
        %dma_wait3A_728 = arith.constant 0 : i32
        %dma_wait3A_729 = tpu.memref_slice %arg8[%dma_wait3A_727, %dma_wait3A_728] : memref<64x137xf32, #tpu.memory_space<vmem>> -> memref<8x128xf32, #tpu.memory_space<vmem>>
        tpu.wait_dma2 semaphore(%arg12 : memref<!tpu.dma_semaphore, #tpu.memory_space<semaphore_mem>>) src(%dma_wait3A_729 : memref<8x128xf32, #tpu.memory_space<vmem>>) dst(%dma_wait3A_726 : memref<8x128xf32, #tpu.memory_space<hbm>>)
        %dma_wait3A_730 = arith.constant 0 : i32
        %dma_wait3A_731 = arith.constant 6 : i32
        %dma_wait3A_732 = arith.constant 0 : i32
        %dma_wait3A_733 = arith.constant 48 : i32
        %dma_wait3A_734 = arith.constant 0 : i32
        %dma_wait3A_735 = tpu.memref_slice %arg8[%dma_wait3A_733, %dma_wait3A_734] : memref<64x137xf32, #tpu.memory_space<vmem>> -> memref<8x128xf32, #tpu.memory_space<vmem>>
        %dma_wait3A_736 = arith.constant 0 : i32
        %dma_wait3A_737 = arith.constant 0 : i32
        %dma_wait3A_738 = tpu.memref_slice %arg4[%dma_wait3A_730, %dma_wait3A_731, %dma_wait3A_732, %dma_wait3A_736, %dma_wait3A_737] : memref<50x8x128x8x128xf32, #tpu.memory_space<hbm>> -> memref<1x1x1x8x128xf32, #tpu.memory_space<hbm>>
        %dma_wait3A_739 = tpu.memref_squeeze %dma_wait3A_738 : memref<1x1x1x8x128xf32, #tpu.memory_space<hbm>> -> memref<8x128xf32, #tpu.memory_space<hbm>>
        %dma_wait3A_740 = arith.constant 0 : i32
        %dma_wait3A_741 = arith.constant 0 : i32
        %dma_wait3A_742 = tpu.memref_slice %arg4[%dma_wait3A_730, %dma_wait3A_731, %dma_wait3A_732, %dma_wait3A_740, %dma_wait3A_741] : memref<50x8x128x8x128xf32, #tpu.memory_space<hbm>> -> memref<1x1x1x8x128xf32, #tpu.memory_space<hbm>>
        %dma_wait3A_743 = tpu.memref_squeeze %dma_wait3A_742 : memref<1x1x1x8x128xf32, #tpu.memory_space<hbm>> -> memref<8x128xf32, #tpu.memory_space<hbm>>
        %dma_wait3A_744 = arith.constant 48 : i32
        %dma_wait3A_745 = arith.constant 0 : i32
        %dma_wait3A_746 = tpu.memref_slice %arg8[%dma_wait3A_744, %dma_wait3A_745] : memref<64x137xf32, #tpu.memory_space<vmem>> -> memref<8x128xf32, #tpu.memory_space<vmem>>
        tpu.wait_dma2 semaphore(%arg12 : memref<!tpu.dma_semaphore, #tpu.memory_space<semaphore_mem>>) src(%dma_wait3A_746 : memref<8x128xf32, #tpu.memory_space<vmem>>) dst(%dma_wait3A_743 : memref<8x128xf32, #tpu.memory_space<hbm>>)
        %dma_wait3A_747 = arith.constant 0 : i32
        %dma_wait3A_748 = arith.constant 7 : i32
        %dma_wait3A_749 = arith.constant 0 : i32
        %dma_wait3A_750 = arith.constant 56 : i32
        %dma_wait3A_751 = arith.constant 0 : i32
        %dma_wait3A_752 = tpu.memref_slice %arg8[%dma_wait3A_750, %dma_wait3A_751] : memref<64x137xf32, #tpu.memory_space<vmem>> -> memref<8x128xf32, #tpu.memory_space<vmem>>
        %dma_wait3A_753 = arith.constant 0 : i32
        %dma_wait3A_754 = arith.constant 0 : i32
        %dma_wait3A_755 = tpu.memref_slice %arg4[%dma_wait3A_747, %dma_wait3A_748, %dma_wait3A_749, %dma_wait3A_753, %dma_wait3A_754] : memref<50x8x128x8x128xf32, #tpu.memory_space<hbm>> -> memref<1x1x1x8x128xf32, #tpu.memory_space<hbm>>
        %dma_wait3A_756 = tpu.memref_squeeze %dma_wait3A_755 : memref<1x1x1x8x128xf32, #tpu.memory_space<hbm>> -> memref<8x128xf32, #tpu.memory_space<hbm>>
        %dma_wait3A_757 = arith.constant 0 : i32
        %dma_wait3A_758 = arith.constant 0 : i32
        %dma_wait3A_759 = tpu.memref_slice %arg4[%dma_wait3A_747, %dma_wait3A_748, %dma_wait3A_749, %dma_wait3A_757, %dma_wait3A_758] : memref<50x8x128x8x128xf32, #tpu.memory_space<hbm>> -> memref<1x1x1x8x128xf32, #tpu.memory_space<hbm>>
        %dma_wait3A_760 = tpu.memref_squeeze %dma_wait3A_759 : memref<1x1x1x8x128xf32, #tpu.memory_space<hbm>> -> memref<8x128xf32, #tpu.memory_space<hbm>>
        %dma_wait3A_761 = arith.constant 56 : i32
        %dma_wait3A_762 = arith.constant 0 : i32
        %dma_wait3A_763 = tpu.memref_slice %arg8[%dma_wait3A_761, %dma_wait3A_762] : memref<64x137xf32, #tpu.memory_space<vmem>> -> memref<8x128xf32, #tpu.memory_space<vmem>>
        tpu.wait_dma2 semaphore(%arg12 : memref<!tpu.dma_semaphore, #tpu.memory_space<semaphore_mem>>) src(%dma_wait3A_763 : memref<8x128xf32, #tpu.memory_space<vmem>>) dst(%dma_wait3A_760 : memref<8x128xf32, #tpu.memory_space<hbm>>)
      } else {
      }
      %parallel_loop3A = arith.constant 0 : i32
      %parallel_loop3A_315 = arith.constant 128 : i32
      %parallel_loop3A_316 = arith.constant 1 : i32
      scf.for %parallel_loop3A_628 = %parallel_loop3A to %parallel_loop3A_315 step %parallel_loop3A_316  : i32 {
        %parallel_loop3A_629 = arith.constant 0 : i32
        %parallel_loop3A_630 = vector.broadcast %parallel_loop3A_629 : i32 to vector<16xi32>
        %parallel_loop3A_631 = vector.broadcast %parallel_loop3A_628 : i32 to vector<16xi32>
        %parallel_loop3A_632 = arith.addi %parallel_loop3A_630, %parallel_loop3A_631 : vector<16xi32>
        %parallel_loop3A_633 = arith.index_cast %parallel_loop3A_628 : i32 to index
        %parallel_loop3A_634 = arith.constant 0 : index
        %parallel_loop3A_635 = tpu.vector_load %arg6[%parallel_loop3A_633, %parallel_loop3A_634] {strides = array<i32>} : memref<128x64xf32, #tpu.memory_space<vmem>>, vector<16xf32>,
        tpu.vector_store_idx %arg8[%add3A_5, %parallel_loop3A_632], %parallel_loop3A_635 : memref<64x137xf32, #tpu.memory_space<vmem>>[vector<16xi32>, vector<16xi32>], vector<16xf32>,
        %parallel_loop3A_636 = arith.index_cast %parallel_loop3A_628 : i32 to index
        %parallel_loop3A_637 = arith.constant 16 : index
        %parallel_loop3A_638 = tpu.vector_load %arg6[%parallel_loop3A_636, %parallel_loop3A_637] {strides = array<i32>} : memref<128x64xf32, #tpu.memory_space<vmem>>, vector<16xf32>,
        tpu.vector_store_idx %arg8[%add3A_8, %parallel_loop3A_632], %parallel_loop3A_638 : memref<64x137xf32, #tpu.memory_space<vmem>>[vector<16xi32>, vector<16xi32>], vector<16xf32>,
        %parallel_loop3A_639 = arith.index_cast %parallel_loop3A_628 : i32 to index
        %parallel_loop3A_640 = arith.constant 32 : index
        %parallel_loop3A_641 = tpu.vector_load %arg6[%parallel_loop3A_639, %parallel_loop3A_640] {strides = array<i32>} : memref<128x64xf32, #tpu.memory_space<vmem>>, vector<16xf32>,
        tpu.vector_store_idx %arg8[%add3A_11, %parallel_loop3A_632], %parallel_loop3A_641 : memref<64x137xf32, #tpu.memory_space<vmem>>[vector<16xi32>, vector<16xi32>], vector<16xf32>,
        %parallel_loop3A_642 = arith.index_cast %parallel_loop3A_628 : i32 to index
        %parallel_loop3A_643 = arith.constant 48 : index
        %parallel_loop3A_644 = tpu.vector_load %arg6[%parallel_loop3A_642, %parallel_loop3A_643] {strides = array<i32>} : memref<128x64xf32, #tpu.memory_space<vmem>>, vector<16xf32>,
        tpu.vector_store_idx %arg8[%add3A_14, %parallel_loop3A_632], %parallel_loop3A_644 : memref<64x137xf32, #tpu.memory_space<vmem>>[vector<16xi32>, vector<16xi32>], vector<16xf32>,
      } {sc.loop_unroll_factor = 16 : i64, sc.parallel_access}
      %add3A_317 = arith.addi %mul3A_2, %mul3A_306 : i32
      %jit3A = arith.constant 128 : i32
      %div3A = arith.divsi %add3A_317, %jit3A : i32
      %sign3A = arith.constant 0 : i32
      %sign3A_318 = arith.cmpi sgt, %add3A_317, %sign3A : i32
      %sign3A_319 = arith.extui %sign3A_318 : i1 to i32
      %sign3A_320 = arith.constant 0 : i32
      %sign3A_321 = arith.cmpi slt, %add3A_317, %sign3A_320 : i32
      %sign3A_322 = arith.extui %sign3A_321 : i1 to i32
      %sign3A_323 = arith.subi %sign3A_319, %sign3A_322 : i32
      %sign3A_324 = arith.constant 0 : i32
      %sign3A_325 = arith.cmpi sgt, %jit3A, %sign3A_324 : i32
      %sign3A_326 = arith.extui %sign3A_325 : i1 to i32
      %sign3A_327 = arith.constant 0 : i32
      %sign3A_328 = arith.cmpi slt, %jit3A, %sign3A_327 : i32
      %sign3A_329 = arith.extui %sign3A_328 : i1 to i32
      %sign3A_330 = arith.subi %sign3A_326, %sign3A_329 : i32
      %ne3A = arith.cmpi ne, %sign3A_323, %sign3A_330 : i32
      %rem3A = arith.remsi %add3A_317, %jit3A : i32
      %ne3A_331 = arith.constant 0 : i32
      %ne3A_332 = arith.cmpi ne, %rem3A, %ne3A_331 : i32
      %and3A = arith.andi %ne3A, %ne3A_332 : i1
      %sub3A = arith.constant 1 : i32
      %sub3A_333 = arith.subi %div3A, %sub3A : i32
      %select_n3A = arith.select %and3A, %sub3A_333, %div3A : i32
      %rem3A_334 = arith.constant 128 : i32
      %rem3A_335 = arith.remsi %add3A_317, %rem3A_334 : i32
      %dma_start3A_336 = arith.constant 0 : i32
      %dma_start3A_337 = arith.constant 0 : i32
      %dma_start3A_338 = arith.constant 0 : i32
      %dma_start3A_339 = tpu.memref_slice %arg8[%dma_start3A_337, %dma_start3A_338] : memref<64x137xf32, #tpu.memory_space<vmem>> -> memref<8x128xf32, #tpu.memory_space<vmem>>
      %dma_start3A_340 = arith.constant 0 : i32
      %dma_start3A_341 = arith.constant 0 : i32
      %dma_start3A_342 = tpu.memref_slice %arg4[%select_n3A, %dma_start3A_336, %rem3A_335, %dma_start3A_340, %dma_start3A_341] : memref<50x8x128x8x128xf32, #tpu.memory_space<hbm>> -> memref<1x1x1x8x128xf32, #tpu.memory_space<hbm>>
      %dma_start3A_343 = tpu.memref_squeeze %dma_start3A_342 : memref<1x1x1x8x128xf32, #tpu.memory_space<hbm>> -> memref<8x128xf32, #tpu.memory_space<hbm>>
      %dma_start3A_344 = arith.constant 0 : i32
      %dma_start3A_345 = arith.constant 0 : i32
      %dma_start3A_346 = tpu.memref_slice %arg4[%select_n3A, %dma_start3A_336, %rem3A_335, %dma_start3A_344, %dma_start3A_345] : memref<50x8x128x8x128xf32, #tpu.memory_space<hbm>> -> memref<1x1x1x8x128xf32, #tpu.memory_space<hbm>>
      %dma_start3A_347 = tpu.memref_squeeze %dma_start3A_346 : memref<1x1x1x8x128xf32, #tpu.memory_space<hbm>> -> memref<8x128xf32, #tpu.memory_space<hbm>>
      %dma_start3A_348 = arith.constant 0 : i32
      %dma_start3A_349 = arith.constant 0 : i32
      %dma_start3A_350 = tpu.memref_slice %arg8[%dma_start3A_348, %dma_start3A_349] : memref<64x137xf32, #tpu.memory_space<vmem>> -> memref<8x128xf32, #tpu.memory_space<vmem>>
      tpu.enqueue_dma source(%dma_start3A_350 : memref<8x128xf32, #tpu.memory_space<vmem>>) target(%dma_start3A_347 : memref<8x128xf32, #tpu.memory_space<hbm>>) target_semaphore(%arg12 : memref<!tpu.dma_semaphore, #tpu.memory_space<semaphore_mem>>)
      %dma_start3A_351 = arith.constant 1 : i32
      %dma_start3A_352 = arith.constant 8 : i32
      %dma_start3A_353 = arith.constant 0 : i32
      %dma_start3A_354 = tpu.memref_slice %arg8[%dma_start3A_352, %dma_start3A_353] : memref<64x137xf32, #tpu.memory_space<vmem>> -> memref<8x128xf32, #tpu.memory_space<vmem>>
      %dma_start3A_355 = arith.constant 0 : i32
      %dma_start3A_356 = arith.constant 0 : i32
      %dma_start3A_357 = tpu.memref_slice %arg4[%select_n3A, %dma_start3A_351, %rem3A_335, %dma_start3A_355, %dma_start3A_356] : memref<50x8x128x8x128xf32, #tpu.memory_space<hbm>> -> memref<1x1x1x8x128xf32, #tpu.memory_space<hbm>>
      %dma_start3A_358 = tpu.memref_squeeze %dma_start3A_357 : memref<1x1x1x8x128xf32, #tpu.memory_space<hbm>> -> memref<8x128xf32, #tpu.memory_space<hbm>>
      %dma_start3A_359 = arith.constant 0 : i32
      %dma_start3A_360 = arith.constant 0 : i32
      %dma_start3A_361 = tpu.memref_slice %arg4[%select_n3A, %dma_start3A_351, %rem3A_335, %dma_start3A_359, %dma_start3A_360] : memref<50x8x128x8x128xf32, #tpu.memory_space<hbm>> -> memref<1x1x1x8x128xf32, #tpu.memory_space<hbm>>
      %dma_start3A_362 = tpu.memref_squeeze %dma_start3A_361 : memref<1x1x1x8x128xf32, #tpu.memory_space<hbm>> -> memref<8x128xf32, #tpu.memory_space<hbm>>
      %dma_start3A_363 = arith.constant 8 : i32
      %dma_start3A_364 = arith.constant 0 : i32
      %dma_start3A_365 = tpu.memref_slice %arg8[%dma_start3A_363, %dma_start3A_364] : memref<64x137xf32, #tpu.memory_space<vmem>> -> memref<8x128xf32, #tpu.memory_space<vmem>>
      tpu.enqueue_dma source(%dma_start3A_365 : memref<8x128xf32, #tpu.memory_space<vmem>>) target(%dma_start3A_362 : memref<8x128xf32, #tpu.memory_space<hbm>>) target_semaphore(%arg12 : memref<!tpu.dma_semaphore, #tpu.memory_space<semaphore_mem>>)
      %dma_start3A_366 = arith.constant 2 : i32
      %dma_start3A_367 = arith.constant 16 : i32
      %dma_start3A_368 = arith.constant 0 : i32
      %dma_start3A_369 = tpu.memref_slice %arg8[%dma_start3A_367, %dma_start3A_368] : memref<64x137xf32, #tpu.memory_space<vmem>> -> memref<8x128xf32, #tpu.memory_space<vmem>>
      %dma_start3A_370 = arith.constant 0 : i32
      %dma_start3A_371 = arith.constant 0 : i32
      %dma_start3A_372 = tpu.memref_slice %arg4[%select_n3A, %dma_start3A_366, %rem3A_335, %dma_start3A_370, %dma_start3A_371] : memref<50x8x128x8x128xf32, #tpu.memory_space<hbm>> -> memref<1x1x1x8x128xf32, #tpu.memory_space<hbm>>
      %dma_start3A_373 = tpu.memref_squeeze %dma_start3A_372 : memref<1x1x1x8x128xf32, #tpu.memory_space<hbm>> -> memref<8x128xf32, #tpu.memory_space<hbm>>
      %dma_start3A_374 = arith.constant 0 : i32
      %dma_start3A_375 = arith.constant 0 : i32
      %dma_start3A_376 = tpu.memref_slice %arg4[%select_n3A, %dma_start3A_366, %rem3A_335, %dma_start3A_374, %dma_start3A_375] : memref<50x8x128x8x128xf32, #tpu.memory_space<hbm>> -> memref<1x1x1x8x128xf32, #tpu.memory_space<hbm>>
      %dma_start3A_377 = tpu.memref_squeeze %dma_start3A_376 : memref<1x1x1x8x128xf32, #tpu.memory_space<hbm>> -> memref<8x128xf32, #tpu.memory_space<hbm>>
      %dma_start3A_378 = arith.constant 16 : i32
      %dma_start3A_379 = arith.constant 0 : i32
      %dma_start3A_380 = tpu.memref_slice %arg8[%dma_start3A_378, %dma_start3A_379] : memref<64x137xf32, #tpu.memory_space<vmem>> -> memref<8x128xf32, #tpu.memory_space<vmem>>
      tpu.enqueue_dma source(%dma_start3A_380 : memref<8x128xf32, #tpu.memory_space<vmem>>) target(%dma_start3A_377 : memref<8x128xf32, #tpu.memory_space<hbm>>) target_semaphore(%arg12 : memref<!tpu.dma_semaphore, #tpu.memory_space<semaphore_mem>>)
      %dma_start3A_381 = arith.constant 3 : i32
      %dma_start3A_382 = arith.constant 24 : i32
      %dma_start3A_383 = arith.constant 0 : i32
      %dma_start3A_384 = tpu.memref_slice %arg8[%dma_start3A_382, %dma_start3A_383] : memref<64x137xf32, #tpu.memory_space<vmem>> -> memref<8x128xf32, #tpu.memory_space<vmem>>
      %dma_start3A_385 = arith.constant 0 : i32
      %dma_start3A_386 = arith.constant 0 : i32
      %dma_start3A_387 = tpu.memref_slice %arg4[%select_n3A, %dma_start3A_381, %rem3A_335, %dma_start3A_385, %dma_start3A_386] : memref<50x8x128x8x128xf32, #tpu.memory_space<hbm>> -> memref<1x1x1x8x128xf32, #tpu.memory_space<hbm>>
      %dma_start3A_388 = tpu.memref_squeeze %dma_start3A_387 : memref<1x1x1x8x128xf32, #tpu.memory_space<hbm>> -> memref<8x128xf32, #tpu.memory_space<hbm>>
      %dma_start3A_389 = arith.constant 0 : i32
      %dma_start3A_390 = arith.constant 0 : i32
      %dma_start3A_391 = tpu.memref_slice %arg4[%select_n3A, %dma_start3A_381, %rem3A_335, %dma_start3A_389, %dma_start3A_390] : memref<50x8x128x8x128xf32, #tpu.memory_space<hbm>> -> memref<1x1x1x8x128xf32, #tpu.memory_space<hbm>>
      %dma_start3A_392 = tpu.memref_squeeze %dma_start3A_391 : memref<1x1x1x8x128xf32, #tpu.memory_space<hbm>> -> memref<8x128xf32, #tpu.memory_space<hbm>>
      %dma_start3A_393 = arith.constant 24 : i32
      %dma_start3A_394 = arith.constant 0 : i32
      %dma_start3A_395 = tpu.memref_slice %arg8[%dma_start3A_393, %dma_start3A_394] : memref<64x137xf32, #tpu.memory_space<vmem>> -> memref<8x128xf32, #tpu.memory_space<vmem>>
      tpu.enqueue_dma source(%dma_start3A_395 : memref<8x128xf32, #tpu.memory_space<vmem>>) target(%dma_start3A_392 : memref<8x128xf32, #tpu.memory_space<hbm>>) target_semaphore(%arg12 : memref<!tpu.dma_semaphore, #tpu.memory_space<semaphore_mem>>)
      %dma_start3A_396 = arith.constant 4 : i32
      %dma_start3A_397 = arith.constant 32 : i32
      %dma_start3A_398 = arith.constant 0 : i32
      %dma_start3A_399 = tpu.memref_slice %arg8[%dma_start3A_397, %dma_start3A_398] : memref<64x137xf32, #tpu.memory_space<vmem>> -> memref<8x128xf32, #tpu.memory_space<vmem>>
      %dma_start3A_400 = arith.constant 0 : i32
      %dma_start3A_401 = arith.constant 0 : i32
      %dma_start3A_402 = tpu.memref_slice %arg4[%select_n3A, %dma_start3A_396, %rem3A_335, %dma_start3A_400, %dma_start3A_401] : memref<50x8x128x8x128xf32, #tpu.memory_space<hbm>> -> memref<1x1x1x8x128xf32, #tpu.memory_space<hbm>>
      %dma_start3A_403 = tpu.memref_squeeze %dma_start3A_402 : memref<1x1x1x8x128xf32, #tpu.memory_space<hbm>> -> memref<8x128xf32, #tpu.memory_space<hbm>>
      %dma_start3A_404 = arith.constant 0 : i32
      %dma_start3A_405 = arith.constant 0 : i32
      %dma_start3A_406 = tpu.memref_slice %arg4[%select_n3A, %dma_start3A_396, %rem3A_335, %dma_start3A_404, %dma_start3A_405] : memref<50x8x128x8x128xf32, #tpu.memory_space<hbm>> -> memref<1x1x1x8x128xf32, #tpu.memory_space<hbm>>
      %dma_start3A_407 = tpu.memref_squeeze %dma_start3A_406 : memref<1x1x1x8x128xf32, #tpu.memory_space<hbm>> -> memref<8x128xf32, #tpu.memory_space<hbm>>
      %dma_start3A_408 = arith.constant 32 : i32
      %dma_start3A_409 = arith.constant 0 : i32
      %dma_start3A_410 = tpu.memref_slice %arg8[%dma_start3A_408, %dma_start3A_409] : memref<64x137xf32, #tpu.memory_space<vmem>> -> memref<8x128xf32, #tpu.memory_space<vmem>>
      tpu.enqueue_dma source(%dma_start3A_410 : memref<8x128xf32, #tpu.memory_space<vmem>>) target(%dma_start3A_407 : memref<8x128xf32, #tpu.memory_space<hbm>>) target_semaphore(%arg12 : memref<!tpu.dma_semaphore, #tpu.memory_space<semaphore_mem>>)
      %dma_start3A_411 = arith.constant 5 : i32
      %dma_start3A_412 = arith.constant 40 : i32
      %dma_start3A_413 = arith.constant 0 : i32
      %dma_start3A_414 = tpu.memref_slice %arg8[%dma_start3A_412, %dma_start3A_413] : memref<64x137xf32, #tpu.memory_space<vmem>> -> memref<8x128xf32, #tpu.memory_space<vmem>>
      %dma_start3A_415 = arith.constant 0 : i32
      %dma_start3A_416 = arith.constant 0 : i32
      %dma_start3A_417 = tpu.memref_slice %arg4[%select_n3A, %dma_start3A_411, %rem3A_335, %dma_start3A_415, %dma_start3A_416] : memref<50x8x128x8x128xf32, #tpu.memory_space<hbm>> -> memref<1x1x1x8x128xf32, #tpu.memory_space<hbm>>
      %dma_start3A_418 = tpu.memref_squeeze %dma_start3A_417 : memref<1x1x1x8x128xf32, #tpu.memory_space<hbm>> -> memref<8x128xf32, #tpu.memory_space<hbm>>
      %dma_start3A_419 = arith.constant 0 : i32
      %dma_start3A_420 = arith.constant 0 : i32
      %dma_start3A_421 = tpu.memref_slice %arg4[%select_n3A, %dma_start3A_411, %rem3A_335, %dma_start3A_419, %dma_start3A_420] : memref<50x8x128x8x128xf32, #tpu.memory_space<hbm>> -> memref<1x1x1x8x128xf32, #tpu.memory_space<hbm>>
      %dma_start3A_422 = tpu.memref_squeeze %dma_start3A_421 : memref<1x1x1x8x128xf32, #tpu.memory_space<hbm>> -> memref<8x128xf32, #tpu.memory_space<hbm>>
      %dma_start3A_423 = arith.constant 40 : i32
      %dma_start3A_424 = arith.constant 0 : i32
      %dma_start3A_425 = tpu.memref_slice %arg8[%dma_start3A_423, %dma_start3A_424] : memref<64x137xf32, #tpu.memory_space<vmem>> -> memref<8x128xf32, #tpu.memory_space<vmem>>
      tpu.enqueue_dma source(%dma_start3A_425 : memref<8x128xf32, #tpu.memory_space<vmem>>) target(%dma_start3A_422 : memref<8x128xf32, #tpu.memory_space<hbm>>) target_semaphore(%arg12 : memref<!tpu.dma_semaphore, #tpu.memory_space<semaphore_mem>>)
      %dma_start3A_426 = arith.constant 6 : i32
      %dma_start3A_427 = arith.constant 48 : i32
      %dma_start3A_428 = arith.constant 0 : i32
      %dma_start3A_429 = tpu.memref_slice %arg8[%dma_start3A_427, %dma_start3A_428] : memref<64x137xf32, #tpu.memory_space<vmem>> -> memref<8x128xf32, #tpu.memory_space<vmem>>
      %dma_start3A_430 = arith.constant 0 : i32
      %dma_start3A_431 = arith.constant 0 : i32
      %dma_start3A_432 = tpu.memref_slice %arg4[%select_n3A, %dma_start3A_426, %rem3A_335, %dma_start3A_430, %dma_start3A_431] : memref<50x8x128x8x128xf32, #tpu.memory_space<hbm>> -> memref<1x1x1x8x128xf32, #tpu.memory_space<hbm>>
      %dma_start3A_433 = tpu.memref_squeeze %dma_start3A_432 : memref<1x1x1x8x128xf32, #tpu.memory_space<hbm>> -> memref<8x128xf32, #tpu.memory_space<hbm>>
      %dma_start3A_434 = arith.constant 0 : i32
      %dma_start3A_435 = arith.constant 0 : i32
      %dma_start3A_436 = tpu.memref_slice %arg4[%select_n3A, %dma_start3A_426, %rem3A_335, %dma_start3A_434, %dma_start3A_435] : memref<50x8x128x8x128xf32, #tpu.memory_space<hbm>> -> memref<1x1x1x8x128xf32, #tpu.memory_space<hbm>>
      %dma_start3A_437 = tpu.memref_squeeze %dma_start3A_436 : memref<1x1x1x8x128xf32, #tpu.memory_space<hbm>> -> memref<8x128xf32, #tpu.memory_space<hbm>>
      %dma_start3A_438 = arith.constant 48 : i32
      %dma_start3A_439 = arith.constant 0 : i32
      %dma_start3A_440 = tpu.memref_slice %arg8[%dma_start3A_438, %dma_start3A_439] : memref<64x137xf32, #tpu.memory_space<vmem>> -> memref<8x128xf32, #tpu.memory_space<vmem>>
      tpu.enqueue_dma source(%dma_start3A_440 : memref<8x128xf32, #tpu.memory_space<vmem>>) target(%dma_start3A_437 : memref<8x128xf32, #tpu.memory_space<hbm>>) target_semaphore(%arg12 : memref<!tpu.dma_semaphore, #tpu.memory_space<semaphore_mem>>)
      %dma_start3A_441 = arith.constant 7 : i32
      %dma_start3A_442 = arith.constant 56 : i32
      %dma_start3A_443 = arith.constant 0 : i32
      %dma_start3A_444 = tpu.memref_slice %arg8[%dma_start3A_442, %dma_start3A_443] : memref<64x137xf32, #tpu.memory_space<vmem>> -> memref<8x128xf32, #tpu.memory_space<vmem>>
      %dma_start3A_445 = arith.constant 0 : i32
      %dma_start3A_446 = arith.constant 0 : i32
      %dma_start3A_447 = tpu.memref_slice %arg4[%select_n3A, %dma_start3A_441, %rem3A_335, %dma_start3A_445, %dma_start3A_446] : memref<50x8x128x8x128xf32, #tpu.memory_space<hbm>> -> memref<1x1x1x8x128xf32, #tpu.memory_space<hbm>>
      %dma_start3A_448 = tpu.memref_squeeze %dma_start3A_447 : memref<1x1x1x8x128xf32, #tpu.memory_space<hbm>> -> memref<8x128xf32, #tpu.memory_space<hbm>>
      %dma_start3A_449 = arith.constant 0 : i32
      %dma_start3A_450 = arith.constant 0 : i32
      %dma_start3A_451 = tpu.memref_slice %arg4[%select_n3A, %dma_start3A_441, %rem3A_335, %dma_start3A_449, %dma_start3A_450] : memref<50x8x128x8x128xf32, #tpu.memory_space<hbm>> -> memref<1x1x1x8x128xf32, #tpu.memory_space<hbm>>
      %dma_start3A_452 = tpu.memref_squeeze %dma_start3A_451 : memref<1x1x1x8x128xf32, #tpu.memory_space<hbm>> -> memref<8x128xf32, #tpu.memory_space<hbm>>
      %dma_start3A_453 = arith.constant 56 : i32
      %dma_start3A_454 = arith.constant 0 : i32
      %dma_start3A_455 = tpu.memref_slice %arg8[%dma_start3A_453, %dma_start3A_454] : memref<64x137xf32, #tpu.memory_space<vmem>> -> memref<8x128xf32, #tpu.memory_space<vmem>>
      tpu.enqueue_dma source(%dma_start3A_455 : memref<8x128xf32, #tpu.memory_space<vmem>>) target(%dma_start3A_452 : memref<8x128xf32, #tpu.memory_space<hbm>>) target_semaphore(%arg12 : memref<!tpu.dma_semaphore, #tpu.memory_space<semaphore_mem>>)
      %lt3A = arith.constant 99 : i32
      %lt3A_456 = arith.cmpi slt, %scan3A_304, %lt3A : i32
      %convert_element_type3A_457 = arith.extui %lt3A_456 : i1 to i32
      %cond3A_458 = arith.constant 0 : i32
      %cond3A_459 = arith.cmpi ne, %convert_element_type3A_457, %cond3A_458 : i32
      scf.if %cond3A_459 {
        %add3A_628 = arith.constant 2 : i32
        %add3A_629 = arith.addi %mul3A_306, %add3A_628 : i32
        %dma_start3A_630 = arith.constant 0 : i32
        %dma_start3A_631 = tpu.memref_slice %arg5[%add3A_629, %dma_start3A_630] : memref<200x128xi32, #tpu.memory_space<vmem>> -> memref<1x128xi32, #tpu.memory_space<vmem>>
        %dma_start3A_632 = tpu.memref_squeeze %dma_start3A_631 : memref<1x128xi32, #tpu.memory_space<vmem>> -> memref<128xi32, #tpu.memory_space<vmem>>
        %dma_start3A_633 = arith.constant 0 : i32
        %dma_start3A_634 = arith.constant 0 : i32
        %dma_start3A_635 = tpu.memref_slice %arg2[%dma_start3A_633, %dma_start3A_634] : memref<1000000x64xf32, #tpu.memory_space<hbm>> -> memref<1000000x64xf32, #tpu.memory_space<hbm>>
        tpu.enqueue_indirect_dma source(%dma_start3A_635 : memref<1000000x64xf32, #tpu.memory_space<hbm>>) target(%arg6 : memref<128x64xf32, #tpu.memory_space<vmem>>) offsets(%dma_start3A_632 : memref<128xi32, #tpu.memory_space<vmem>>) semaphore(%arg10 : memref<!tpu.dma_semaphore, #tpu.memory_space<semaphore_mem>>)
      } else {
      }
      %dma_wait3A_460 = arith.constant 0 : i32
      %dma_wait3A_461 = arith.constant 0 : i32
      %dma_wait3A_462 = tpu.memref_slice %arg2[%dma_wait3A_460, %dma_wait3A_461] : memref<1000000x64xf32, #tpu.memory_space<hbm>> -> memref<128x64xf32, #tpu.memory_space<hbm>>
      %dma_wait3A_463 = arith.constant 0 : i32
      %dma_wait3A_464 = arith.constant 0 : i32
      %dma_wait3A_465 = tpu.memref_slice %arg2[%dma_wait3A_463, %dma_wait3A_464] : memref<1000000x64xf32, #tpu.memory_space<hbm>> -> memref<128x64xf32, #tpu.memory_space<hbm>>
      tpu.wait_dma2 semaphore(%arg11 : memref<!tpu.dma_semaphore, #tpu.memory_space<semaphore_mem>>) src(%dma_wait3A_465 : memref<128x64xf32, #tpu.memory_space<hbm>>) dst(%arg7 : memref<128x64xf32, #tpu.memory_space<vmem>>)
      %gt3A_466 = arith.constant 0 : i32
      %gt3A_467 = arith.cmpi sgt, %scan3A_304, %gt3A_466 : i32
      %convert_element_type3A_468 = arith.extui %gt3A_467 : i1 to i32
      %cond3A_469 = arith.constant 0 : i32
      %cond3A_470 = arith.cmpi ne, %convert_element_type3A_468, %cond3A_469 : i32
      scf.if %cond3A_470 {
        %dma_wait3A_628 = arith.constant 0 : i32
        %dma_wait3A_629 = arith.constant 0 : i32
        %dma_wait3A_630 = arith.constant 0 : i32
        %dma_wait3A_631 = arith.constant 0 : i32
        %dma_wait3A_632 = arith.constant 0 : i32
        %dma_wait3A_633 = tpu.memref_slice %arg9[%dma_wait3A_631, %dma_wait3A_632] : memref<64x137xf32, #tpu.memory_space<vmem>> -> memref<8x128xf32, #tpu.memory_space<vmem>>
        %dma_wait3A_634 = arith.constant 0 : i32
        %dma_wait3A_635 = arith.constant 0 : i32
        %dma_wait3A_636 = tpu.memref_slice %arg4[%dma_wait3A_628, %dma_wait3A_629, %dma_wait3A_630, %dma_wait3A_634, %dma_wait3A_635] : memref<50x8x128x8x128xf32, #tpu.memory_space<hbm>> -> memref<1x1x1x8x128xf32, #tpu.memory_space<hbm>>
        %dma_wait3A_637 = tpu.memref_squeeze %dma_wait3A_636 : memref<1x1x1x8x128xf32, #tpu.memory_space<hbm>> -> memref<8x128xf32, #tpu.memory_space<hbm>>
        %dma_wait3A_638 = arith.constant 0 : i32
        %dma_wait3A_639 = arith.constant 0 : i32
        %dma_wait3A_640 = tpu.memref_slice %arg4[%dma_wait3A_628, %dma_wait3A_629, %dma_wait3A_630, %dma_wait3A_638, %dma_wait3A_639] : memref<50x8x128x8x128xf32, #tpu.memory_space<hbm>> -> memref<1x1x1x8x128xf32, #tpu.memory_space<hbm>>
        %dma_wait3A_641 = tpu.memref_squeeze %dma_wait3A_640 : memref<1x1x1x8x128xf32, #tpu.memory_space<hbm>> -> memref<8x128xf32, #tpu.memory_space<hbm>>
        %dma_wait3A_642 = arith.constant 0 : i32
        %dma_wait3A_643 = arith.constant 0 : i32
        %dma_wait3A_644 = tpu.memref_slice %arg9[%dma_wait3A_642, %dma_wait3A_643] : memref<64x137xf32, #tpu.memory_space<vmem>> -> memref<8x128xf32, #tpu.memory_space<vmem>>
        tpu.wait_dma2 semaphore(%arg13 : memref<!tpu.dma_semaphore, #tpu.memory_space<semaphore_mem>>) src(%dma_wait3A_644 : memref<8x128xf32, #tpu.memory_space<vmem>>) dst(%dma_wait3A_641 : memref<8x128xf32, #tpu.memory_space<hbm>>)
        %dma_wait3A_645 = arith.constant 0 : i32
        %dma_wait3A_646 = arith.constant 1 : i32
        %dma_wait3A_647 = arith.constant 0 : i32
        %dma_wait3A_648 = arith.constant 8 : i32
        %dma_wait3A_649 = arith.constant 0 : i32
        %dma_wait3A_650 = tpu.memref_slice %arg9[%dma_wait3A_648, %dma_wait3A_649] : memref<64x137xf32, #tpu.memory_space<vmem>> -> memref<8x128xf32, #tpu.memory_space<vmem>>
        %dma_wait3A_651 = arith.constant 0 : i32
        %dma_wait3A_652 = arith.constant 0 : i32
        %dma_wait3A_653 = tpu.memref_slice %arg4[%dma_wait3A_645, %dma_wait3A_646, %dma_wait3A_647, %dma_wait3A_651, %dma_wait3A_652] : memref<50x8x128x8x128xf32, #tpu.memory_space<hbm>> -> memref<1x1x1x8x128xf32, #tpu.memory_space<hbm>>
        %dma_wait3A_654 = tpu.memref_squeeze %dma_wait3A_653 : memref<1x1x1x8x128xf32, #tpu.memory_space<hbm>> -> memref<8x128xf32, #tpu.memory_space<hbm>>
        %dma_wait3A_655 = arith.constant 0 : i32
        %dma_wait3A_656 = arith.constant 0 : i32
        %dma_wait3A_657 = tpu.memref_slice %arg4[%dma_wait3A_645, %dma_wait3A_646, %dma_wait3A_647, %dma_wait3A_655, %dma_wait3A_656] : memref<50x8x128x8x128xf32, #tpu.memory_space<hbm>> -> memref<1x1x1x8x128xf32, #tpu.memory_space<hbm>>
        %dma_wait3A_658 = tpu.memref_squeeze %dma_wait3A_657 : memref<1x1x1x8x128xf32, #tpu.memory_space<hbm>> -> memref<8x128xf32, #tpu.memory_space<hbm>>
        %dma_wait3A_659 = arith.constant 8 : i32
        %dma_wait3A_660 = arith.constant 0 : i32
        %dma_wait3A_661 = tpu.memref_slice %arg9[%dma_wait3A_659, %dma_wait3A_660] : memref<64x137xf32, #tpu.memory_space<vmem>> -> memref<8x128xf32, #tpu.memory_space<vmem>>
        tpu.wait_dma2 semaphore(%arg13 : memref<!tpu.dma_semaphore, #tpu.memory_space<semaphore_mem>>) src(%dma_wait3A_661 : memref<8x128xf32, #tpu.memory_space<vmem>>) dst(%dma_wait3A_658 : memref<8x128xf32, #tpu.memory_space<hbm>>)
        %dma_wait3A_662 = arith.constant 0 : i32
        %dma_wait3A_663 = arith.constant 2 : i32
        %dma_wait3A_664 = arith.constant 0 : i32
        %dma_wait3A_665 = arith.constant 16 : i32
        %dma_wait3A_666 = arith.constant 0 : i32
        %dma_wait3A_667 = tpu.memref_slice %arg9[%dma_wait3A_665, %dma_wait3A_666] : memref<64x137xf32, #tpu.memory_space<vmem>> -> memref<8x128xf32, #tpu.memory_space<vmem>>
        %dma_wait3A_668 = arith.constant 0 : i32
        %dma_wait3A_669 = arith.constant 0 : i32
        %dma_wait3A_670 = tpu.memref_slice %arg4[%dma_wait3A_662, %dma_wait3A_663, %dma_wait3A_664, %dma_wait3A_668, %dma_wait3A_669] : memref<50x8x128x8x128xf32, #tpu.memory_space<hbm>> -> memref<1x1x1x8x128xf32, #tpu.memory_space<hbm>>
        %dma_wait3A_671 = tpu.memref_squeeze %dma_wait3A_670 : memref<1x1x1x8x128xf32, #tpu.memory_space<hbm>> -> memref<8x128xf32, #tpu.memory_space<hbm>>
        %dma_wait3A_672 = arith.constant 0 : i32
        %dma_wait3A_673 = arith.constant 0 : i32
        %dma_wait3A_674 = tpu.memref_slice %arg4[%dma_wait3A_662, %dma_wait3A_663, %dma_wait3A_664, %dma_wait3A_672, %dma_wait3A_673] : memref<50x8x128x8x128xf32, #tpu.memory_space<hbm>> -> memref<1x1x1x8x128xf32, #tpu.memory_space<hbm>>
        %dma_wait3A_675 = tpu.memref_squeeze %dma_wait3A_674 : memref<1x1x1x8x128xf32, #tpu.memory_space<hbm>> -> memref<8x128xf32, #tpu.memory_space<hbm>>
        %dma_wait3A_676 = arith.constant 16 : i32
        %dma_wait3A_677 = arith.constant 0 : i32
        %dma_wait3A_678 = tpu.memref_slice %arg9[%dma_wait3A_676, %dma_wait3A_677] : memref<64x137xf32, #tpu.memory_space<vmem>> -> memref<8x128xf32, #tpu.memory_space<vmem>>
        tpu.wait_dma2 semaphore(%arg13 : memref<!tpu.dma_semaphore, #tpu.memory_space<semaphore_mem>>) src(%dma_wait3A_678 : memref<8x128xf32, #tpu.memory_space<vmem>>) dst(%dma_wait3A_675 : memref<8x128xf32, #tpu.memory_space<hbm>>)
        %dma_wait3A_679 = arith.constant 0 : i32
        %dma_wait3A_680 = arith.constant 3 : i32
        %dma_wait3A_681 = arith.constant 0 : i32
        %dma_wait3A_682 = arith.constant 24 : i32
        %dma_wait3A_683 = arith.constant 0 : i32
        %dma_wait3A_684 = tpu.memref_slice %arg9[%dma_wait3A_682, %dma_wait3A_683] : memref<64x137xf32, #tpu.memory_space<vmem>> -> memref<8x128xf32, #tpu.memory_space<vmem>>
        %dma_wait3A_685 = arith.constant 0 : i32
        %dma_wait3A_686 = arith.constant 0 : i32
        %dma_wait3A_687 = tpu.memref_slice %arg4[%dma_wait3A_679, %dma_wait3A_680, %dma_wait3A_681, %dma_wait3A_685, %dma_wait3A_686] : memref<50x8x128x8x128xf32, #tpu.memory_space<hbm>> -> memref<1x1x1x8x128xf32, #tpu.memory_space<hbm>>
        %dma_wait3A_688 = tpu.memref_squeeze %dma_wait3A_687 : memref<1x1x1x8x128xf32, #tpu.memory_space<hbm>> -> memref<8x128xf32, #tpu.memory_space<hbm>>
        %dma_wait3A_689 = arith.constant 0 : i32
        %dma_wait3A_690 = arith.constant 0 : i32
        %dma_wait3A_691 = tpu.memref_slice %arg4[%dma_wait3A_679, %dma_wait3A_680, %dma_wait3A_681, %dma_wait3A_689, %dma_wait3A_690] : memref<50x8x128x8x128xf32, #tpu.memory_space<hbm>> -> memref<1x1x1x8x128xf32, #tpu.memory_space<hbm>>
        %dma_wait3A_692 = tpu.memref_squeeze %dma_wait3A_691 : memref<1x1x1x8x128xf32, #tpu.memory_space<hbm>> -> memref<8x128xf32, #tpu.memory_space<hbm>>
        %dma_wait3A_693 = arith.constant 24 : i32
        %dma_wait3A_694 = arith.constant 0 : i32
        %dma_wait3A_695 = tpu.memref_slice %arg9[%dma_wait3A_693, %dma_wait3A_694] : memref<64x137xf32, #tpu.memory_space<vmem>> -> memref<8x128xf32, #tpu.memory_space<vmem>>
        tpu.wait_dma2 semaphore(%arg13 : memref<!tpu.dma_semaphore, #tpu.memory_space<semaphore_mem>>) src(%dma_wait3A_695 : memref<8x128xf32, #tpu.memory_space<vmem>>) dst(%dma_wait3A_692 : memref<8x128xf32, #tpu.memory_space<hbm>>)
        %dma_wait3A_696 = arith.constant 0 : i32
        %dma_wait3A_697 = arith.constant 4 : i32
        %dma_wait3A_698 = arith.constant 0 : i32
        %dma_wait3A_699 = arith.constant 32 : i32
        %dma_wait3A_700 = arith.constant 0 : i32
        %dma_wait3A_701 = tpu.memref_slice %arg9[%dma_wait3A_699, %dma_wait3A_700] : memref<64x137xf32, #tpu.memory_space<vmem>> -> memref<8x128xf32, #tpu.memory_space<vmem>>
        %dma_wait3A_702 = arith.constant 0 : i32
        %dma_wait3A_703 = arith.constant 0 : i32
        %dma_wait3A_704 = tpu.memref_slice %arg4[%dma_wait3A_696, %dma_wait3A_697, %dma_wait3A_698, %dma_wait3A_702, %dma_wait3A_703] : memref<50x8x128x8x128xf32, #tpu.memory_space<hbm>> -> memref<1x1x1x8x128xf32, #tpu.memory_space<hbm>>
        %dma_wait3A_705 = tpu.memref_squeeze %dma_wait3A_704 : memref<1x1x1x8x128xf32, #tpu.memory_space<hbm>> -> memref<8x128xf32, #tpu.memory_space<hbm>>
        %dma_wait3A_706 = arith.constant 0 : i32
        %dma_wait3A_707 = arith.constant 0 : i32
        %dma_wait3A_708 = tpu.memref_slice %arg4[%dma_wait3A_696, %dma_wait3A_697, %dma_wait3A_698, %dma_wait3A_706, %dma_wait3A_707] : memref<50x8x128x8x128xf32, #tpu.memory_space<hbm>> -> memref<1x1x1x8x128xf32, #tpu.memory_space<hbm>>
        %dma_wait3A_709 = tpu.memref_squeeze %dma_wait3A_708 : memref<1x1x1x8x128xf32, #tpu.memory_space<hbm>> -> memref<8x128xf32, #tpu.memory_space<hbm>>
        %dma_wait3A_710 = arith.constant 32 : i32
        %dma_wait3A_711 = arith.constant 0 : i32
        %dma_wait3A_712 = tpu.memref_slice %arg9[%dma_wait3A_710, %dma_wait3A_711] : memref<64x137xf32, #tpu.memory_space<vmem>> -> memref<8x128xf32, #tpu.memory_space<vmem>>
        tpu.wait_dma2 semaphore(%arg13 : memref<!tpu.dma_semaphore, #tpu.memory_space<semaphore_mem>>) src(%dma_wait3A_712 : memref<8x128xf32, #tpu.memory_space<vmem>>) dst(%dma_wait3A_709 : memref<8x128xf32, #tpu.memory_space<hbm>>)
        %dma_wait3A_713 = arith.constant 0 : i32
        %dma_wait3A_714 = arith.constant 5 : i32
        %dma_wait3A_715 = arith.constant 0 : i32
        %dma_wait3A_716 = arith.constant 40 : i32
        %dma_wait3A_717 = arith.constant 0 : i32
        %dma_wait3A_718 = tpu.memref_slice %arg9[%dma_wait3A_716, %dma_wait3A_717] : memref<64x137xf32, #tpu.memory_space<vmem>> -> memref<8x128xf32, #tpu.memory_space<vmem>>
        %dma_wait3A_719 = arith.constant 0 : i32
        %dma_wait3A_720 = arith.constant 0 : i32
        %dma_wait3A_721 = tpu.memref_slice %arg4[%dma_wait3A_713, %dma_wait3A_714, %dma_wait3A_715, %dma_wait3A_719, %dma_wait3A_720] : memref<50x8x128x8x128xf32, #tpu.memory_space<hbm>> -> memref<1x1x1x8x128xf32, #tpu.memory_space<hbm>>
        %dma_wait3A_722 = tpu.memref_squeeze %dma_wait3A_721 : memref<1x1x1x8x128xf32, #tpu.memory_space<hbm>> -> memref<8x128xf32, #tpu.memory_space<hbm>>
        %dma_wait3A_723 = arith.constant 0 : i32
        %dma_wait3A_724 = arith.constant 0 : i32
        %dma_wait3A_725 = tpu.memref_slice %arg4[%dma_wait3A_713, %dma_wait3A_714, %dma_wait3A_715, %dma_wait3A_723, %dma_wait3A_724] : memref<50x8x128x8x128xf32, #tpu.memory_space<hbm>> -> memref<1x1x1x8x128xf32, #tpu.memory_space<hbm>>
        %dma_wait3A_726 = tpu.memref_squeeze %dma_wait3A_725 : memref<1x1x1x8x128xf32, #tpu.memory_space<hbm>> -> memref<8x128xf32, #tpu.memory_space<hbm>>
        %dma_wait3A_727 = arith.constant 40 : i32
        %dma_wait3A_728 = arith.constant 0 : i32
        %dma_wait3A_729 = tpu.memref_slice %arg9[%dma_wait3A_727, %dma_wait3A_728] : memref<64x137xf32, #tpu.memory_space<vmem>> -> memref<8x128xf32, #tpu.memory_space<vmem>>
        tpu.wait_dma2 semaphore(%arg13 : memref<!tpu.dma_semaphore, #tpu.memory_space<semaphore_mem>>) src(%dma_wait3A_729 : memref<8x128xf32, #tpu.memory_space<vmem>>) dst(%dma_wait3A_726 : memref<8x128xf32, #tpu.memory_space<hbm>>)
        %dma_wait3A_730 = arith.constant 0 : i32
        %dma_wait3A_731 = arith.constant 6 : i32
        %dma_wait3A_732 = arith.constant 0 : i32
        %dma_wait3A_733 = arith.constant 48 : i32
        %dma_wait3A_734 = arith.constant 0 : i32
        %dma_wait3A_735 = tpu.memref_slice %arg9[%dma_wait3A_733, %dma_wait3A_734] : memref<64x137xf32, #tpu.memory_space<vmem>> -> memref<8x128xf32, #tpu.memory_space<vmem>>
        %dma_wait3A_736 = arith.constant 0 : i32
        %dma_wait3A_737 = arith.constant 0 : i32
        %dma_wait3A_738 = tpu.memref_slice %arg4[%dma_wait3A_730, %dma_wait3A_731, %dma_wait3A_732, %dma_wait3A_736, %dma_wait3A_737] : memref<50x8x128x8x128xf32, #tpu.memory_space<hbm>> -> memref<1x1x1x8x128xf32, #tpu.memory_space<hbm>>
        %dma_wait3A_739 = tpu.memref_squeeze %dma_wait3A_738 : memref<1x1x1x8x128xf32, #tpu.memory_space<hbm>> -> memref<8x128xf32, #tpu.memory_space<hbm>>
        %dma_wait3A_740 = arith.constant 0 : i32
        %dma_wait3A_741 = arith.constant 0 : i32
        %dma_wait3A_742 = tpu.memref_slice %arg4[%dma_wait3A_730, %dma_wait3A_731, %dma_wait3A_732, %dma_wait3A_740, %dma_wait3A_741] : memref<50x8x128x8x128xf32, #tpu.memory_space<hbm>> -> memref<1x1x1x8x128xf32, #tpu.memory_space<hbm>>
        %dma_wait3A_743 = tpu.memref_squeeze %dma_wait3A_742 : memref<1x1x1x8x128xf32, #tpu.memory_space<hbm>> -> memref<8x128xf32, #tpu.memory_space<hbm>>
        %dma_wait3A_744 = arith.constant 48 : i32
        %dma_wait3A_745 = arith.constant 0 : i32
        %dma_wait3A_746 = tpu.memref_slice %arg9[%dma_wait3A_744, %dma_wait3A_745] : memref<64x137xf32, #tpu.memory_space<vmem>> -> memref<8x128xf32, #tpu.memory_space<vmem>>
        tpu.wait_dma2 semaphore(%arg13 : memref<!tpu.dma_semaphore, #tpu.memory_space<semaphore_mem>>) src(%dma_wait3A_746 : memref<8x128xf32, #tpu.memory_space<vmem>>) dst(%dma_wait3A_743 : memref<8x128xf32, #tpu.memory_space<hbm>>)
        %dma_wait3A_747 = arith.constant 0 : i32
        %dma_wait3A_748 = arith.constant 7 : i32
        %dma_wait3A_749 = arith.constant 0 : i32
        %dma_wait3A_750 = arith.constant 56 : i32
        %dma_wait3A_751 = arith.constant 0 : i32
        %dma_wait3A_752 = tpu.memref_slice %arg9[%dma_wait3A_750, %dma_wait3A_751] : memref<64x137xf32, #tpu.memory_space<vmem>> -> memref<8x128xf32, #tpu.memory_space<vmem>>
        %dma_wait3A_753 = arith.constant 0 : i32
        %dma_wait3A_754 = arith.constant 0 : i32
        %dma_wait3A_755 = tpu.memref_slice %arg4[%dma_wait3A_747, %dma_wait3A_748, %dma_wait3A_749, %dma_wait3A_753, %dma_wait3A_754] : memref<50x8x128x8x128xf32, #tpu.memory_space<hbm>> -> memref<1x1x1x8x128xf32, #tpu.memory_space<hbm>>
        %dma_wait3A_756 = tpu.memref_squeeze %dma_wait3A_755 : memref<1x1x1x8x128xf32, #tpu.memory_space<hbm>> -> memref<8x128xf32, #tpu.memory_space<hbm>>
        %dma_wait3A_757 = arith.constant 0 : i32
        %dma_wait3A_758 = arith.constant 0 : i32
        %dma_wait3A_759 = tpu.memref_slice %arg4[%dma_wait3A_747, %dma_wait3A_748, %dma_wait3A_749, %dma_wait3A_757, %dma_wait3A_758] : memref<50x8x128x8x128xf32, #tpu.memory_space<hbm>> -> memref<1x1x1x8x128xf32, #tpu.memory_space<hbm>>
        %dma_wait3A_760 = tpu.memref_squeeze %dma_wait3A_759 : memref<1x1x1x8x128xf32, #tpu.memory_space<hbm>> -> memref<8x128xf32, #tpu.memory_space<hbm>>
        %dma_wait3A_761 = arith.constant 56 : i32
        %dma_wait3A_762 = arith.constant 0 : i32
        %dma_wait3A_763 = tpu.memref_slice %arg9[%dma_wait3A_761, %dma_wait3A_762] : memref<64x137xf32, #tpu.memory_space<vmem>> -> memref<8x128xf32, #tpu.memory_space<vmem>>
        tpu.wait_dma2 semaphore(%arg13 : memref<!tpu.dma_semaphore, #tpu.memory_space<semaphore_mem>>) src(%dma_wait3A_763 : memref<8x128xf32, #tpu.memory_space<vmem>>) dst(%dma_wait3A_760 : memref<8x128xf32, #tpu.memory_space<hbm>>)
      } else {
      }
      %parallel_loop3A_471 = arith.constant 0 : i32
      %parallel_loop3A_472 = arith.constant 128 : i32
      %parallel_loop3A_473 = arith.constant 1 : i32
      scf.for %parallel_loop3A_628 = %parallel_loop3A_471 to %parallel_loop3A_472 step %parallel_loop3A_473  : i32 {
        %parallel_loop3A_629 = arith.constant 0 : i32
        %parallel_loop3A_630 = vector.broadcast %parallel_loop3A_629 : i32 to vector<16xi32>
        %parallel_loop3A_631 = vector.broadcast %parallel_loop3A_628 : i32 to vector<16xi32>
        %parallel_loop3A_632 = arith.addi %parallel_loop3A_630, %parallel_loop3A_631 : vector<16xi32>
        %parallel_loop3A_633 = arith.index_cast %parallel_loop3A_628 : i32 to index
        %parallel_loop3A_634 = arith.constant 0 : index
        %parallel_loop3A_635 = tpu.vector_load %arg7[%parallel_loop3A_633, %parallel_loop3A_634] {strides = array<i32>} : memref<128x64xf32, #tpu.memory_space<vmem>>, vector<16xf32>,
        tpu.vector_store_idx %arg9[%add3A_5, %parallel_loop3A_632], %parallel_loop3A_635 : memref<64x137xf32, #tpu.memory_space<vmem>>[vector<16xi32>, vector<16xi32>], vector<16xf32>,
        %parallel_loop3A_636 = arith.index_cast %parallel_loop3A_628 : i32 to index
        %parallel_loop3A_637 = arith.constant 16 : index
        %parallel_loop3A_638 = tpu.vector_load %arg7[%parallel_loop3A_636, %parallel_loop3A_637] {strides = array<i32>} : memref<128x64xf32, #tpu.memory_space<vmem>>, vector<16xf32>,
        tpu.vector_store_idx %arg9[%add3A_8, %parallel_loop3A_632], %parallel_loop3A_638 : memref<64x137xf32, #tpu.memory_space<vmem>>[vector<16xi32>, vector<16xi32>], vector<16xf32>,
        %parallel_loop3A_639 = arith.index_cast %parallel_loop3A_628 : i32 to index
        %parallel_loop3A_640 = arith.constant 32 : index
        %parallel_loop3A_641 = tpu.vector_load %arg7[%parallel_loop3A_639, %parallel_loop3A_640] {strides = array<i32>} : memref<128x64xf32, #tpu.memory_space<vmem>>, vector<16xf32>,
        tpu.vector_store_idx %arg9[%add3A_11, %parallel_loop3A_632], %parallel_loop3A_641 : memref<64x137xf32, #tpu.memory_space<vmem>>[vector<16xi32>, vector<16xi32>], vector<16xf32>,
        %parallel_loop3A_642 = arith.index_cast %parallel_loop3A_628 : i32 to index
        %parallel_loop3A_643 = arith.constant 48 : index
        %parallel_loop3A_644 = tpu.vector_load %arg7[%parallel_loop3A_642, %parallel_loop3A_643] {strides = array<i32>} : memref<128x64xf32, #tpu.memory_space<vmem>>, vector<16xf32>,
        tpu.vector_store_idx %arg9[%add3A_14, %parallel_loop3A_632], %parallel_loop3A_644 : memref<64x137xf32, #tpu.memory_space<vmem>>[vector<16xi32>, vector<16xi32>], vector<16xf32>,
      } {sc.loop_unroll_factor = 16 : i64, sc.parallel_access}
      %add3A_474 = arith.constant 1 : i32
      %add3A_475 = arith.addi %mul3A_306, %add3A_474 : i32
      %add3A_476 = arith.addi %mul3A_2, %add3A_475 : i32
      %jit3A_477 = arith.constant 128 : i32
      %div3A_478 = arith.divsi %add3A_476, %jit3A_477 : i32
      %sign3A_479 = arith.constant 0 : i32
      %sign3A_480 = arith.cmpi sgt, %add3A_476, %sign3A_479 : i32
      %sign3A_481 = arith.extui %sign3A_480 : i1 to i32
      %sign3A_482 = arith.constant 0 : i32
      %sign3A_483 = arith.cmpi slt, %add3A_476, %sign3A_482 : i32
      %sign3A_484 = arith.extui %sign3A_483 : i1 to i32
      %sign3A_485 = arith.subi %sign3A_481, %sign3A_484 : i32
      %sign3A_486 = arith.constant 0 : i32
      %sign3A_487 = arith.cmpi sgt, %jit3A_477, %sign3A_486 : i32
      %sign3A_488 = arith.extui %sign3A_487 : i1 to i32
      %sign3A_489 = arith.constant 0 : i32
      %sign3A_490 = arith.cmpi slt, %jit3A_477, %sign3A_489 : i32
      %sign3A_491 = arith.extui %sign3A_490 : i1 to i32
      %sign3A_492 = arith.subi %sign3A_488, %sign3A_491 : i32
      %ne3A_493 = arith.cmpi ne, %sign3A_485, %sign3A_492 : i32
      %rem3A_494 = arith.remsi %add3A_476, %jit3A_477 : i32
      %ne3A_495 = arith.constant 0 : i32
      %ne3A_496 = arith.cmpi ne, %rem3A_494, %ne3A_495 : i32
      %and3A_497 = arith.andi %ne3A_493, %ne3A_496 : i1
      %sub3A_498 = arith.constant 1 : i32
      %sub3A_499 = arith.subi %div3A_478, %sub3A_498 : i32
      %select_n3A_500 = arith.select %and3A_497, %sub3A_499, %div3A_478 : i32
      %rem3A_501 = arith.constant 128 : i32
      %rem3A_502 = arith.remsi %add3A_476, %rem3A_501 : i32
      %dma_start3A_503 = arith.constant 0 : i32
      %dma_start3A_504 = arith.constant 0 : i32
      %dma_start3A_505 = arith.constant 0 : i32
      %dma_start3A_506 = tpu.memref_slice %arg9[%dma_start3A_504, %dma_start3A_505] : memref<64x137xf32, #tpu.memory_space<vmem>> -> memref<8x128xf32, #tpu.memory_space<vmem>>
      %dma_start3A_507 = arith.constant 0 : i32
      %dma_start3A_508 = arith.constant 0 : i32
      %dma_start3A_509 = tpu.memref_slice %arg4[%select_n3A_500, %dma_start3A_503, %rem3A_502, %dma_start3A_507, %dma_start3A_508] : memref<50x8x128x8x128xf32, #tpu.memory_space<hbm>> -> memref<1x1x1x8x128xf32, #tpu.memory_space<hbm>>
      %dma_start3A_510 = tpu.memref_squeeze %dma_start3A_509 : memref<1x1x1x8x128xf32, #tpu.memory_space<hbm>> -> memref<8x128xf32, #tpu.memory_space<hbm>>
      %dma_start3A_511 = arith.constant 0 : i32
      %dma_start3A_512 = arith.constant 0 : i32
      %dma_start3A_513 = tpu.memref_slice %arg4[%select_n3A_500, %dma_start3A_503, %rem3A_502, %dma_start3A_511, %dma_start3A_512] : memref<50x8x128x8x128xf32, #tpu.memory_space<hbm>> -> memref<1x1x1x8x128xf32, #tpu.memory_space<hbm>>
      %dma_start3A_514 = tpu.memref_squeeze %dma_start3A_513 : memref<1x1x1x8x128xf32, #tpu.memory_space<hbm>> -> memref<8x128xf32, #tpu.memory_space<hbm>>
      %dma_start3A_515 = arith.constant 0 : i32
      %dma_start3A_516 = arith.constant 0 : i32
      %dma_start3A_517 = tpu.memref_slice %arg9[%dma_start3A_515, %dma_start3A_516] : memref<64x137xf32, #tpu.memory_space<vmem>> -> memref<8x128xf32, #tpu.memory_space<vmem>>
      tpu.enqueue_dma source(%dma_start3A_517 : memref<8x128xf32, #tpu.memory_space<vmem>>) target(%dma_start3A_514 : memref<8x128xf32, #tpu.memory_space<hbm>>) target_semaphore(%arg13 : memref<!tpu.dma_semaphore, #tpu.memory_space<semaphore_mem>>)
      %dma_start3A_518 = arith.constant 1 : i32
      %dma_start3A_519 = arith.constant 8 : i32
      %dma_start3A_520 = arith.constant 0 : i32
      %dma_start3A_521 = tpu.memref_slice %arg9[%dma_start3A_519, %dma_start3A_520] : memref<64x137xf32, #tpu.memory_space<vmem>> -> memref<8x128xf32, #tpu.memory_space<vmem>>
      %dma_start3A_522 = arith.constant 0 : i32
      %dma_start3A_523 = arith.constant 0 : i32
      %dma_start3A_524 = tpu.memref_slice %arg4[%select_n3A_500, %dma_start3A_518, %rem3A_502, %dma_start3A_522, %dma_start3A_523] : memref<50x8x128x8x128xf32, #tpu.memory_space<hbm>> -> memref<1x1x1x8x128xf32, #tpu.memory_space<hbm>>
      %dma_start3A_525 = tpu.memref_squeeze %dma_start3A_524 : memref<1x1x1x8x128xf32, #tpu.memory_space<hbm>> -> memref<8x128xf32, #tpu.memory_space<hbm>>
      %dma_start3A_526 = arith.constant 0 : i32
      %dma_start3A_527 = arith.constant 0 : i32
      %dma_start3A_528 = tpu.memref_slice %arg4[%select_n3A_500, %dma_start3A_518, %rem3A_502, %dma_start3A_526, %dma_start3A_527] : memref<50x8x128x8x128xf32, #tpu.memory_space<hbm>> -> memref<1x1x1x8x128xf32, #tpu.memory_space<hbm>>
      %dma_start3A_529 = tpu.memref_squeeze %dma_start3A_528 : memref<1x1x1x8x128xf32, #tpu.memory_space<hbm>> -> memref<8x128xf32, #tpu.memory_space<hbm>>
      %dma_start3A_530 = arith.constant 8 : i32
      %dma_start3A_531 = arith.constant 0 : i32
      %dma_start3A_532 = tpu.memref_slice %arg9[%dma_start3A_530, %dma_start3A_531] : memref<64x137xf32, #tpu.memory_space<vmem>> -> memref<8x128xf32, #tpu.memory_space<vmem>>
      tpu.enqueue_dma source(%dma_start3A_532 : memref<8x128xf32, #tpu.memory_space<vmem>>) target(%dma_start3A_529 : memref<8x128xf32, #tpu.memory_space<hbm>>) target_semaphore(%arg13 : memref<!tpu.dma_semaphore, #tpu.memory_space<semaphore_mem>>)
      %dma_start3A_533 = arith.constant 2 : i32
      %dma_start3A_534 = arith.constant 16 : i32
      %dma_start3A_535 = arith.constant 0 : i32
      %dma_start3A_536 = tpu.memref_slice %arg9[%dma_start3A_534, %dma_start3A_535] : memref<64x137xf32, #tpu.memory_space<vmem>> -> memref<8x128xf32, #tpu.memory_space<vmem>>
      %dma_start3A_537 = arith.constant 0 : i32
      %dma_start3A_538 = arith.constant 0 : i32
      %dma_start3A_539 = tpu.memref_slice %arg4[%select_n3A_500, %dma_start3A_533, %rem3A_502, %dma_start3A_537, %dma_start3A_538] : memref<50x8x128x8x128xf32, #tpu.memory_space<hbm>> -> memref<1x1x1x8x128xf32, #tpu.memory_space<hbm>>
      %dma_start3A_540 = tpu.memref_squeeze %dma_start3A_539 : memref<1x1x1x8x128xf32, #tpu.memory_space<hbm>> -> memref<8x128xf32, #tpu.memory_space<hbm>>
      %dma_start3A_541 = arith.constant 0 : i32
      %dma_start3A_542 = arith.constant 0 : i32
      %dma_start3A_543 = tpu.memref_slice %arg4[%select_n3A_500, %dma_start3A_533, %rem3A_502, %dma_start3A_541, %dma_start3A_542] : memref<50x8x128x8x128xf32, #tpu.memory_space<hbm>> -> memref<1x1x1x8x128xf32, #tpu.memory_space<hbm>>
      %dma_start3A_544 = tpu.memref_squeeze %dma_start3A_543 : memref<1x1x1x8x128xf32, #tpu.memory_space<hbm>> -> memref<8x128xf32, #tpu.memory_space<hbm>>
      %dma_start3A_545 = arith.constant 16 : i32
      %dma_start3A_546 = arith.constant 0 : i32
      %dma_start3A_547 = tpu.memref_slice %arg9[%dma_start3A_545, %dma_start3A_546] : memref<64x137xf32, #tpu.memory_space<vmem>> -> memref<8x128xf32, #tpu.memory_space<vmem>>
      tpu.enqueue_dma source(%dma_start3A_547 : memref<8x128xf32, #tpu.memory_space<vmem>>) target(%dma_start3A_544 : memref<8x128xf32, #tpu.memory_space<hbm>>) target_semaphore(%arg13 : memref<!tpu.dma_semaphore, #tpu.memory_space<semaphore_mem>>)
      %dma_start3A_548 = arith.constant 3 : i32
      %dma_start3A_549 = arith.constant 24 : i32
      %dma_start3A_550 = arith.constant 0 : i32
      %dma_start3A_551 = tpu.memref_slice %arg9[%dma_start3A_549, %dma_start3A_550] : memref<64x137xf32, #tpu.memory_space<vmem>> -> memref<8x128xf32, #tpu.memory_space<vmem>>
      %dma_start3A_552 = arith.constant 0 : i32
      %dma_start3A_553 = arith.constant 0 : i32
      %dma_start3A_554 = tpu.memref_slice %arg4[%select_n3A_500, %dma_start3A_548, %rem3A_502, %dma_start3A_552, %dma_start3A_553] : memref<50x8x128x8x128xf32, #tpu.memory_space<hbm>> -> memref<1x1x1x8x128xf32, #tpu.memory_space<hbm>>
      %dma_start3A_555 = tpu.memref_squeeze %dma_start3A_554 : memref<1x1x1x8x128xf32, #tpu.memory_space<hbm>> -> memref<8x128xf32, #tpu.memory_space<hbm>>
      %dma_start3A_556 = arith.constant 0 : i32
      %dma_start3A_557 = arith.constant 0 : i32
      %dma_start3A_558 = tpu.memref_slice %arg4[%select_n3A_500, %dma_start3A_548, %rem3A_502, %dma_start3A_556, %dma_start3A_557] : memref<50x8x128x8x128xf32, #tpu.memory_space<hbm>> -> memref<1x1x1x8x128xf32, #tpu.memory_space<hbm>>
      %dma_start3A_559 = tpu.memref_squeeze %dma_start3A_558 : memref<1x1x1x8x128xf32, #tpu.memory_space<hbm>> -> memref<8x128xf32, #tpu.memory_space<hbm>>
      %dma_start3A_560 = arith.constant 24 : i32
      %dma_start3A_561 = arith.constant 0 : i32
      %dma_start3A_562 = tpu.memref_slice %arg9[%dma_start3A_560, %dma_start3A_561] : memref<64x137xf32, #tpu.memory_space<vmem>> -> memref<8x128xf32, #tpu.memory_space<vmem>>
      tpu.enqueue_dma source(%dma_start3A_562 : memref<8x128xf32, #tpu.memory_space<vmem>>) target(%dma_start3A_559 : memref<8x128xf32, #tpu.memory_space<hbm>>) target_semaphore(%arg13 : memref<!tpu.dma_semaphore, #tpu.memory_space<semaphore_mem>>)
      %dma_start3A_563 = arith.constant 4 : i32
      %dma_start3A_564 = arith.constant 32 : i32
      %dma_start3A_565 = arith.constant 0 : i32
      %dma_start3A_566 = tpu.memref_slice %arg9[%dma_start3A_564, %dma_start3A_565] : memref<64x137xf32, #tpu.memory_space<vmem>> -> memref<8x128xf32, #tpu.memory_space<vmem>>
      %dma_start3A_567 = arith.constant 0 : i32
      %dma_start3A_568 = arith.constant 0 : i32
      %dma_start3A_569 = tpu.memref_slice %arg4[%select_n3A_500, %dma_start3A_563, %rem3A_502, %dma_start3A_567, %dma_start3A_568] : memref<50x8x128x8x128xf32, #tpu.memory_space<hbm>> -> memref<1x1x1x8x128xf32, #tpu.memory_space<hbm>>
      %dma_start3A_570 = tpu.memref_squeeze %dma_start3A_569 : memref<1x1x1x8x128xf32, #tpu.memory_space<hbm>> -> memref<8x128xf32, #tpu.memory_space<hbm>>
      %dma_start3A_571 = arith.constant 0 : i32
      %dma_start3A_572 = arith.constant 0 : i32
      %dma_start3A_573 = tpu.memref_slice %arg4[%select_n3A_500, %dma_start3A_563, %rem3A_502, %dma_start3A_571, %dma_start3A_572] : memref<50x8x128x8x128xf32, #tpu.memory_space<hbm>> -> memref<1x1x1x8x128xf32, #tpu.memory_space<hbm>>
      %dma_start3A_574 = tpu.memref_squeeze %dma_start3A_573 : memref<1x1x1x8x128xf32, #tpu.memory_space<hbm>> -> memref<8x128xf32, #tpu.memory_space<hbm>>
      %dma_start3A_575 = arith.constant 32 : i32
      %dma_start3A_576 = arith.constant 0 : i32
      %dma_start3A_577 = tpu.memref_slice %arg9[%dma_start3A_575, %dma_start3A_576] : memref<64x137xf32, #tpu.memory_space<vmem>> -> memref<8x128xf32, #tpu.memory_space<vmem>>
      tpu.enqueue_dma source(%dma_start3A_577 : memref<8x128xf32, #tpu.memory_space<vmem>>) target(%dma_start3A_574 : memref<8x128xf32, #tpu.memory_space<hbm>>) target_semaphore(%arg13 : memref<!tpu.dma_semaphore, #tpu.memory_space<semaphore_mem>>)
      %dma_start3A_578 = arith.constant 5 : i32
      %dma_start3A_579 = arith.constant 40 : i32
      %dma_start3A_580 = arith.constant 0 : i32
      %dma_start3A_581 = tpu.memref_slice %arg9[%dma_start3A_579, %dma_start3A_580] : memref<64x137xf32, #tpu.memory_space<vmem>> -> memref<8x128xf32, #tpu.memory_space<vmem>>
      %dma_start3A_582 = arith.constant 0 : i32
      %dma_start3A_583 = arith.constant 0 : i32
      %dma_start3A_584 = tpu.memref_slice %arg4[%select_n3A_500, %dma_start3A_578, %rem3A_502, %dma_start3A_582, %dma_start3A_583] : memref<50x8x128x8x128xf32, #tpu.memory_space<hbm>> -> memref<1x1x1x8x128xf32, #tpu.memory_space<hbm>>
      %dma_start3A_585 = tpu.memref_squeeze %dma_start3A_584 : memref<1x1x1x8x128xf32, #tpu.memory_space<hbm>> -> memref<8x128xf32, #tpu.memory_space<hbm>>
      %dma_start3A_586 = arith.constant 0 : i32
      %dma_start3A_587 = arith.constant 0 : i32
      %dma_start3A_588 = tpu.memref_slice %arg4[%select_n3A_500, %dma_start3A_578, %rem3A_502, %dma_start3A_586, %dma_start3A_587] : memref<50x8x128x8x128xf32, #tpu.memory_space<hbm>> -> memref<1x1x1x8x128xf32, #tpu.memory_space<hbm>>
      %dma_start3A_589 = tpu.memref_squeeze %dma_start3A_588 : memref<1x1x1x8x128xf32, #tpu.memory_space<hbm>> -> memref<8x128xf32, #tpu.memory_space<hbm>>
      %dma_start3A_590 = arith.constant 40 : i32
      %dma_start3A_591 = arith.constant 0 : i32
      %dma_start3A_592 = tpu.memref_slice %arg9[%dma_start3A_590, %dma_start3A_591] : memref<64x137xf32, #tpu.memory_space<vmem>> -> memref<8x128xf32, #tpu.memory_space<vmem>>
      tpu.enqueue_dma source(%dma_start3A_592 : memref<8x128xf32, #tpu.memory_space<vmem>>) target(%dma_start3A_589 : memref<8x128xf32, #tpu.memory_space<hbm>>) target_semaphore(%arg13 : memref<!tpu.dma_semaphore, #tpu.memory_space<semaphore_mem>>)
      %dma_start3A_593 = arith.constant 6 : i32
      %dma_start3A_594 = arith.constant 48 : i32
      %dma_start3A_595 = arith.constant 0 : i32
      %dma_start3A_596 = tpu.memref_slice %arg9[%dma_start3A_594, %dma_start3A_595] : memref<64x137xf32, #tpu.memory_space<vmem>> -> memref<8x128xf32, #tpu.memory_space<vmem>>
      %dma_start3A_597 = arith.constant 0 : i32
      %dma_start3A_598 = arith.constant 0 : i32
      %dma_start3A_599 = tpu.memref_slice %arg4[%select_n3A_500, %dma_start3A_593, %rem3A_502, %dma_start3A_597, %dma_start3A_598] : memref<50x8x128x8x128xf32, #tpu.memory_space<hbm>> -> memref<1x1x1x8x128xf32, #tpu.memory_space<hbm>>
      %dma_start3A_600 = tpu.memref_squeeze %dma_start3A_599 : memref<1x1x1x8x128xf32, #tpu.memory_space<hbm>> -> memref<8x128xf32, #tpu.memory_space<hbm>>
      %dma_start3A_601 = arith.constant 0 : i32
      %dma_start3A_602 = arith.constant 0 : i32
      %dma_start3A_603 = tpu.memref_slice %arg4[%select_n3A_500, %dma_start3A_593, %rem3A_502, %dma_start3A_601, %dma_start3A_602] : memref<50x8x128x8x128xf32, #tpu.memory_space<hbm>> -> memref<1x1x1x8x128xf32, #tpu.memory_space<hbm>>
      %dma_start3A_604 = tpu.memref_squeeze %dma_start3A_603 : memref<1x1x1x8x128xf32, #tpu.memory_space<hbm>> -> memref<8x128xf32, #tpu.memory_space<hbm>>
      %dma_start3A_605 = arith.constant 48 : i32
      %dma_start3A_606 = arith.constant 0 : i32
      %dma_start3A_607 = tpu.memref_slice %arg9[%dma_start3A_605, %dma_start3A_606] : memref<64x137xf32, #tpu.memory_space<vmem>> -> memref<8x128xf32, #tpu.memory_space<vmem>>
      tpu.enqueue_dma source(%dma_start3A_607 : memref<8x128xf32, #tpu.memory_space<vmem>>) target(%dma_start3A_604 : memref<8x128xf32, #tpu.memory_space<hbm>>) target_semaphore(%arg13 : memref<!tpu.dma_semaphore, #tpu.memory_space<semaphore_mem>>)
      %dma_start3A_608 = arith.constant 7 : i32
      %dma_start3A_609 = arith.constant 56 : i32
      %dma_start3A_610 = arith.constant 0 : i32
      %dma_start3A_611 = tpu.memref_slice %arg9[%dma_start3A_609, %dma_start3A_610] : memref<64x137xf32, #tpu.memory_space<vmem>> -> memref<8x128xf32, #tpu.memory_space<vmem>>
      %dma_start3A_612 = arith.constant 0 : i32
      %dma_start3A_613 = arith.constant 0 : i32
      %dma_start3A_614 = tpu.memref_slice %arg4[%select_n3A_500, %dma_start3A_608, %rem3A_502, %dma_start3A_612, %dma_start3A_613] : memref<50x8x128x8x128xf32, #tpu.memory_space<hbm>> -> memref<1x1x1x8x128xf32, #tpu.memory_space<hbm>>
      %dma_start3A_615 = tpu.memref_squeeze %dma_start3A_614 : memref<1x1x1x8x128xf32, #tpu.memory_space<hbm>> -> memref<8x128xf32, #tpu.memory_space<hbm>>
      %dma_start3A_616 = arith.constant 0 : i32
      %dma_start3A_617 = arith.constant 0 : i32
      %dma_start3A_618 = tpu.memref_slice %arg4[%select_n3A_500, %dma_start3A_608, %rem3A_502, %dma_start3A_616, %dma_start3A_617] : memref<50x8x128x8x128xf32, #tpu.memory_space<hbm>> -> memref<1x1x1x8x128xf32, #tpu.memory_space<hbm>>
      %dma_start3A_619 = tpu.memref_squeeze %dma_start3A_618 : memref<1x1x1x8x128xf32, #tpu.memory_space<hbm>> -> memref<8x128xf32, #tpu.memory_space<hbm>>
      %dma_start3A_620 = arith.constant 56 : i32
      %dma_start3A_621 = arith.constant 0 : i32
      %dma_start3A_622 = tpu.memref_slice %arg9[%dma_start3A_620, %dma_start3A_621] : memref<64x137xf32, #tpu.memory_space<vmem>> -> memref<8x128xf32, #tpu.memory_space<vmem>>
      tpu.enqueue_dma source(%dma_start3A_622 : memref<8x128xf32, #tpu.memory_space<vmem>>) target(%dma_start3A_619 : memref<8x128xf32, #tpu.memory_space<hbm>>) target_semaphore(%arg13 : memref<!tpu.dma_semaphore, #tpu.memory_space<semaphore_mem>>)
      %lt3A_623 = arith.constant 99 : i32
      %lt3A_624 = arith.cmpi slt, %scan3A_304, %lt3A_623 : i32
      %convert_element_type3A_625 = arith.extui %lt3A_624 : i1 to i32
      %cond3A_626 = arith.constant 0 : i32
      %cond3A_627 = arith.cmpi ne, %convert_element_type3A_625, %cond3A_626 : i32
      scf.if %cond3A_627 {
        %add3A_628 = arith.constant 3 : i32
        %add3A_629 = arith.addi %mul3A_306, %add3A_628 : i32
        %dma_start3A_630 = arith.constant 0 : i32
        %dma_start3A_631 = tpu.memref_slice %arg5[%add3A_629, %dma_start3A_630] : memref<200x128xi32, #tpu.memory_space<vmem>> -> memref<1x128xi32, #tpu.memory_space<vmem>>
        %dma_start3A_632 = tpu.memref_squeeze %dma_start3A_631 : memref<1x128xi32, #tpu.memory_space<vmem>> -> memref<128xi32, #tpu.memory_space<vmem>>
        %dma_start3A_633 = arith.constant 0 : i32
        %dma_start3A_634 = arith.constant 0 : i32
        %dma_start3A_635 = tpu.memref_slice %arg2[%dma_start3A_633, %dma_start3A_634] : memref<1000000x64xf32, #tpu.memory_space<hbm>> -> memref<1000000x64xf32, #tpu.memory_space<hbm>>
        tpu.enqueue_indirect_dma source(%dma_start3A_635 : memref<1000000x64xf32, #tpu.memory_space<hbm>>) target(%arg7 : memref<128x64xf32, #tpu.memory_space<vmem>>) offsets(%dma_start3A_632 : memref<128xi32, #tpu.memory_space<vmem>>) semaphore(%arg11 : memref<!tpu.dma_semaphore, #tpu.memory_space<semaphore_mem>>)
      } else {
      }
    }
    %scan3A_32 = arith.constant 100 : i32
    %dma_wait3A = arith.constant 0 : i32
    %dma_wait3A_33 = arith.constant 0 : i32
    %dma_wait3A_34 = arith.constant 0 : i32
    %dma_wait3A_35 = arith.constant 0 : i32
    %dma_wait3A_36 = arith.constant 0 : i32
    %dma_wait3A_37 = tpu.memref_slice %arg8[%dma_wait3A_35, %dma_wait3A_36] : memref<64x137xf32, #tpu.memory_space<vmem>> -> memref<8x128xf32, #tpu.memory_space<vmem>>
    %dma_wait3A_38 = arith.constant 0 : i32
    %dma_wait3A_39 = arith.constant 0 : i32
    %dma_wait3A_40 = tpu.memref_slice %arg4[%dma_wait3A, %dma_wait3A_33, %dma_wait3A_34, %dma_wait3A_38, %dma_wait3A_39] : memref<50x8x128x8x128xf32, #tpu.memory_space<hbm>> -> memref<1x1x1x8x128xf32, #tpu.memory_space<hbm>>
    %dma_wait3A_41 = tpu.memref_squeeze %dma_wait3A_40 : memref<1x1x1x8x128xf32, #tpu.memory_space<hbm>> -> memref<8x128xf32, #tpu.memory_space<hbm>>
    %dma_wait3A_42 = arith.constant 0 : i32
    %dma_wait3A_43 = arith.constant 0 : i32
    %dma_wait3A_44 = tpu.memref_slice %arg4[%dma_wait3A, %dma_wait3A_33, %dma_wait3A_34, %dma_wait3A_42, %dma_wait3A_43] : memref<50x8x128x8x128xf32, #tpu.memory_space<hbm>> -> memref<1x1x1x8x128xf32, #tpu.memory_space<hbm>>
    %dma_wait3A_45 = tpu.memref_squeeze %dma_wait3A_44 : memref<1x1x1x8x128xf32, #tpu.memory_space<hbm>> -> memref<8x128xf32, #tpu.memory_space<hbm>>
    %dma_wait3A_46 = arith.constant 0 : i32
    %dma_wait3A_47 = arith.constant 0 : i32
    %dma_wait3A_48 = tpu.memref_slice %arg8[%dma_wait3A_46, %dma_wait3A_47] : memref<64x137xf32, #tpu.memory_space<vmem>> -> memref<8x128xf32, #tpu.memory_space<vmem>>
    tpu.wait_dma2 semaphore(%arg12 : memref<!tpu.dma_semaphore, #tpu.memory_space<semaphore_mem>>) src(%dma_wait3A_48 : memref<8x128xf32, #tpu.memory_space<vmem>>) dst(%dma_wait3A_45 : memref<8x128xf32, #tpu.memory_space<hbm>>)
    %dma_wait3A_49 = arith.constant 0 : i32
    %dma_wait3A_50 = arith.constant 1 : i32
    %dma_wait3A_51 = arith.constant 0 : i32
    %dma_wait3A_52 = arith.constant 8 : i32
    %dma_wait3A_53 = arith.constant 0 : i32
    %dma_wait3A_54 = tpu.memref_slice %arg8[%dma_wait3A_52, %dma_wait3A_53] : memref<64x137xf32, #tpu.memory_space<vmem>> -> memref<8x128xf32, #tpu.memory_space<vmem>>
    %dma_wait3A_55 = arith.constant 0 : i32
    %dma_wait3A_56 = arith.constant 0 : i32
    %dma_wait3A_57 = tpu.memref_slice %arg4[%dma_wait3A_49, %dma_wait3A_50, %dma_wait3A_51, %dma_wait3A_55, %dma_wait3A_56] : memref<50x8x128x8x128xf32, #tpu.memory_space<hbm>> -> memref<1x1x1x8x128xf32, #tpu.memory_space<hbm>>
    %dma_wait3A_58 = tpu.memref_squeeze %dma_wait3A_57 : memref<1x1x1x8x128xf32, #tpu.memory_space<hbm>> -> memref<8x128xf32, #tpu.memory_space<hbm>>
    %dma_wait3A_59 = arith.constant 0 : i32
    %dma_wait3A_60 = arith.constant 0 : i32
    %dma_wait3A_61 = tpu.memref_slice %arg4[%dma_wait3A_49, %dma_wait3A_50, %dma_wait3A_51, %dma_wait3A_59, %dma_wait3A_60] : memref<50x8x128x8x128xf32, #tpu.memory_space<hbm>> -> memref<1x1x1x8x128xf32, #tpu.memory_space<hbm>>
    %dma_wait3A_62 = tpu.memref_squeeze %dma_wait3A_61 : memref<1x1x1x8x128xf32, #tpu.memory_space<hbm>> -> memref<8x128xf32, #tpu.memory_space<hbm>>
    %dma_wait3A_63 = arith.constant 8 : i32
    %dma_wait3A_64 = arith.constant 0 : i32
    %dma_wait3A_65 = tpu.memref_slice %arg8[%dma_wait3A_63, %dma_wait3A_64] : memref<64x137xf32, #tpu.memory_space<vmem>> -> memref<8x128xf32, #tpu.memory_space<vmem>>
    tpu.wait_dma2 semaphore(%arg12 : memref<!tpu.dma_semaphore, #tpu.memory_space<semaphore_mem>>) src(%dma_wait3A_65 : memref<8x128xf32, #tpu.memory_space<vmem>>) dst(%dma_wait3A_62 : memref<8x128xf32, #tpu.memory_space<hbm>>)
    %dma_wait3A_66 = arith.constant 0 : i32
    %dma_wait3A_67 = arith.constant 2 : i32
    %dma_wait3A_68 = arith.constant 0 : i32
    %dma_wait3A_69 = arith.constant 16 : i32
    %dma_wait3A_70 = arith.constant 0 : i32
    %dma_wait3A_71 = tpu.memref_slice %arg8[%dma_wait3A_69, %dma_wait3A_70] : memref<64x137xf32, #tpu.memory_space<vmem>> -> memref<8x128xf32, #tpu.memory_space<vmem>>
    %dma_wait3A_72 = arith.constant 0 : i32
    %dma_wait3A_73 = arith.constant 0 : i32
    %dma_wait3A_74 = tpu.memref_slice %arg4[%dma_wait3A_66, %dma_wait3A_67, %dma_wait3A_68, %dma_wait3A_72, %dma_wait3A_73] : memref<50x8x128x8x128xf32, #tpu.memory_space<hbm>> -> memref<1x1x1x8x128xf32, #tpu.memory_space<hbm>>
    %dma_wait3A_75 = tpu.memref_squeeze %dma_wait3A_74 : memref<1x1x1x8x128xf32, #tpu.memory_space<hbm>> -> memref<8x128xf32, #tpu.memory_space<hbm>>
    %dma_wait3A_76 = arith.constant 0 : i32
    %dma_wait3A_77 = arith.constant 0 : i32
    %dma_wait3A_78 = tpu.memref_slice %arg4[%dma_wait3A_66, %dma_wait3A_67, %dma_wait3A_68, %dma_wait3A_76, %dma_wait3A_77] : memref<50x8x128x8x128xf32, #tpu.memory_space<hbm>> -> memref<1x1x1x8x128xf32, #tpu.memory_space<hbm>>
    %dma_wait3A_79 = tpu.memref_squeeze %dma_wait3A_78 : memref<1x1x1x8x128xf32, #tpu.memory_space<hbm>> -> memref<8x128xf32, #tpu.memory_space<hbm>>
    %dma_wait3A_80 = arith.constant 16 : i32
    %dma_wait3A_81 = arith.constant 0 : i32
    %dma_wait3A_82 = tpu.memref_slice %arg8[%dma_wait3A_80, %dma_wait3A_81] : memref<64x137xf32, #tpu.memory_space<vmem>> -> memref<8x128xf32, #tpu.memory_space<vmem>>
    tpu.wait_dma2 semaphore(%arg12 : memref<!tpu.dma_semaphore, #tpu.memory_space<semaphore_mem>>) src(%dma_wait3A_82 : memref<8x128xf32, #tpu.memory_space<vmem>>) dst(%dma_wait3A_79 : memref<8x128xf32, #tpu.memory_space<hbm>>)
    %dma_wait3A_83 = arith.constant 0 : i32
    %dma_wait3A_84 = arith.constant 3 : i32
    %dma_wait3A_85 = arith.constant 0 : i32
    %dma_wait3A_86 = arith.constant 24 : i32
    %dma_wait3A_87 = arith.constant 0 : i32
    %dma_wait3A_88 = tpu.memref_slice %arg8[%dma_wait3A_86, %dma_wait3A_87] : memref<64x137xf32, #tpu.memory_space<vmem>> -> memref<8x128xf32, #tpu.memory_space<vmem>>
    %dma_wait3A_89 = arith.constant 0 : i32
    %dma_wait3A_90 = arith.constant 0 : i32
    %dma_wait3A_91 = tpu.memref_slice %arg4[%dma_wait3A_83, %dma_wait3A_84, %dma_wait3A_85, %dma_wait3A_89, %dma_wait3A_90] : memref<50x8x128x8x128xf32, #tpu.memory_space<hbm>> -> memref<1x1x1x8x128xf32, #tpu.memory_space<hbm>>
    %dma_wait3A_92 = tpu.memref_squeeze %dma_wait3A_91 : memref<1x1x1x8x128xf32, #tpu.memory_space<hbm>> -> memref<8x128xf32, #tpu.memory_space<hbm>>
    %dma_wait3A_93 = arith.constant 0 : i32
    %dma_wait3A_94 = arith.constant 0 : i32
    %dma_wait3A_95 = tpu.memref_slice %arg4[%dma_wait3A_83, %dma_wait3A_84, %dma_wait3A_85, %dma_wait3A_93, %dma_wait3A_94] : memref<50x8x128x8x128xf32, #tpu.memory_space<hbm>> -> memref<1x1x1x8x128xf32, #tpu.memory_space<hbm>>
    %dma_wait3A_96 = tpu.memref_squeeze %dma_wait3A_95 : memref<1x1x1x8x128xf32, #tpu.memory_space<hbm>> -> memref<8x128xf32, #tpu.memory_space<hbm>>
    %dma_wait3A_97 = arith.constant 24 : i32
    %dma_wait3A_98 = arith.constant 0 : i32
    %dma_wait3A_99 = tpu.memref_slice %arg8[%dma_wait3A_97, %dma_wait3A_98] : memref<64x137xf32, #tpu.memory_space<vmem>> -> memref<8x128xf32, #tpu.memory_space<vmem>>
    tpu.wait_dma2 semaphore(%arg12 : memref<!tpu.dma_semaphore, #tpu.memory_space<semaphore_mem>>) src(%dma_wait3A_99 : memref<8x128xf32, #tpu.memory_space<vmem>>) dst(%dma_wait3A_96 : memref<8x128xf32, #tpu.memory_space<hbm>>)
    %dma_wait3A_100 = arith.constant 0 : i32
    %dma_wait3A_101 = arith.constant 4 : i32
    %dma_wait3A_102 = arith.constant 0 : i32
    %dma_wait3A_103 = arith.constant 32 : i32
    %dma_wait3A_104 = arith.constant 0 : i32
    %dma_wait3A_105 = tpu.memref_slice %arg8[%dma_wait3A_103, %dma_wait3A_104] : memref<64x137xf32, #tpu.memory_space<vmem>> -> memref<8x128xf32, #tpu.memory_space<vmem>>
    %dma_wait3A_106 = arith.constant 0 : i32
    %dma_wait3A_107 = arith.constant 0 : i32
    %dma_wait3A_108 = tpu.memref_slice %arg4[%dma_wait3A_100, %dma_wait3A_101, %dma_wait3A_102, %dma_wait3A_106, %dma_wait3A_107] : memref<50x8x128x8x128xf32, #tpu.memory_space<hbm>> -> memref<1x1x1x8x128xf32, #tpu.memory_space<hbm>>
    %dma_wait3A_109 = tpu.memref_squeeze %dma_wait3A_108 : memref<1x1x1x8x128xf32, #tpu.memory_space<hbm>> -> memref<8x128xf32, #tpu.memory_space<hbm>>
    %dma_wait3A_110 = arith.constant 0 : i32
    %dma_wait3A_111 = arith.constant 0 : i32
    %dma_wait3A_112 = tpu.memref_slice %arg4[%dma_wait3A_100, %dma_wait3A_101, %dma_wait3A_102, %dma_wait3A_110, %dma_wait3A_111] : memref<50x8x128x8x128xf32, #tpu.memory_space<hbm>> -> memref<1x1x1x8x128xf32, #tpu.memory_space<hbm>>
    %dma_wait3A_113 = tpu.memref_squeeze %dma_wait3A_112 : memref<1x1x1x8x128xf32, #tpu.memory_space<hbm>> -> memref<8x128xf32, #tpu.memory_space<hbm>>
    %dma_wait3A_114 = arith.constant 32 : i32
    %dma_wait3A_115 = arith.constant 0 : i32
    %dma_wait3A_116 = tpu.memref_slice %arg8[%dma_wait3A_114, %dma_wait3A_115] : memref<64x137xf32, #tpu.memory_space<vmem>> -> memref<8x128xf32, #tpu.memory_space<vmem>>
    tpu.wait_dma2 semaphore(%arg12 : memref<!tpu.dma_semaphore, #tpu.memory_space<semaphore_mem>>) src(%dma_wait3A_116 : memref<8x128xf32, #tpu.memory_space<vmem>>) dst(%dma_wait3A_113 : memref<8x128xf32, #tpu.memory_space<hbm>>)
    %dma_wait3A_117 = arith.constant 0 : i32
    %dma_wait3A_118 = arith.constant 5 : i32
    %dma_wait3A_119 = arith.constant 0 : i32
    %dma_wait3A_120 = arith.constant 40 : i32
    %dma_wait3A_121 = arith.constant 0 : i32
    %dma_wait3A_122 = tpu.memref_slice %arg8[%dma_wait3A_120, %dma_wait3A_121] : memref<64x137xf32, #tpu.memory_space<vmem>> -> memref<8x128xf32, #tpu.memory_space<vmem>>
    %dma_wait3A_123 = arith.constant 0 : i32
    %dma_wait3A_124 = arith.constant 0 : i32
    %dma_wait3A_125 = tpu.memref_slice %arg4[%dma_wait3A_117, %dma_wait3A_118, %dma_wait3A_119, %dma_wait3A_123, %dma_wait3A_124] : memref<50x8x128x8x128xf32, #tpu.memory_space<hbm>> -> memref<1x1x1x8x128xf32, #tpu.memory_space<hbm>>
    %dma_wait3A_126 = tpu.memref_squeeze %dma_wait3A_125 : memref<1x1x1x8x128xf32, #tpu.memory_space<hbm>> -> memref<8x128xf32, #tpu.memory_space<hbm>>
    %dma_wait3A_127 = arith.constant 0 : i32
    %dma_wait3A_128 = arith.constant 0 : i32
    %dma_wait3A_129 = tpu.memref_slice %arg4[%dma_wait3A_117, %dma_wait3A_118, %dma_wait3A_119, %dma_wait3A_127, %dma_wait3A_128] : memref<50x8x128x8x128xf32, #tpu.memory_space<hbm>> -> memref<1x1x1x8x128xf32, #tpu.memory_space<hbm>>
    %dma_wait3A_130 = tpu.memref_squeeze %dma_wait3A_129 : memref<1x1x1x8x128xf32, #tpu.memory_space<hbm>> -> memref<8x128xf32, #tpu.memory_space<hbm>>
    %dma_wait3A_131 = arith.constant 40 : i32
    %dma_wait3A_132 = arith.constant 0 : i32
    %dma_wait3A_133 = tpu.memref_slice %arg8[%dma_wait3A_131, %dma_wait3A_132] : memref<64x137xf32, #tpu.memory_space<vmem>> -> memref<8x128xf32, #tpu.memory_space<vmem>>
    tpu.wait_dma2 semaphore(%arg12 : memref<!tpu.dma_semaphore, #tpu.memory_space<semaphore_mem>>) src(%dma_wait3A_133 : memref<8x128xf32, #tpu.memory_space<vmem>>) dst(%dma_wait3A_130 : memref<8x128xf32, #tpu.memory_space<hbm>>)
    %dma_wait3A_134 = arith.constant 0 : i32
    %dma_wait3A_135 = arith.constant 6 : i32
    %dma_wait3A_136 = arith.constant 0 : i32
    %dma_wait3A_137 = arith.constant 48 : i32
    %dma_wait3A_138 = arith.constant 0 : i32
    %dma_wait3A_139 = tpu.memref_slice %arg8[%dma_wait3A_137, %dma_wait3A_138] : memref<64x137xf32, #tpu.memory_space<vmem>> -> memref<8x128xf32, #tpu.memory_space<vmem>>
    %dma_wait3A_140 = arith.constant 0 : i32
    %dma_wait3A_141 = arith.constant 0 : i32
    %dma_wait3A_142 = tpu.memref_slice %arg4[%dma_wait3A_134, %dma_wait3A_135, %dma_wait3A_136, %dma_wait3A_140, %dma_wait3A_141] : memref<50x8x128x8x128xf32, #tpu.memory_space<hbm>> -> memref<1x1x1x8x128xf32, #tpu.memory_space<hbm>>
    %dma_wait3A_143 = tpu.memref_squeeze %dma_wait3A_142 : memref<1x1x1x8x128xf32, #tpu.memory_space<hbm>> -> memref<8x128xf32, #tpu.memory_space<hbm>>
    %dma_wait3A_144 = arith.constant 0 : i32
    %dma_wait3A_145 = arith.constant 0 : i32
    %dma_wait3A_146 = tpu.memref_slice %arg4[%dma_wait3A_134, %dma_wait3A_135, %dma_wait3A_136, %dma_wait3A_144, %dma_wait3A_145] : memref<50x8x128x8x128xf32, #tpu.memory_space<hbm>> -> memref<1x1x1x8x128xf32, #tpu.memory_space<hbm>>
    %dma_wait3A_147 = tpu.memref_squeeze %dma_wait3A_146 : memref<1x1x1x8x128xf32, #tpu.memory_space<hbm>> -> memref<8x128xf32, #tpu.memory_space<hbm>>
    %dma_wait3A_148 = arith.constant 48 : i32
    %dma_wait3A_149 = arith.constant 0 : i32
    %dma_wait3A_150 = tpu.memref_slice %arg8[%dma_wait3A_148, %dma_wait3A_149] : memref<64x137xf32, #tpu.memory_space<vmem>> -> memref<8x128xf32, #tpu.memory_space<vmem>>
    tpu.wait_dma2 semaphore(%arg12 : memref<!tpu.dma_semaphore, #tpu.memory_space<semaphore_mem>>) src(%dma_wait3A_150 : memref<8x128xf32, #tpu.memory_space<vmem>>) dst(%dma_wait3A_147 : memref<8x128xf32, #tpu.memory_space<hbm>>)
    %dma_wait3A_151 = arith.constant 0 : i32
    %dma_wait3A_152 = arith.constant 7 : i32
    %dma_wait3A_153 = arith.constant 0 : i32
    %dma_wait3A_154 = arith.constant 56 : i32
    %dma_wait3A_155 = arith.constant 0 : i32
    %dma_wait3A_156 = tpu.memref_slice %arg8[%dma_wait3A_154, %dma_wait3A_155] : memref<64x137xf32, #tpu.memory_space<vmem>> -> memref<8x128xf32, #tpu.memory_space<vmem>>
    %dma_wait3A_157 = arith.constant 0 : i32
    %dma_wait3A_158 = arith.constant 0 : i32
    %dma_wait3A_159 = tpu.memref_slice %arg4[%dma_wait3A_151, %dma_wait3A_152, %dma_wait3A_153, %dma_wait3A_157, %dma_wait3A_158] : memref<50x8x128x8x128xf32, #tpu.memory_space<hbm>> -> memref<1x1x1x8x128xf32, #tpu.memory_space<hbm>>
    %dma_wait3A_160 = tpu.memref_squeeze %dma_wait3A_159 : memref<1x1x1x8x128xf32, #tpu.memory_space<hbm>> -> memref<8x128xf32, #tpu.memory_space<hbm>>
    %dma_wait3A_161 = arith.constant 0 : i32
    %dma_wait3A_162 = arith.constant 0 : i32
    %dma_wait3A_163 = tpu.memref_slice %arg4[%dma_wait3A_151, %dma_wait3A_152, %dma_wait3A_153, %dma_wait3A_161, %dma_wait3A_162] : memref<50x8x128x8x128xf32, #tpu.memory_space<hbm>> -> memref<1x1x1x8x128xf32, #tpu.memory_space<hbm>>
    %dma_wait3A_164 = tpu.memref_squeeze %dma_wait3A_163 : memref<1x1x1x8x128xf32, #tpu.memory_space<hbm>> -> memref<8x128xf32, #tpu.memory_space<hbm>>
    %dma_wait3A_165 = arith.constant 56 : i32
    %dma_wait3A_166 = arith.constant 0 : i32
    %dma_wait3A_167 = tpu.memref_slice %arg8[%dma_wait3A_165, %dma_wait3A_166] : memref<64x137xf32, #tpu.memory_space<vmem>> -> memref<8x128xf32, #tpu.memory_space<vmem>>
    tpu.wait_dma2 semaphore(%arg12 : memref<!tpu.dma_semaphore, #tpu.memory_space<semaphore_mem>>) src(%dma_wait3A_167 : memref<8x128xf32, #tpu.memory_space<vmem>>) dst(%dma_wait3A_164 : memref<8x128xf32, #tpu.memory_space<hbm>>)
    %dma_wait3A_168 = arith.constant 0 : i32
    %dma_wait3A_169 = arith.constant 0 : i32
    %dma_wait3A_170 = arith.constant 0 : i32
    %dma_wait3A_171 = arith.constant 0 : i32
    %dma_wait3A_172 = arith.constant 0 : i32
    %dma_wait3A_173 = tpu.memref_slice %arg9[%dma_wait3A_171, %dma_wait3A_172] : memref<64x137xf32, #tpu.memory_space<vmem>> -> memref<8x128xf32, #tpu.memory_space<vmem>>
    %dma_wait3A_174 = arith.constant 0 : i32
    %dma_wait3A_175 = arith.constant 0 : i32
    %dma_wait3A_176 = tpu.memref_slice %arg4[%dma_wait3A_168, %dma_wait3A_169, %dma_wait3A_170, %dma_wait3A_174, %dma_wait3A_175] : memref<50x8x128x8x128xf32, #tpu.memory_space<hbm>> -> memref<1x1x1x8x128xf32, #tpu.memory_space<hbm>>
    %dma_wait3A_177 = tpu.memref_squeeze %dma_wait3A_176 : memref<1x1x1x8x128xf32, #tpu.memory_space<hbm>> -> memref<8x128xf32, #tpu.memory_space<hbm>>
    %dma_wait3A_178 = arith.constant 0 : i32
    %dma_wait3A_179 = arith.constant 0 : i32
    %dma_wait3A_180 = tpu.memref_slice %arg4[%dma_wait3A_168, %dma_wait3A_169, %dma_wait3A_170, %dma_wait3A_178, %dma_wait3A_179] : memref<50x8x128x8x128xf32, #tpu.memory_space<hbm>> -> memref<1x1x1x8x128xf32, #tpu.memory_space<hbm>>
    %dma_wait3A_181 = tpu.memref_squeeze %dma_wait3A_180 : memref<1x1x1x8x128xf32, #tpu.memory_space<hbm>> -> memref<8x128xf32, #tpu.memory_space<hbm>>
    %dma_wait3A_182 = arith.constant 0 : i32
    %dma_wait3A_183 = arith.constant 0 : i32
    %dma_wait3A_184 = tpu.memref_slice %arg9[%dma_wait3A_182, %dma_wait3A_183] : memref<64x137xf32, #tpu.memory_space<vmem>> -> memref<8x128xf32, #tpu.memory_space<vmem>>
    tpu.wait_dma2 semaphore(%arg13 : memref<!tpu.dma_semaphore, #tpu.memory_space<semaphore_mem>>) src(%dma_wait3A_184 : memref<8x128xf32, #tpu.memory_space<vmem>>) dst(%dma_wait3A_181 : memref<8x128xf32, #tpu.memory_space<hbm>>)
    %dma_wait3A_185 = arith.constant 0 : i32
    %dma_wait3A_186 = arith.constant 1 : i32
    %dma_wait3A_187 = arith.constant 0 : i32
    %dma_wait3A_188 = arith.constant 8 : i32
    %dma_wait3A_189 = arith.constant 0 : i32
    %dma_wait3A_190 = tpu.memref_slice %arg9[%dma_wait3A_188, %dma_wait3A_189] : memref<64x137xf32, #tpu.memory_space<vmem>> -> memref<8x128xf32, #tpu.memory_space<vmem>>
    %dma_wait3A_191 = arith.constant 0 : i32
    %dma_wait3A_192 = arith.constant 0 : i32
    %dma_wait3A_193 = tpu.memref_slice %arg4[%dma_wait3A_185, %dma_wait3A_186, %dma_wait3A_187, %dma_wait3A_191, %dma_wait3A_192] : memref<50x8x128x8x128xf32, #tpu.memory_space<hbm>> -> memref<1x1x1x8x128xf32, #tpu.memory_space<hbm>>
    %dma_wait3A_194 = tpu.memref_squeeze %dma_wait3A_193 : memref<1x1x1x8x128xf32, #tpu.memory_space<hbm>> -> memref<8x128xf32, #tpu.memory_space<hbm>>
    %dma_wait3A_195 = arith.constant 0 : i32
    %dma_wait3A_196 = arith.constant 0 : i32
    %dma_wait3A_197 = tpu.memref_slice %arg4[%dma_wait3A_185, %dma_wait3A_186, %dma_wait3A_187, %dma_wait3A_195, %dma_wait3A_196] : memref<50x8x128x8x128xf32, #tpu.memory_space<hbm>> -> memref<1x1x1x8x128xf32, #tpu.memory_space<hbm>>
    %dma_wait3A_198 = tpu.memref_squeeze %dma_wait3A_197 : memref<1x1x1x8x128xf32, #tpu.memory_space<hbm>> -> memref<8x128xf32, #tpu.memory_space<hbm>>
    %dma_wait3A_199 = arith.constant 8 : i32
    %dma_wait3A_200 = arith.constant 0 : i32
    %dma_wait3A_201 = tpu.memref_slice %arg9[%dma_wait3A_199, %dma_wait3A_200] : memref<64x137xf32, #tpu.memory_space<vmem>> -> memref<8x128xf32, #tpu.memory_space<vmem>>
    tpu.wait_dma2 semaphore(%arg13 : memref<!tpu.dma_semaphore, #tpu.memory_space<semaphore_mem>>) src(%dma_wait3A_201 : memref<8x128xf32, #tpu.memory_space<vmem>>) dst(%dma_wait3A_198 : memref<8x128xf32, #tpu.memory_space<hbm>>)
    %dma_wait3A_202 = arith.constant 0 : i32
    %dma_wait3A_203 = arith.constant 2 : i32
    %dma_wait3A_204 = arith.constant 0 : i32
    %dma_wait3A_205 = arith.constant 16 : i32
    %dma_wait3A_206 = arith.constant 0 : i32
    %dma_wait3A_207 = tpu.memref_slice %arg9[%dma_wait3A_205, %dma_wait3A_206] : memref<64x137xf32, #tpu.memory_space<vmem>> -> memref<8x128xf32, #tpu.memory_space<vmem>>
    %dma_wait3A_208 = arith.constant 0 : i32
    %dma_wait3A_209 = arith.constant 0 : i32
    %dma_wait3A_210 = tpu.memref_slice %arg4[%dma_wait3A_202, %dma_wait3A_203, %dma_wait3A_204, %dma_wait3A_208, %dma_wait3A_209] : memref<50x8x128x8x128xf32, #tpu.memory_space<hbm>> -> memref<1x1x1x8x128xf32, #tpu.memory_space<hbm>>
    %dma_wait3A_211 = tpu.memref_squeeze %dma_wait3A_210 : memref<1x1x1x8x128xf32, #tpu.memory_space<hbm>> -> memref<8x128xf32, #tpu.memory_space<hbm>>
    %dma_wait3A_212 = arith.constant 0 : i32
    %dma_wait3A_213 = arith.constant 0 : i32
    %dma_wait3A_214 = tpu.memref_slice %arg4[%dma_wait3A_202, %dma_wait3A_203, %dma_wait3A_204, %dma_wait3A_212, %dma_wait3A_213] : memref<50x8x128x8x128xf32, #tpu.memory_space<hbm>> -> memref<1x1x1x8x128xf32, #tpu.memory_space<hbm>>
    %dma_wait3A_215 = tpu.memref_squeeze %dma_wait3A_214 : memref<1x1x1x8x128xf32, #tpu.memory_space<hbm>> -> memref<8x128xf32, #tpu.memory_space<hbm>>
    %dma_wait3A_216 = arith.constant 16 : i32
    %dma_wait3A_217 = arith.constant 0 : i32
    %dma_wait3A_218 = tpu.memref_slice %arg9[%dma_wait3A_216, %dma_wait3A_217] : memref<64x137xf32, #tpu.memory_space<vmem>> -> memref<8x128xf32, #tpu.memory_space<vmem>>
    tpu.wait_dma2 semaphore(%arg13 : memref<!tpu.dma_semaphore, #tpu.memory_space<semaphore_mem>>) src(%dma_wait3A_218 : memref<8x128xf32, #tpu.memory_space<vmem>>) dst(%dma_wait3A_215 : memref<8x128xf32, #tpu.memory_space<hbm>>)
    %dma_wait3A_219 = arith.constant 0 : i32
    %dma_wait3A_220 = arith.constant 3 : i32
    %dma_wait3A_221 = arith.constant 0 : i32
    %dma_wait3A_222 = arith.constant 24 : i32
    %dma_wait3A_223 = arith.constant 0 : i32
    %dma_wait3A_224 = tpu.memref_slice %arg9[%dma_wait3A_222, %dma_wait3A_223] : memref<64x137xf32, #tpu.memory_space<vmem>> -> memref<8x128xf32, #tpu.memory_space<vmem>>
    %dma_wait3A_225 = arith.constant 0 : i32
    %dma_wait3A_226 = arith.constant 0 : i32
    %dma_wait3A_227 = tpu.memref_slice %arg4[%dma_wait3A_219, %dma_wait3A_220, %dma_wait3A_221, %dma_wait3A_225, %dma_wait3A_226] : memref<50x8x128x8x128xf32, #tpu.memory_space<hbm>> -> memref<1x1x1x8x128xf32, #tpu.memory_space<hbm>>
    %dma_wait3A_228 = tpu.memref_squeeze %dma_wait3A_227 : memref<1x1x1x8x128xf32, #tpu.memory_space<hbm>> -> memref<8x128xf32, #tpu.memory_space<hbm>>
    %dma_wait3A_229 = arith.constant 0 : i32
    %dma_wait3A_230 = arith.constant 0 : i32
    %dma_wait3A_231 = tpu.memref_slice %arg4[%dma_wait3A_219, %dma_wait3A_220, %dma_wait3A_221, %dma_wait3A_229, %dma_wait3A_230] : memref<50x8x128x8x128xf32, #tpu.memory_space<hbm>> -> memref<1x1x1x8x128xf32, #tpu.memory_space<hbm>>
    %dma_wait3A_232 = tpu.memref_squeeze %dma_wait3A_231 : memref<1x1x1x8x128xf32, #tpu.memory_space<hbm>> -> memref<8x128xf32, #tpu.memory_space<hbm>>
    %dma_wait3A_233 = arith.constant 24 : i32
    %dma_wait3A_234 = arith.constant 0 : i32
    %dma_wait3A_235 = tpu.memref_slice %arg9[%dma_wait3A_233, %dma_wait3A_234] : memref<64x137xf32, #tpu.memory_space<vmem>> -> memref<8x128xf32, #tpu.memory_space<vmem>>
    tpu.wait_dma2 semaphore(%arg13 : memref<!tpu.dma_semaphore, #tpu.memory_space<semaphore_mem>>) src(%dma_wait3A_235 : memref<8x128xf32, #tpu.memory_space<vmem>>) dst(%dma_wait3A_232 : memref<8x128xf32, #tpu.memory_space<hbm>>)
    %dma_wait3A_236 = arith.constant 0 : i32
    %dma_wait3A_237 = arith.constant 4 : i32
    %dma_wait3A_238 = arith.constant 0 : i32
    %dma_wait3A_239 = arith.constant 32 : i32
    %dma_wait3A_240 = arith.constant 0 : i32
    %dma_wait3A_241 = tpu.memref_slice %arg9[%dma_wait3A_239, %dma_wait3A_240] : memref<64x137xf32, #tpu.memory_space<vmem>> -> memref<8x128xf32, #tpu.memory_space<vmem>>
    %dma_wait3A_242 = arith.constant 0 : i32
    %dma_wait3A_243 = arith.constant 0 : i32
    %dma_wait3A_244 = tpu.memref_slice %arg4[%dma_wait3A_236, %dma_wait3A_237, %dma_wait3A_238, %dma_wait3A_242, %dma_wait3A_243] : memref<50x8x128x8x128xf32, #tpu.memory_space<hbm>> -> memref<1x1x1x8x128xf32, #tpu.memory_space<hbm>>
    %dma_wait3A_245 = tpu.memref_squeeze %dma_wait3A_244 : memref<1x1x1x8x128xf32, #tpu.memory_space<hbm>> -> memref<8x128xf32, #tpu.memory_space<hbm>>
    %dma_wait3A_246 = arith.constant 0 : i32
    %dma_wait3A_247 = arith.constant 0 : i32
    %dma_wait3A_248 = tpu.memref_slice %arg4[%dma_wait3A_236, %dma_wait3A_237, %dma_wait3A_238, %dma_wait3A_246, %dma_wait3A_247] : memref<50x8x128x8x128xf32, #tpu.memory_space<hbm>> -> memref<1x1x1x8x128xf32, #tpu.memory_space<hbm>>
    %dma_wait3A_249 = tpu.memref_squeeze %dma_wait3A_248 : memref<1x1x1x8x128xf32, #tpu.memory_space<hbm>> -> memref<8x128xf32, #tpu.memory_space<hbm>>
    %dma_wait3A_250 = arith.constant 32 : i32
    %dma_wait3A_251 = arith.constant 0 : i32
    %dma_wait3A_252 = tpu.memref_slice %arg9[%dma_wait3A_250, %dma_wait3A_251] : memref<64x137xf32, #tpu.memory_space<vmem>> -> memref<8x128xf32, #tpu.memory_space<vmem>>
    tpu.wait_dma2 semaphore(%arg13 : memref<!tpu.dma_semaphore, #tpu.memory_space<semaphore_mem>>) src(%dma_wait3A_252 : memref<8x128xf32, #tpu.memory_space<vmem>>) dst(%dma_wait3A_249 : memref<8x128xf32, #tpu.memory_space<hbm>>)
    %dma_wait3A_253 = arith.constant 0 : i32
    %dma_wait3A_254 = arith.constant 5 : i32
    %dma_wait3A_255 = arith.constant 0 : i32
    %dma_wait3A_256 = arith.constant 40 : i32
    %dma_wait3A_257 = arith.constant 0 : i32
    %dma_wait3A_258 = tpu.memref_slice %arg9[%dma_wait3A_256, %dma_wait3A_257] : memref<64x137xf32, #tpu.memory_space<vmem>> -> memref<8x128xf32, #tpu.memory_space<vmem>>
    %dma_wait3A_259 = arith.constant 0 : i32
    %dma_wait3A_260 = arith.constant 0 : i32
    %dma_wait3A_261 = tpu.memref_slice %arg4[%dma_wait3A_253, %dma_wait3A_254, %dma_wait3A_255, %dma_wait3A_259, %dma_wait3A_260] : memref<50x8x128x8x128xf32, #tpu.memory_space<hbm>> -> memref<1x1x1x8x128xf32, #tpu.memory_space<hbm>>
    %dma_wait3A_262 = tpu.memref_squeeze %dma_wait3A_261 : memref<1x1x1x8x128xf32, #tpu.memory_space<hbm>> -> memref<8x128xf32, #tpu.memory_space<hbm>>
    %dma_wait3A_263 = arith.constant 0 : i32
    %dma_wait3A_264 = arith.constant 0 : i32
    %dma_wait3A_265 = tpu.memref_slice %arg4[%dma_wait3A_253, %dma_wait3A_254, %dma_wait3A_255, %dma_wait3A_263, %dma_wait3A_264] : memref<50x8x128x8x128xf32, #tpu.memory_space<hbm>> -> memref<1x1x1x8x128xf32, #tpu.memory_space<hbm>>
    %dma_wait3A_266 = tpu.memref_squeeze %dma_wait3A_265 : memref<1x1x1x8x128xf32, #tpu.memory_space<hbm>> -> memref<8x128xf32, #tpu.memory_space<hbm>>
    %dma_wait3A_267 = arith.constant 40 : i32
    %dma_wait3A_268 = arith.constant 0 : i32
    %dma_wait3A_269 = tpu.memref_slice %arg9[%dma_wait3A_267, %dma_wait3A_268] : memref<64x137xf32, #tpu.memory_space<vmem>> -> memref<8x128xf32, #tpu.memory_space<vmem>>
    tpu.wait_dma2 semaphore(%arg13 : memref<!tpu.dma_semaphore, #tpu.memory_space<semaphore_mem>>) src(%dma_wait3A_269 : memref<8x128xf32, #tpu.memory_space<vmem>>) dst(%dma_wait3A_266 : memref<8x128xf32, #tpu.memory_space<hbm>>)
    %dma_wait3A_270 = arith.constant 0 : i32
    %dma_wait3A_271 = arith.constant 6 : i32
    %dma_wait3A_272 = arith.constant 0 : i32
    %dma_wait3A_273 = arith.constant 48 : i32
    %dma_wait3A_274 = arith.constant 0 : i32
    %dma_wait3A_275 = tpu.memref_slice %arg9[%dma_wait3A_273, %dma_wait3A_274] : memref<64x137xf32, #tpu.memory_space<vmem>> -> memref<8x128xf32, #tpu.memory_space<vmem>>
    %dma_wait3A_276 = arith.constant 0 : i32
    %dma_wait3A_277 = arith.constant 0 : i32
    %dma_wait3A_278 = tpu.memref_slice %arg4[%dma_wait3A_270, %dma_wait3A_271, %dma_wait3A_272, %dma_wait3A_276, %dma_wait3A_277] : memref<50x8x128x8x128xf32, #tpu.memory_space<hbm>> -> memref<1x1x1x8x128xf32, #tpu.memory_space<hbm>>
    %dma_wait3A_279 = tpu.memref_squeeze %dma_wait3A_278 : memref<1x1x1x8x128xf32, #tpu.memory_space<hbm>> -> memref<8x128xf32, #tpu.memory_space<hbm>>
    %dma_wait3A_280 = arith.constant 0 : i32
    %dma_wait3A_281 = arith.constant 0 : i32
    %dma_wait3A_282 = tpu.memref_slice %arg4[%dma_wait3A_270, %dma_wait3A_271, %dma_wait3A_272, %dma_wait3A_280, %dma_wait3A_281] : memref<50x8x128x8x128xf32, #tpu.memory_space<hbm>> -> memref<1x1x1x8x128xf32, #tpu.memory_space<hbm>>
    %dma_wait3A_283 = tpu.memref_squeeze %dma_wait3A_282 : memref<1x1x1x8x128xf32, #tpu.memory_space<hbm>> -> memref<8x128xf32, #tpu.memory_space<hbm>>
    %dma_wait3A_284 = arith.constant 48 : i32
    %dma_wait3A_285 = arith.constant 0 : i32
    %dma_wait3A_286 = tpu.memref_slice %arg9[%dma_wait3A_284, %dma_wait3A_285] : memref<64x137xf32, #tpu.memory_space<vmem>> -> memref<8x128xf32, #tpu.memory_space<vmem>>
    tpu.wait_dma2 semaphore(%arg13 : memref<!tpu.dma_semaphore, #tpu.memory_space<semaphore_mem>>) src(%dma_wait3A_286 : memref<8x128xf32, #tpu.memory_space<vmem>>) dst(%dma_wait3A_283 : memref<8x128xf32, #tpu.memory_space<hbm>>)
    %dma_wait3A_287 = arith.constant 0 : i32
    %dma_wait3A_288 = arith.constant 7 : i32
    %dma_wait3A_289 = arith.constant 0 : i32
    %dma_wait3A_290 = arith.constant 56 : i32
    %dma_wait3A_291 = arith.constant 0 : i32
    %dma_wait3A_292 = tpu.memref_slice %arg9[%dma_wait3A_290, %dma_wait3A_291] : memref<64x137xf32, #tpu.memory_space<vmem>> -> memref<8x128xf32, #tpu.memory_space<vmem>>
    %dma_wait3A_293 = arith.constant 0 : i32
    %dma_wait3A_294 = arith.constant 0 : i32
    %dma_wait3A_295 = tpu.memref_slice %arg4[%dma_wait3A_287, %dma_wait3A_288, %dma_wait3A_289, %dma_wait3A_293, %dma_wait3A_294] : memref<50x8x128x8x128xf32, #tpu.memory_space<hbm>> -> memref<1x1x1x8x128xf32, #tpu.memory_space<hbm>>
    %dma_wait3A_296 = tpu.memref_squeeze %dma_wait3A_295 : memref<1x1x1x8x128xf32, #tpu.memory_space<hbm>> -> memref<8x128xf32, #tpu.memory_space<hbm>>
    %dma_wait3A_297 = arith.constant 0 : i32
    %dma_wait3A_298 = arith.constant 0 : i32
    %dma_wait3A_299 = tpu.memref_slice %arg4[%dma_wait3A_287, %dma_wait3A_288, %dma_wait3A_289, %dma_wait3A_297, %dma_wait3A_298] : memref<50x8x128x8x128xf32, #tpu.memory_space<hbm>> -> memref<1x1x1x8x128xf32, #tpu.memory_space<hbm>>
    %dma_wait3A_300 = tpu.memref_squeeze %dma_wait3A_299 : memref<1x1x1x8x128xf32, #tpu.memory_space<hbm>> -> memref<8x128xf32, #tpu.memory_space<hbm>>
    %dma_wait3A_301 = arith.constant 56 : i32
    %dma_wait3A_302 = arith.constant 0 : i32
    %dma_wait3A_303 = tpu.memref_slice %arg9[%dma_wait3A_301, %dma_wait3A_302] : memref<64x137xf32, #tpu.memory_space<vmem>> -> memref<8x128xf32, #tpu.memory_space<vmem>>
    tpu.wait_dma2 semaphore(%arg13 : memref<!tpu.dma_semaphore, #tpu.memory_space<semaphore_mem>>) src(%dma_wait3A_303 : memref<8x128xf32, #tpu.memory_space<vmem>>) dst(%dma_wait3A_300 : memref<8x128xf32, #tpu.memory_space<hbm>>)
    return
  }
}

</mosaic_0001>

<sc_bundles>
// kernel: kernel.3.cloned.1.call-start
scs
__scs_entry_jumppad:
0x0: {  	(pc) =	sbr.rel $0x88, $3  }
0x1: {  	(tag) =	ssettag $0x0;
	lr =	simm.s32 $0x1  }
0x2: {  	[smem:$0x3F9F] =	sst lr;
	_ =	strace $0xD0000000  }
0x3: {  	_ = 	snop  }
0x4: {  	_ = 	snop  }
0x5: {  	_ = 	snop  }
0x6: {  	_ = 	snop  }
0x7: {  	_ = 	snop  }
__scs_overlays_trampoline_lowered:
0x8: {  	[smem:$0x3FAE] =	sst s0  }
0x9: {  	[smem:$0x3FAF] =	sst s1  }
0xa: {  	[smem:$0x3FB0] =	sst s2  }
0xb: {  	[smem:$0x3FB1] =	sst s3  }
0xc: {  	[smem:$0x3FB2] =	sst s4  }
0xd: {  	[smem:$0x3FB3] =	sst s5  }
0xe: {  	[smem:$0x3FB4] =	sst s6  }
0xf: {  	[smem:$0x3FB5] =	sst s7  }
0x10: {  	[smem:$0x3FB6] =	sst s8  }
0x11: {  	[smem:$0x3FB7] =	sst s9;
	s0 =	simm.s32 @!p0 $0x0  }
0x12: {  	s1 =	sld [smem:$0x3F9D];
	s0 =	simm.s32 @p0 $0x1  }
0x13: {  	[smem:$0x3FB8] =	sst s0;
	s0 =	simm.s32 @!p1 $0x0  }
0x14: {  	s2 =	sld [smem:$0x3F9C];
	s0 =	simm.s32 @p1 $0x1  }
0x15: {  	[smem:$0x3FB9] =	sst s0;
	s0 =	simm.s32 @!p2 $0x0  }
0x16: {  	s3 =	sld [smem:$0x3FDB];
	s0 =	simm.s32 @p2 $0x1  }
0x17: {  	s4 =	simm.s32 $0x1BF5;
	[smem:$0x3FBB] =	sst s0  }
0x18: {  	s0 =	sld [smem:$0x3F9E];
	_ =	swait.ge [sflag:s4], $0x0  }
0x19: {  	s7 =	sld [smem:$0x3F9F]  }
0x1a: {  	s8 =	sadd.s32 $0xFFFFE003, lr  }
0x1b: {  	s9 =	sadd.s32 $0xFFFFFEF7, lr;
	s5 =	simm.s32 $0xFFFFFFFF;
	p2 =	slt.u32 s8, $0xFFFFF086  }
0x1c: {  	p1 =	slt.u32 s9, $0xF7A;
	s5 =	simm.s32 @!p2 $0x0  }
0x1d: {  	s5 =	simm.s32 @p1 $0x1;
	p0 =	seq.s32 s7, s2  }
0x1e: {  	s7 =	smul.u32 @!p0 $0xF7A, s2;
	p2 =	seq.s32 @!p0 s5, $0x0  }
0x1f: {  	s9 =	smul.u32 $0xF7A, s1;
	s8 =	simm.s32 @!p0 $0x1BF5;
	p2 =	por !p2, p0  }
0x20: {  	[sflag:s8] =	ssyncset.s32 @!p0 $0xFFFFF086;
	s6 =	sadd.s32 @!p0 s3, s7;
	s7 =	simm.s32 @!p0 $0x108  }
0x21: {  	s3 =	sadd.s32 s3, s9;
	s6 =	sadd.s32 @!p0 $0x88, s6;
	s7 =	simm.s32 @p2 $0x1082  }
0x22: {  	[simem:s7], [sflag:s8] =	dma.local @!p0 [hbm:s6], $0xF7A  }
0x23: {  	s9 =	sor.u32 $0xD0000000, s2;
	s6 =	simm.s32 $0x108;
	_ =	swait.ge @!p0 [sflag:s8], $0x0  }
0x24: {  	s3 =	sadd.s32 $0x88, s3;
	s6 =	simm.s32 @!p1 $0x1082;
	[sflag:s4] =	ssyncset.s32 $0xFFFFF086  }
0x25: {  	[simem:s6], [sflag:s4] =	dma.local [hbm:s3], $0xF7A  }
0x26: {  	[smem:$0x3F9F] =	sst s1;
	(tag) =	ssettag s2;
	_ =	strace s9  }
0x27: {  	s1 =	sld [smem:$0x3FAF]  }
0x28: {  	s2 =	sld [smem:$0x3FB0]  }
0x29: {  	s4 =	sld [smem:$0x3FB2]  }
0x2a: {  	p0 =	seq.s32 s5, $0x0;
	s5 =	sld [smem:$0x3FB3]  }
0x2b: {  	s6 =	sld [smem:$0x3FB4]  }
0x2c: {  	s7 =	sld [smem:$0x3FB5]  }
0x2d: {  	s3 =	simm.s32 $0x108;
	s8 =	sld [smem:$0x3FB6]  }
0x2e: {  	s3 =	simm.s32 @!p0 $0x1082;
	s9 =	sld [smem:$0x3FB7]  }
0x2f: {  	lr =	sadd.s32 s0, s3;
	s0 =	sld [smem:$0x3FAE]  }
0x30: {  	s3 =	sld [smem:$0x3FB1]  }
0x31: {  	[smem:$0x3FBA] =	sst s10  }
0x32: {  	s10 =	sld [smem:$0x3FB8];
	_ =	sdelay $0x3  }
0x33: {  	p0 =	seq.s32 s10, $0x1;
	s10 =	sld [smem:$0x3FBA];
	_ =	sdelay $0x3  }
0x34: {  	[smem:$0x3FBA] =	sst s10  }
0x35: {  	s10 =	sld [smem:$0x3FB9];
	_ =	sdelay $0x3  }
0x36: {  	p1 =	seq.s32 s10, $0x1;
	s10 =	sld [smem:$0x3FBA];
	_ =	sdelay $0x3  }
0x37: {  	[smem:$0x3FBA] =	sst s10  }
0x38: {  	s10 =	sld [smem:$0x3FBB]  }
0x39: {  	_ = 	snop;
	(pc) =	sbr.ind lr, $3  }
0x3a: {  	_ = 	snop  }
0x3b: {  	_ = 	snop  }
0x3c: {  	p2 =	seq.s32 s10, $0x1;
	s10 =	sld [smem:$0x3FBA]  }
0x3d: {  	_ =	shalt  }
0x3e: {  	_ =	shalt  }
0x3f: {  	_ =	shalt  }
0x40: {  	_ =	shalt  }
0x41: {  	_ =	shalt  }
0x42: {  	_ =	shalt  }
0x43: {  	_ =	shalt  }
0x44: {  	_ =	shalt  }
0x45: {  	_ =	shalt  }
0x46: {  	_ =	shalt  }
0x47: {  	_ =	shalt  }
0x48: {  	_ =	shalt  }
0x49: {  	_ =	shalt  }
0x4a: {  	_ =	shalt  }
0x4b: {  	_ =	shalt  }
0x4c: {  	_ =	shalt  }
0x4d: {  	_ =	shalt  }
0x4e: {  	_ =	shalt  }
0x4f: {  	_ =	shalt  }
0x50: {  	_ =	shalt  }
0x51: {  	_ =	shalt  }
0x52: {  	_ =	shalt  }
0x53: {  	_ =	shalt  }
0x54: {  	_ =	shalt  }
0x55: {  	_ =	shalt  }
0x56: {  	_ =	shalt  }
0x57: {  	_ =	shalt  }
0x58: {  	_ =	shalt  }
0x59: {  	_ =	shalt  }
0x5a: {  	_ =	shalt  }
0x5b: {  	_ =	shalt  }
0x5c: {  	_ =	shalt  }
0x5d: {  	_ =	shalt  }
0x5e: {  	_ =	shalt  }
0x5f: {  	_ =	shalt  }
0x60: {  	_ =	shalt  }
0x61: {  	_ =	shalt  }
0x62: {  	_ =	shalt  }
0x63: {  	_ =	shalt  }
0x64: {  	_ =	shalt  }
0x65: {  	_ =	shalt  }
0x66: {  	_ =	shalt  }
0x67: {  	_ =	shalt  }
0x68: {  	_ =	shalt  }
0x69: {  	_ =	shalt  }
0x6a: {  	_ =	shalt  }
0x6b: {  	_ =	shalt  }
0x6c: {  	_ =	shalt  }
0x6d: {  	_ =	shalt  }
0x6e: {  	_ =	shalt  }
0x6f: {  	_ =	shalt  }
0x70: {  	_ =	shalt  }
0x71: {  	_ =	shalt  }
0x72: {  	_ =	shalt  }
0x73: {  	_ =	shalt  }
0x74: {  	_ =	shalt  }
0x75: {  	_ =	shalt  }
0x76: {  	_ =	shalt  }
0x77: {  	_ =	shalt  }
0x78: {  	_ =	shalt  }
0x79: {  	_ =	shalt  }
0x7a: {  	_ =	shalt  }
0x7b: {  	_ =	shalt  }
0x7c: {  	_ =	shalt  }
0x7d: {  	_ =	shalt  }
0x7e: {  	_ =	shalt  }
0x7f: {  	_ =	shalt  }
0x80: {  	_ =	shalt  }
0x81: {  	_ =	shalt  }
0x82: {  	_ =	shalt  }
0x83: {  	_ =	shalt  }
0x84: {  	_ =	shalt  }
0x85: {  	_ =	shalt  }
0x86: {  	_ =	shalt  }
0x87: {  	_ =	shalt  }
.Lfunc_end0:
.L_simem_size_0:
called_computation_lowered:
.L_overlay_start_0:
0x88: {  	s2 =	sld [smem:$0x3FD9]  }
0x89: {  	s3 =	sld [smem:$0x3FFE];
	_ =	sdelay $0x1  }
0x8a: {  	s1 =	srdreg.scid  }
0x8b: {  	s0 =	sand.u32 $0x1, s1  }
0x8c: {  	s17 =	sshll.u32 s0, $0xA;
	s2 =	sadd.s32 s3, s2  }
0x8d: {  	s2 =	sadd.s32 s2, s17  }
0x8e: {  	[smem:$0x3FC6] =	sst s2  }
0x8f: {  	_ = 	snop  }
0x90: {  	s2 =	sld [smem:$0x3FD0];
	(tm) =	ssettm $0x1  }
0x91: {  	s18 =	sld [smem:$0x3FFB];
	_ =	sdelay $0x3  }
0x92: {  	_ =	strace s18  }
0x93: {  	s3 =	sld [smem:$0x3FFC];
	_ =	sdelay $0x3  }
0x94: {  	_ =	strace s3  }
0x95: {  	s3 =	sld [smem:$0x3FFD];
	_ =	sdelay $0x3  }
0x96: {  	_ =	strace s3  }
0x97: {  	_ =	strace $0x8FFFFFFF  }
0x98: {  	s19 =	sld [smem:$0x3FDB];
	_ =	sdelay $0x1  }
0x99: {  	s4 =	simm.s32 $_scs_section_size  }
0x9a: {  	s5 =	simm.s32 $_size__tile_overlayer_lowered;
	s6 =	simm.s32 $_tile_overlayer_lowered  }
0x9b: {  	s22 =	simm.s32 $0x1BFF;
	s21 =	sshll.u32 s6, $0x1;
	s3 =	sadd.s32 s4, s19  }
0x9c: {  	s7 =	simm.s32 $0x0;
	s20 =	sshll.u32 s5, $0x1;
	s5 =	sadd.s32 s21, s3  }
0x9d: {  	[timem:s7], [sflag:s22] =	dma.local [hbm:s5], s20  }
0x9e: {  	_ =	swait.ge [sflag:s22], s20  }
0x9f: {  	s4 =	ssub.s32 $0x0, s20;
	[sflag:s22] =	ssyncset.done $0x0  }
0xa0: {  	[sflag:s22] =	ssyncadd.s32 s4;
	_ =	sdelay $0x1  }
0xa1: {  	s23 =	simm.s32 $0x1B8B  }
0xa2: {  	_ =	swait.ge [sflag:s23], $0x1  }
0xa3: {  	[sflag:s23] =	ssyncset.done $0x0  }
0xa4: {  	s25 =	simm.s32 $0x1B8E;
	s24 =	sld [smem:$0x3FFE];
	[sflag:s23] =	ssyncadd.s32 $0xFFFFFFFF  }
0xa5: {  	s26 =	simm.s32 $execute0_lowered;
	[smem:$0x3FD2] =	sst s25  }
0xa6: {  	s5 =	sshll.u32 s26, $0x1;
	_ =	strace $0x80000046;
	[dreg:$0x1] =	wrdreg $0xFFFFFFFF  }
0xa7: {  	s28 =	simm.s32 $_size_execute0_lowered;
	s3 =	sadd.s32 s3, s5;
	[dreg:$0x0] =	wrdreg $0x0  }
0xa8: {  	s5 =	sshll.u32 s28, $0x1;
	[dreg:$0x2] =	wrdreg s3  }
0xa9: {  	[dreg:$0x3] =	wrdreg s5  }
0xaa: {  	[dreg:$0x4] =	wrdreg $0xC0  }
0xab: {  	_ =	task [dreg:s7], $0x5FFFF  }
0xac: {  	[dreg:$0x1] =	wrdreg $0xFFFFFFFF  }
0xad: {  	[dreg:$0x0] =	wrdreg $0x60  }
0xae: {  	[dreg:$0x2] =	wrdreg s24  }
0xaf: {  	[dreg:$0x3] =	wrdreg s2  }
0xb0: {  	[dreg:$0x4] =	wrdreg $0x9  }
0xb1: {  	_ =	task.clear_ibuf [dreg:s7], $0x5FFFF;
	_ =	strace $0x90000046  }
0xb2: {  	s29 =	simm.s32 $0x9;
	_ =	strace $0x80000048  }
0xb3: {  	_ =	swait.ge [sflag:s29], $0x1  }
0xb4: {  	[sflag:s29] =	ssyncadd.s32 $0xFFFFFFFF  }
0xb5: {  	_ =	strace $0x90000048  }
0xb6: {  	_ =	sfence  }
0xb7: {  	s30 =	sld [smem:$0x0];
	_ =	sdelay $0x2  }
0xb8: {  	s31 =	sshll.u32 s1, $0xD;
	s1 =	sshrl.u32 s1, $0x2  }
0xb9: {  	s3 =	sand.u32 $0x4000, s31;
	s1 =	sadd.s32 s1, s30  }
0xba: {  	s0 =	sor.u32 s3, s0;
	s1 =	sshll.u32 s1, $0x11  }
0xbb: {  	s0 =	sor.u32 s1, s0  }
0xbc: {  	s0 =	sadd.s32 $0x8F2B, s0  }
0xbd: {  	[sflag:s0] =	ssyncadd.remote.s32 $0x1  }
0xbe: {  	_ =	sfence.sel $0xFFFF  }
0xbf: {  	[dreg:$0x0] =	wrdreg $0xFFFFFFFF;
	(pc) =	sbr.abs _section_cstart, $3  }
0xc0: {  	[dreg:$0x1] =	wrdreg $0xFFFFFFFF  }
0xc1: {  	_ =	task.clear_ibuf [dreg:s7], $0x2FFFF;
	_ =	strace $0x9FFFFFFF  }
0xc2: {  	(tm) =	ssettm $0x7FFFFFFF  }
0xc3: {  	_ =	shalt  }
tec
execute0_lowered:
.L_overlay_start_1:
0x0: {  	(tag) =	ssettag $0x1  }
0x1: {  	v0 =	vlaneseq.u32  }
0x2: {  	s3 =	stileid.u32;
	v12 =	vmul.u32 $0x90, v0  }
0x3: {  	s0 =	rddreg [dreg:$0x0];
	s4 =	sshll.u32 s3, $0x1;
	s3 =	simm.s32 $0x0  }
0x4: {  	[smem:$0x7FF] =	sst s3;
	v15 =	vadd.s32 $0x1B00, v12  }
0x5: {  	s2 =	rddreg [dreg:$0x1];
	_ =	strace $0x80000047;
	v2 =	vadd.s32 $0x1B03, v12;
	[tilespmem:$0x1FEF0] =	vst v15  }
0x6: {  	v0 =	vadd.s32 $0x1B04, v12;
	[tilespmem:$0x1FF00] =	vst v2  }
0x7: {  	v3 =	vadd.s32 $0x1B05, v12;
	[tilespmem:$0x1FF10] =	vst v0  }
0x8: {  	v4 =	vor.u32 $0x6, v12;
	[tilespmem:$0x1FF20] =	vst v3  }
0x9: {  	s1 =	srdreg.scid;
	v5 =	vadd.s32 $0x906, v12;
	[tilespmem:$0x1FF30] =	vst v4  }
0xa: {  	s16 =	simm.s32 $0x80;
	s19 =	simm.s32 $0x1;
	s20 =	simm.s32 $0xA400;
	v6 =	vadd.s32 $0x1206, v12;
	[tilespmem:$0x1FF40] =	vst v5  }
0xb: {  	s14 =	simm.s32 $0x4;
	s15 =	simm.s32 $0xC800;
	s17 =	simm.s32 $0xE810;
	v7 =	vadd.s32 $0x1B06, v12;
	[tilespmem:$0x1FF50] =	vst v6  }
0xc: {  	s18 =	simm.s32 $0xE8A0;
	s21 =	simm.s32 $0xE930;
	s22 =	simm.s32 $0xE9C0;
	v9 =	vadd.s32 $0x907, v12;
	[tilespmem:$0x1FF60] =	vst v7  }
0xd: {  	s23 =	simm.s32 $0xEA50;
	s24 =	simm.s32 $0xEAE0;
	s25 =	simm.s32 $0xEB70;
	v10 =	vadd.s32 $0x1207, v12;
	[tilespmem:$0x1FF70] =	vst v9  }
0xe: {  	v1 =	vimm.s32 $0x0;
	vm0 =	vcmask $0x300;
	s26 =	simm.s32 $0x0;
	s1 =	sand.u32 $0x1, s1;
	s8 =	sadd.s32 $0x8000, s2;
	v11 =	vadd.s32 $0x1B07, v12;
	[tilespmem:$0x1FF80] =	vst v10  }
0xf: {  	s9 =	sadd.s32 $0xC000, s2;
	s10 =	sadd.s32 $0x10000, s2;
	v1 =	vsel vm0, $0x3, v1;
	s5 =	sor.u32 s1, s4;
	v13 =	vadd.s32 $0x900, v12;
	v8 =	vor.u32 $0x7, v12;
	[tilespmem:$0x1FF90] =	vst v11  }
0x10: {  	s11 =	sadd.s32 $0x14000, s2;
	s1 =	ssub.s32 $0x2, s1;
	s6 =	smul.u32 $0xC80, s5;
	v14 =	vadd.s32 $0x1200, v12;
	v16 =	vor.u32 $0x1, v12;
	v32 =	vor.u32 $0x5, v12;
	[tilespmem:$0x1FFA0] =	vst v8  }
.Ltmp0:
0x11: {  	s12 =	sadd.s32 $0x18000, s2;
	s7 =	sshrl.u32 s1, $0x1;
	v17 =	vadd.s32 $0x901, v12;
	v18 =	vadd.s32 $0x1201, v12;
	v31 =	vadd.s32 $0x905, v12;
	[tilespmem:$0x1FFB0] =	vst v32;
	(pc) =	sbr.rel .LBB2_1-.Ltmp0, $4  }
0x12: {  	s13 =	sadd.s32 $0x1C000, s2;
	s4 =	sadd.s32 $0xF42A00, s0;
	v19 =	vadd.s32 $0x1B01, v12;
	v20 =	vor.u32 $0x2, v12;
	v28 =	vor.u32 $0x4, v12;
	s1 =	ssub.s32 s1, s7;
	[tilespmem:$0x1FFC0] =	vst v31  }
0x13: {  	s5 =	smul.u32 $0xC8, s5;
	v21 =	vadd.s32 $0x902, v12;
	v22 =	vadd.s32 $0x1202, v12;
	v30 =	vadd.s32 $0x1204, v12;
	[tilespmem:$0x1FFD0] =	vst v28;
	s0 =	sadd.s32 s6, s0;
	s31 =	smax.u32 s1, $0x1  }
0x14: {  	v23 =	vadd.s32 $0x1B02, v12;
	v24 =	vor.u32 $0x3, v12;
	v29 =	vadd.s32 $0x904, v12;
	s7 =	sadd.s32 $0x4000, s2;
	[tilespmem:$0x1FFE0] =	vst v30;
	s0 =	sadd.s32 $0x600, s0;
	[dreg:$0x4] =	wrdreg s31  }
0x15: {  	v25 =	vadd.s32 $0x903, v12;
	v26 =	vadd.s32 $0x1203, v12;
	v27 =	vadd.s32 $0x1205, v12;
	[tilespmem:$0x1FFF0] =	vst v29;
	s6 =	simm.s32 $0x2;
	[dreg:$0x3] =	wrdreg s0;
	s0 =	simm.s32 $0xE780  }
.LBB2_12:
0x16: {  	s1 =	simm.s32 $0x3  }
0x17: {  	_ =	swait.ge [sflag:s1], $0x400  }
0x18: {  	[sflag:s1] =	ssyncset.done $0x0  }
0x19: {  	[sflag:s1] =	ssyncadd.s32 $0xFFFFFC00  }
0x1a: {  	_ =	swait.ge [sflag:s1], $0x400  }
0x1b: {  	[sflag:s1] =	ssyncset.done $0x0  }
0x1c: {  	[sflag:s1] =	ssyncadd.s32 $0xFFFFFC00  }
0x1d: {  	_ =	swait.ge [sflag:s1], $0x400  }
0x1e: {  	[sflag:s1] =	ssyncset.done $0x0  }
0x1f: {  	[sflag:s1] =	ssyncadd.s32 $0xFFFFFC00  }
0x20: {  	_ =	swait.ge [sflag:s1], $0x400  }
0x21: {  	[sflag:s1] =	ssyncset.done $0x0  }
0x22: {  	[sflag:s1] =	ssyncadd.s32 $0xFFFFFC00  }
0x23: {  	_ =	swait.ge [sflag:s1], $0x400  }
0x24: {  	[sflag:s1] =	ssyncset.done $0x0  }
0x25: {  	[sflag:s1] =	ssyncadd.s32 $0xFFFFFC00  }
0x26: {  	_ =	swait.ge [sflag:s1], $0x400  }
0x27: {  	[sflag:s1] =	ssyncset.done $0x0  }
0x28: {  	[sflag:s1] =	ssyncadd.s32 $0xFFFFFC00  }
0x29: {  	_ =	swait.ge [sflag:s1], $0x400  }
0x2a: {  	[sflag:s1] =	ssyncset.done $0x0  }
0x2b: {  	[sflag:s1] =	ssyncadd.s32 $0xFFFFFC00  }
0x2c: {  	_ =	swait.ge [sflag:s1], $0x400  }
0x2d: {  	[sflag:s1] =	ssyncset.done $0x0  }
0x2e: {  	[sflag:s1] =	ssyncadd.s32 $0xFFFFFC00  }
0x2f: {  	_ =	swait.ge [sflag:s14], $0x400  }
0x30: {  	[sflag:s14] =	ssyncset.done $0x0  }
0x31: {  	[sflag:s14] =	ssyncadd.s32 $0xFFFFFC00  }
0x32: {  	_ =	swait.ge [sflag:s14], $0x400  }
0x33: {  	[sflag:s14] =	ssyncset.done $0x0  }
0x34: {  	[sflag:s14] =	ssyncadd.s32 $0xFFFFFC00  }
0x35: {  	_ =	swait.ge [sflag:s14], $0x400  }
0x36: {  	[sflag:s14] =	ssyncset.done $0x0  }
0x37: {  	[sflag:s14] =	ssyncadd.s32 $0xFFFFFC00  }
0x38: {  	_ =	swait.ge [sflag:s14], $0x400  }
0x39: {  	[sflag:s14] =	ssyncset.done $0x0  }
0x3a: {  	[sflag:s14] =	ssyncadd.s32 $0xFFFFFC00  }
0x3b: {  	_ =	swait.ge [sflag:s14], $0x400  }
0x3c: {  	[sflag:s14] =	ssyncset.done $0x0  }
0x3d: {  	[sflag:s14] =	ssyncadd.s32 $0xFFFFFC00  }
0x3e: {  	_ =	swait.ge [sflag:s14], $0x400  }
0x3f: {  	[sflag:s14] =	ssyncset.done $0x0  }
0x40: {  	[sflag:s14] =	ssyncadd.s32 $0xFFFFFC00  }
0x41: {  	_ =	swait.ge [sflag:s14], $0x400  }
0x42: {  	[sflag:s14] =	ssyncset.done $0x0  }
0x43: {  	[sflag:s14] =	ssyncadd.s32 $0xFFFFFC00  }
0x44: {  	_ =	swait.ge [sflag:s14], $0x400  }
0x45: {  	s26 =	rddreg [dreg:$0x5]  }
0x46: {  	s31 =	rddreg [dreg:$0x4];
	s26 =	sadd.s32 $0x1, s26  }
0x47: {  	p0 =	sne.s32 s26, s31  }
.Ltmp1:
0x48: {  	_ = 	snop;
	(pc) =	sbr.rel @!p0 .LBB2_13-.Ltmp1, $3  }
0x49: {  	_ =	sdelay $0x1  }
0x4a: {  	[sflag:s14] =	ssyncset.done $0x0  }
0x4b: {  	[sflag:s14] =	ssyncadd.s32 $0xFFFFFC00  }
.LBB2_1:
0x4c: {  	[dreg:$0x5] =	wrdreg s26  }
0x4d: {  	s1 =	rddreg [dreg:$0x3];
	s29 =	simm.s32 $0x5  }
0x4e: {  	[tilespmem:s3], [sflag:$0x5] =	stream.linear.gather [hbm4b:s1+s3], $0x6400, $0x38;
	[tilespmem:$0xEC00] =	vst v63  }
0x4f: {  	_ =	swait.ge [sflag:s29], $0x6400  }
0x50: {  	[sflag:s29] =	ssyncset.done $0x0  }
0x51: {  	s30 =	simm.s32 $0x6400;
	[sflag:s29] =	ssyncadd.s32 $0xFFFF9C00  }
0x52: {  	[tilespmem:s30], [sflag:$0x1] =	stream.indirect.gather [hbm4b:s4+s16], $0x40, s3, s16, $0xb8;
	[tilespmem:$0xEC00] =	vst v63  }
0x53: {  	s31 =	simm.s32 $0x8400;
	s26 =	simm.s32 $0x0  }
0x54: {  	[tilespmem:s31], [sflag:$0x2] =	stream.indirect.gather [hbm4b:s4+s16], $0x40, s16, s16, $0xb8;
	[tilespmem:$0xEC00] =	vst v63  }
.LBB2_2:
0x55: {  	_ =	swait.ge [sflag:s19], $0x2000  }
0x56: {  	p0 =	seq.s32 s26, $0x0;
	[sflag:s19] =	ssyncset.done $0x0  }
0x57: {  	s28 =	simm.s32 @!p0 $0x3;
	[sflag:s19] =	ssyncadd.s32 $0xFFFFE000  }
0x58: {  	_ =	swait.ge @!p0 [sflag:s28], $0x400  }
0x59: {  	[sflag:s28] =	ssyncset.done @!p0 $0x0  }
0x5a: {  	[sflag:s28] =	ssyncadd.s32 @!p0 $0xFFFFFC00  }
0x5b: {  	_ =	swait.ge @!p0 [sflag:s28], $0x400  }
0x5c: {  	[sflag:s28] =	ssyncset.done @!p0 $0x0  }
0x5d: {  	[sflag:s28] =	ssyncadd.s32 @!p0 $0xFFFFFC00  }
0x5e: {  	_ =	swait.ge @!p0 [sflag:s28], $0x400  }
0x5f: {  	[sflag:s28] =	ssyncset.done @!p0 $0x0  }
0x60: {  	[sflag:s28] =	ssyncadd.s32 @!p0 $0xFFFFFC00  }
0x61: {  	_ =	swait.ge @!p0 [sflag:s28], $0x400  }
0x62: {  	[sflag:s28] =	ssyncset.done @!p0 $0x0  }
0x63: {  	s29 =	simm.s32 $0x0;
	[sflag:s28] =	ssyncadd.s32 @!p0 $0xFFFFFC00  }
0x64: {  	v33 =	vmov s29;
	s29 =	simm.s32 $0x1;
	_ =	swait.ge @!p0 [sflag:s28], $0x400  }
0x65: {  	v34 =	vmov s29;
	s29 =	simm.s32 $0x2;
	[sflag:s28] =	ssyncset.done @!p0 $0x0  }
0x66: {  	v35 =	vmov s29;
	s29 =	simm.s32 $0x5;
	[sflag:s28] =	ssyncadd.s32 @!p0 $0xFFFFFC00  }
0x67: {  	v38 =	vmov s29;
	s29 =	simm.s32 $0x8;
	_ =	swait.ge @!p0 [sflag:s28], $0x400  }
0x68: {  	v41 =	vmov s29;
	s29 =	simm.s32 $0xB;
	[sflag:s28] =	ssyncset.done @!p0 $0x0  }
0x69: {  	v44 =	vmov s29;
	s29 =	simm.s32 $0xE;
	[sflag:s28] =	ssyncadd.s32 @!p0 $0xFFFFFC00  }
0x6a: {  	s30 =	simm.s32 $0x3;
	v50 =	vmov s29;
	s29 =	simm.s32 $0xF;
	_ =	swait.ge @!p0 [sflag:s28], $0x400  }
0x6b: {  	s31 =	simm.s32 $0x4;
	v36 =	vmov s30;
	v45 =	vmov s29;
	[sflag:s28] =	ssyncset.done @!p0 $0x0  }
0x6c: {  	v37 =	vmov s31;
	s30 =	simm.s32 $0x6;
	s31 =	simm.s32 $0x7;
	v33 =	vshrl.u32 v33, $0x3;
	v45 =	vshrl.u32 v45, $0x3;
	[sflag:s28] =	ssyncadd.s32 @!p0 $0xFFFFFC00  }
0x6d: {  	v39 =	vmov s30;
	v40 =	vmov s31;
	s30 =	simm.s32 $0x9;
	v6 =	vshll.u32 v45, v1;
	_ =	swait.ge @!p0 [sflag:s28], $0x400  }
0x6e: {  	s31 =	simm.s32 $0xA;
	v42 =	vmov s30;
	v33 =	vshll.u32 v33, v1;
	v55 =	vbroadcast v6, $0x0;
	[sflag:s28] =	ssyncset.done @!p0 $0x0  }
0x6f: {  	v43 =	vmov s31;
	v35 =	vshrl.u32 v35, $0x3;
	v33 =	vbroadcast v33, $0x0;
	s29 =	simm.s32 $0x6600;
	[sflag:s28] =	ssyncadd.s32 @!p0 $0xFFFFFC00  }
0x70: {  	v7 =	vshll.u32 v35, v1;
	v53 =	vshrl.u32 v41, $0x3;
	v41 =	vadd.s32 v8, v55;
	v35 =	vld [tilespmem:s29+$0x1C0]  }
0x71: {  	v54 =	vshrl.u32 v42, $0x3;
	v56 =	vshrl.u32 v43, $0x3;
	v43 =	vadd.s32 v12, v33;
	v42 =	vld [tilespmem:s29+$0xFFFFFE00]  }
0x72: {  	v34 =	vshrl.u32 v34, $0x3  }
0x73: {  	v34 =	vshll.u32 v34, v1  }
0x74: {  	v36 =	vshrl.u32 v36, $0x3;
	v47 =	vbroadcast v34, $0x0  }
0x75: {  	v37 =	vshrl.u32 v37, $0x3;
	v9 =	vshll.u32 v36, v1;
	v46 =	vbroadcast v7, $0x0;
	v10 =	vld [tilespmem:s29+$0xFFFFFE40];
	[tilespmem:v41+s20+$0x0] =	vst.idx.msk $0xffff, v35  }
0x76: {  	v11 =	vshll.u32 v37, v1;
	v57 =	vadd.s32 v16, v47;
	v37 =	vld [tilespmem:s29+$0xFFFFFE80];
	[tilespmem:v43+s20+$0x0] =	vst.idx.msk $0xffff, v42  }
0x77: {  	v38 =	vshrl.u32 v38, $0x3;
	v58 =	vadd.s32 v20, v46;
	v45 =	vbroadcast v9, $0x0;
	v0 =	vld [tilespmem:$0x1FF70]  }
0x78: {  	v38 =	vshll.u32 v38, v1;
	v6 =	vbroadcast v11, $0x0  }
0x79: {  	v34 =	vshrl.u32 v44, $0x3;
	v7 =	vbroadcast v38, $0x0;
	v59 =	vadd.s32 v24, v45;
	v44 =	vld [tilespmem:s29+$0xFFFFFEC0]  }
0x7a: {  	v51 =	vshrl.u32 v39, $0x3;
	v61 =	vadd.s32 v28, v6;
	v60 =	vld [tilespmem:s29+$0xFFFFFF00]  }
0x7b: {  	v52 =	vshrl.u32 v40, $0x3;
	v40 =	vshll.u32 v51, v1;
	v4 =	vadd.s32 v32, v7;
	v43 =	vld [tilespmem:s29+$0xFFFFFF40];
	[tilespmem:v57+s20+$0x0] =	vst.idx.msk $0xffff, v10  }
0x7c: {  	v42 =	vshll.u32 v52, v1;
	v51 =	vld [tilespmem:s29+$0x1D0];
	[tilespmem:v58+s20+$0x0] =	vst.idx.msk $0xffff, v37;
	v52 =	vadd.s32 v0, v55  }
0x7d: {  	v2 =	vld [tilespmem:$0x1FF30]  }
0x7e: {  	[tilespmem:v59+s20+$0x0] =	vst.idx.msk $0xffff, v44  }
0x7f: {  	[tilespmem:v61+s20+$0x0] =	vst.idx.msk $0xffff, v60  }
0x80: {  	v5 =	vbroadcast v40, $0x0;
	[tilespmem:v4+s20+$0x0] =	vst.idx.msk $0xffff, v43  }
0x81: {  	v11 =	vshll.u32 v53, v1;
	v9 =	vbroadcast v42, $0x0;
	v37 =	vld [tilespmem:s29+$0xFFFFFF80];
	[tilespmem:v52+s20+$0x0] =	vst.idx.msk $0xffff, v51  }
0x82: {  	v39 =	vshll.u32 v54, v1;
	v10 =	vbroadcast v11, $0x0;
	v38 =	vadd.s32 v2, v5;
	v3 =	vld [tilespmem:$0x1FF80]  }
0x83: {  	v40 =	vshll.u32 v56, v1;
	v54 =	vld [tilespmem:s29+$0xFFFFFFC0];
	v58 =	vadd.s32 v8, v9;
	v8 =	vbroadcast v39, $0x0  }
0x84: {  	s30 =	simm.s32 $0xC;
	v11 =	vbroadcast v40, $0x0;
	v59 =	vld [tilespmem:s29+$0x0];
	v60 =	vadd.s32 v12, v10  }
0x85: {  	v48 =	vmov s30;
	v41 =	vld [tilespmem:s29+$0x40];
	v42 =	vadd.s32 v16, v8  }
0x86: {  	v48 =	vshrl.u32 v48, $0x3;
	v44 =	vadd.s32 v20, v11;
	v52 =	vld [tilespmem:s29+$0x80]  }
0x87: {  	v43 =	vshll.u32 v48, v1;
	v48 =	vld [tilespmem:s29+$0x1E0];
	[tilespmem:v38+s20+$0x0] =	vst.idx.msk $0xffff, v37;
	v51 =	vadd.s32 v3, v55  }
0x88: {  	[tilespmem:v58+s20+$0x0] =	vst.idx.msk $0xffff, v54  }
0x89: {  	s31 =	simm.s32 $0xD;
	v50 =	vshrl.u32 v50, $0x3;
	[tilespmem:v60+s20+$0x0] =	vst.idx.msk $0xffff, v59  }
0x8a: {  	v49 =	vmov s31;
	v34 =	vshll.u32 v34, v1;
	v63 =	vshll.u32 v50, v1;
	[tilespmem:v42+s20+$0x0] =	vst.idx.msk $0xffff, v41  }
0x8b: {  	v49 =	vshrl.u32 v49, $0x3;
	v34 =	vbroadcast v34, $0x0;
	v37 =	vbroadcast v63, $0x0;
	[tilespmem:v44+s20+$0x0] =	vst.idx.msk $0xffff, v52  }
0x8c: {  	v62 =	vshll.u32 v49, v1;
	v49 =	vld [tilespmem:s29+$0xC0];
	v35 =	vbroadcast v43, $0x0;
	[tilespmem:v51+s20+$0x0] =	vst.idx.msk $0xffff, v48  }
0x8d: {  	v36 =	vbroadcast v62, $0x0;
	v54 =	vadd.s32 v24, v34;
	v43 =	vadd.s32 v2, v37;
	v2 =	vld [tilespmem:$0x1FF90]  }
0x8e: {  	v50 =	vld [tilespmem:s29+$0x100];
	v4 =	vadd.s32 v28, v35  }
0x8f: {  	v40 =	vld [tilespmem:s29+$0x140];
	v41 =	vadd.s32 v32, v36  }
0x90: {  	v42 =	vld [tilespmem:s29+$0x180]  }
0x91: {  	v62 =	vadd.s32 v17, v47;
	v61 =	vld [tilespmem:s29+$0xFFFFFE50]  }
0x92: {  	v48 =	vld [tilespmem:s29+$0x1F0];
	[tilespmem:v54+s20+$0x0] =	vst.idx.msk $0xffff, v49;
	v44 =	vadd.s32 v2, v55  }
0x93: {  	v63 =	vld [tilespmem:s29+$0xFFFFFE90];
	[tilespmem:v4+s20+$0x0] =	vst.idx.msk $0xffff, v50  }
0x94: {  	v32 =	vadd.s32 v21, v46;
	v38 =	vld [tilespmem:s29+$0xFFFFFED0];
	[tilespmem:v41+s20+$0x0] =	vst.idx.msk $0xffff, v40  }
0x95: {  	v39 =	vadd.s32 v25, v45;
	v40 =	vld [tilespmem:s29+$0xFFFFFF10];
	[tilespmem:v43+s20+$0x0] =	vst.idx.msk $0xffff, v42  }
0x96: {  	v41 =	vadd.s32 v29, v6;
	v42 =	vld [tilespmem:s29+$0xFFFFFF50];
	[tilespmem:v62+s20+$0x0] =	vst.idx.msk $0xffff, v61  }
0x97: {  	v43 =	vadd.s32 v31, v7;
	v61 =	vld [tilespmem:s29+$0xFFFFFFD0];
	[tilespmem:v44+s20+$0x0] =	vst.idx.msk $0xffff, v48  }
0x98: {  	v62 =	vadd.s32 v0, v9;
	v4 =	vld [tilespmem:$0x1FF40]  }
0x99: {  	[tilespmem:v32+s20+$0x0] =	vst.idx.msk $0xffff, v63;
	v63 =	vld [tilespmem:s29+$0x10];
	v32 =	vadd.s32 v13, v10  }
0x9a: {  	[tilespmem:v39+s20+$0x0] =	vst.idx.msk $0xffff, v38;
	v38 =	vld [tilespmem:s29+$0x50];
	v39 =	vadd.s32 v17, v8  }
0x9b: {  	[tilespmem:v41+s20+$0x0] =	vst.idx.msk $0xffff, v40;
	v40 =	vld [tilespmem:s29+$0x90];
	v41 =	vadd.s32 v21, v11  }
0x9c: {  	[tilespmem:v43+s20+$0x0] =	vst.idx.msk $0xffff, v42;
	v42 =	vld [tilespmem:s29+$0xD0];
	v43 =	vadd.s32 v25, v34  }
0x9d: {  	v44 =	vld [tilespmem:s29+$0xFFFFFF90];
	[tilespmem:v62+s20+$0x0] =	vst.idx.msk $0xffff, v61;
	v60 =	vadd.s32 v4, v5  }
0x9e: {  	v61 =	vld [tilespmem:s29+$0x150];
	v62 =	vadd.s32 v31, v36;
	[tilespmem:v32+s20+$0x0] =	vst.idx.msk $0xffff, v63  }
0x9f: {  	[tilespmem:v39+s20+$0x0] =	vst.idx.msk $0xffff, v38;
	v63 =	vld [tilespmem:s29+$0x190];
	v4 =	vadd.s32 v4, v37  }
0xa0: {  	v32 =	vld [tilespmem:s29+$0xFFFFFE10];
	v38 =	vadd.s32 v13, v33;
	[tilespmem:v41+s20+$0x0] =	vst.idx.msk $0xffff, v40  }
0xa1: {  	v39 =	vld [tilespmem:s29+$0xFFFFFE60];
	v40 =	vadd.s32 v18, v47;
	[tilespmem:v43+s20+$0x0] =	vst.idx.msk $0xffff, v42  }
0xa2: {  	[tilespmem:v60+s20+$0x0] =	vst.idx.msk $0xffff, v44;
	v44 =	vld [tilespmem:s29+$0x110];
	v60 =	vadd.s32 v29, v35  }
0xa3: {  	[tilespmem:v62+s20+$0x0] =	vst.idx.msk $0xffff, v61  }
0xa4: {  	[tilespmem:v4+s20+$0x0] =	vst.idx.msk $0xffff, v63  }
0xa5: {  	[tilespmem:v38+s20+$0x0] =	vst.idx.msk $0xffff, v32  }
0xa6: {  	[tilespmem:v40+s20+$0x0] =	vst.idx.msk $0xffff, v39  }
0xa7: {  	v41 =	vld [tilespmem:s29+$0xFFFFFEA0];
	[tilespmem:v60+s20+$0x0] =	vst.idx.msk $0xffff, v44  }
0xa8: {  	v42 =	vadd.s32 v22, v46;
	v0 =	vld [tilespmem:$0x1FF50]  }
0xa9: {  	v62 =	vld [tilespmem:s29+$0xFFFFFF60];
	v63 =	vadd.s32 v27, v7  }
0xaa: {  	v38 =	vld [tilespmem:s29+$0xFFFFFFE0];
	v39 =	vadd.s32 v3, v9  }
0xab: {  	v43 =	vld [tilespmem:s29+$0xFFFFFEE0];
	v44 =	vadd.s32 v26, v45  }
0xac: {  	v61 =	vadd.s32 v30, v6;
	v60 =	vld [tilespmem:s29+$0xFFFFFF20]  }
0xad: {  	v4 =	vld [tilespmem:s29+$0xFFFFFFA0];
	[tilespmem:v42+s20+$0x0] =	vst.idx.msk $0xffff, v41;
	v32 =	vadd.s32 v0, v5  }
0xae: {  	v40 =	vld [tilespmem:s29+$0x20];
	v41 =	vadd.s32 v14, v10;
	[tilespmem:v63+s20+$0x0] =	vst.idx.msk $0xffff, v62  }
0xaf: {  	v51 =	vadd.s32 v30, v35;
	[tilespmem:v39+s20+$0x0] =	vst.idx.msk $0xffff, v38;
	v48 =	vld [tilespmem:s29+$0x120]  }
0xb0: {  	v42 =	vld [tilespmem:s29+$0x60];
	[tilespmem:v44+s20+$0x0] =	vst.idx.msk $0xffff, v43;
	v43 =	vadd.s32 v18, v8  }
0xb1: {  	v54 =	vld [tilespmem:s29+$0xA0];
	[tilespmem:v61+s20+$0x0] =	vst.idx.msk $0xffff, v60;
	v44 =	vadd.s32 v22, v11  }
0xb2: {  	v56 =	vld [tilespmem:s29+$0xE0];
	[tilespmem:v32+s20+$0x0] =	vst.idx.msk $0xffff, v4;
	v4 =	vadd.s32 v26, v34  }
0xb3: {  	[tilespmem:v41+s20+$0x0] =	vst.idx.msk $0xffff, v40  }
0xb4: {  	[tilespmem:v51+s20+$0x0] =	vst.idx.msk $0xffff, v48  }
0xb5: {  	v49 =	vld [tilespmem:s29+$0x160];
	[tilespmem:v43+s20+$0x0] =	vst.idx.msk $0xffff, v42  }
0xb6: {  	v50 =	vld [tilespmem:s29+$0x1A0];
	[tilespmem:v44+s20+$0x0] =	vst.idx.msk $0xffff, v54;
	v32 =	vadd.s32 v27, v36  }
0xb7: {  	v60 =	vld [tilespmem:s29+$0xFFFFFE20];
	v41 =	vadd.s32 v0, v37;
	[tilespmem:v4+s20+$0x0] =	vst.idx.msk $0xffff, v56  }
0xb8: {  	v39 =	vadd.s32 v14, v33;
	v29 =	vld [tilespmem:$0x1FF00];
	_ =	sdelay $0x1  }
0xb9: {  	v54 =	vld [tilespmem:s29+$0xFFFFFE70]  }
0xba: {  	s28 =	simm.s32 $0x10;
	v47 =	vadd.s32 v19, v47;
	v56 =	vld [tilespmem:s29+$0xFFFFFEB0];
	[tilespmem:v32+s20+$0x0] =	vst.idx.msk $0xffff, v49  }
0xbb: {  	v63 =	vmov s28;
	s28 =	simm.s32 $0x11;
	v42 =	vadd.s32 v23, v46;
	v31 =	vld [tilespmem:$0x1FF10];
	[tilespmem:v41+s20+$0x0] =	vst.idx.msk $0xffff, v50  }
0xbc: {  	v62 =	vmov s28;
	s28 =	simm.s32 $0x12;
	v59 =	vld [tilespmem:s29+$0xFFFFFEF0];
	[tilespmem:v39+s20+$0x0] =	vst.idx.msk $0xffff, v60;
	v40 =	vadd.s32 v29, v45  }
0xbd: {  	v55 =	vmov s28;
	s28 =	simm.s32 $0x14;
	v32 =	vld [tilespmem:$0x1FF20]  }
0xbe: {  	v44 =	vmov s28;
	s28 =	simm.s32 $0x16  }
0xbf: {  	s30 =	simm.s32 $0x13;
	v61 =	vshrl.u32 v63, $0x3;
	v63 =	vld [tilespmem:s29+$0xFFFFFF30];
	v43 =	vmov s28;
	s28 =	simm.s32 $0x18;
	[tilespmem:v47+s20+$0x0] =	vst.idx.msk $0xffff, v54  }
0xc0: {  	v55 =	vshrl.u32 v55, $0x3;
	v0 =	vmov s30;
	s30 =	simm.s32 $0x15;
	v53 =	vmov s28;
	s28 =	simm.s32 $0x1A;
	v28 =	vld [tilespmem:$0x1FF60];
	[tilespmem:v42+s20+$0x0] =	vst.idx.msk $0xffff, v56  }
0xc1: {  	v3 =	vmov s30;
	s30 =	simm.s32 $0x17;
	v46 =	vmov s28;
	s28 =	simm.s32 $0x1C;
	v4 =	vadd.s32 v31, v6;
	v6 =	vld [tilespmem:s29+$0xFFFFFF70];
	[tilespmem:v40+s20+$0x0] =	vst.idx.msk $0xffff, v59  }
0xc2: {  	v52 =	vmov s30;
	v51 =	vmov s28;
	s28 =	simm.s32 $0x1E;
	v7 =	vadd.s32 v32, v7;
	v15 =	vld [tilespmem:$0x1FEF0]  }
0xc3: {  	v58 =	vld [tilespmem:s29+$0xFFFFFFF0];
	s30 =	simm.s32 $0x19;
	v38 =	vshrl.u32 v44, $0x3;
	v44 =	vadd.s32 v23, v11;
	v49 =	vmov s28  }
0xc4: {  	v57 =	vld [tilespmem:s29+$0xFFFFFFB0];
	v41 =	vshrl.u32 v3, $0x3;
	v39 =	vshrl.u32 v43, $0x3;
	v45 =	vmov s30;
	s30 =	simm.s32 $0x1B  }
0xc5: {  	v43 =	vld [tilespmem:s29+$0xB0];
	v54 =	vshll.u32 v61, v1;
	v61 =	vadd.s32 v2, v9;
	v50 =	vmov s30;
	s30 =	simm.s32 $0x1D  }
0xc6: {  	v56 =	vshrl.u32 v62, $0x3;
	v42 =	vld [tilespmem:s29+$0x70];
	v48 =	vmov s30;
	v60 =	vadd.s32 v28, v5;
	[tilespmem:v4+s20+$0x0] =	vst.idx.msk $0xffff, v63  }
0xc7: {  	s31 =	simm.s32 $0x1F;
	s28 =	sshll.u32 s26, $0x1;
	s30 =	simm.s32 $0x20;
	v59 =	vld [tilespmem:s29+$0x30];
	v40 =	vshrl.u32 v0, $0x3;
	v63 =	vadd.s32 v19, v8;
	[tilespmem:v7+s20+$0x0] =	vst.idx.msk $0xffff, v6;
	v62 =	vadd.s32 v15, v10  }
.LBB2_3:
0xc8: {  	v9 =	vld [tilespmem:s29+$0xF0]  }
0xc9: {  	v11 =	vld [tilespmem:s29+$0x170]  }
0xca: {  	v4 =	vld [tilespmem:s29+$0x1B0]  }
0xcb: {  	v6 =	vld [tilespmem:s29+$0xFFFFFE30]  }
0xcc: {  	v0 =	vld [tilespmem:$0x1FFA0]  }
0xcd: {  	v2 =	vld [tilespmem:$0x1FF70]  }
0xce: {  	v34 =	vadd.s32 v29, v34;
	v3 =	vld [tilespmem:$0x1FF30]  }
0xcf: {  	v30 =	vld [tilespmem:$0x1FF90];
	[tilespmem:v60+s20+$0x0] =	vst.idx.msk $0xffff, v57  }
0xd0: {  	v36 =	vadd.s32 v32, v36;
	v5 =	vshll.u32 v56, v1;
	[tilespmem:v61+s20+$0x0] =	vst.idx.msk $0xffff, v58;
	v58 =	vld [tilespmem:s29+$0x130]  }
0xd1: {  	v37 =	vadd.s32 v28, v37;
	v60 =	vshrl.u32 v45, $0x3;
	[tilespmem:v62+s20+$0x0] =	vst.idx.msk $0xffff, v59;
	s29 =	sadd.s32 $0x400, s29;
	v45 =	vbroadcast v5, $0x0;
	v5 =	vld [tilespmem:$0x1FFD0]  }
0xd2: {  	v47 =	vshrl.u32 v52, $0x3;
	v8 =	vmov s31;
	v35 =	vadd.s32 v31, v35;
	[tilespmem:v44+s20+$0x0] =	vst.idx.msk $0xffff, v43;
	v44 =	vld [tilespmem:s29+$0x1C0]  }
0xd3: {  	v7 =	vadd.s32 v15, v33;
	v33 =	vbroadcast v54, $0x0;
	v40 =	vshll.u32 v40, v1;
	[tilespmem:v34+s20+$0x0] =	vst.idx.msk $0xffff, v9;
	v34 =	vld [tilespmem:s29+$0xFFFFFE00]  }
0xd4: {  	v52 =	vshrl.u32 v8, $0x3;
	v8 =	vshll.u32 v55, v1;
	v40 =	vbroadcast v40, $0x0;
	[tilespmem:v63+s20+$0x0] =	vst.idx.msk $0xffff, v42;
	v63 =	vld [tilespmem:s29+$0xFFFFFE40]  }
0xd5: {  	v10 =	vshll.u32 v52, v1;
	v9 =	vadd.s32 v12, v33;
	[tilespmem:v36+s20+$0x0] =	vst.idx.msk $0xffff, v11;
	v36 =	vld [tilespmem:s29+$0xFFFFFE80]  }
0xd6: {  	v59 =	vshrl.u32 v46, $0x3;
	v46 =	vbroadcast v8, $0x0;
	v57 =	vadd.s32 v24, v40;
	[tilespmem:v37+s20+$0x0] =	vst.idx.msk $0xffff, v4;
	v37 =	vld [tilespmem:s29+$0xFFFFFEC0]  }
0xd7: {  	v61 =	vbroadcast v10, $0x0;
	v56 =	vld [tilespmem:s29+$0xFFFFFF00];
	v10 =	vadd.s32 v16, v45  }
0xd8: {  	v53 =	vshrl.u32 v53, $0x3;
	[tilespmem:v7+s20+$0x0] =	vst.idx.msk $0xffff, v6;
	v4 =	vld [tilespmem:$0x1FFB0];
	v11 =	vadd.s32 v20, v46  }
0xd9: {  	v38 =	vshll.u32 v38, v1;
	v50 =	vshrl.u32 v50, $0x3;
	v7 =	vld [tilespmem:s29+$0x40];
	v54 =	vadd.s32 v0, v61;
	[tilespmem:v35+s20+$0x0] =	vst.idx.msk $0xffff, v58  }
0xda: {  	v41 =	vshll.u32 v41, v1;
	v39 =	vshll.u32 v39, v1;
	v38 =	vbroadcast v38, $0x0;
	v52 =	vld [tilespmem:s29+$0x80];
	[tilespmem:v9+s20+$0x0] =	vst.idx.msk $0xffff, v34  }
0xdb: {  	v48 =	vshrl.u32 v48, $0x3;
	v41 =	vbroadcast v41, $0x0;
	v60 =	vshll.u32 v60, v1;
	v35 =	vld [tilespmem:s29+$0xFFFFFF40];
	[tilespmem:v57+s20+$0x0] =	vst.idx.msk $0xffff, v37  }
0xdc: {  	v39 =	vbroadcast v39, $0x0;
	v8 =	vadd.s32 v5, v38;
	v9 =	vshll.u32 v47, v1;
	v37 =	vld [tilespmem:s29+$0xFFFFFFC0];
	[tilespmem:v10+s20+$0x0] =	vst.idx.msk $0xffff, v63  }
0xdd: {  	v62 =	vadd.s32 v4, v41;
	v42 =	vbroadcast v9, $0x0;
	v10 =	vshll.u32 v53, v1;
	[tilespmem:v11+s20+$0x0] =	vst.idx.msk $0xffff, v36;
	v36 =	vld [tilespmem:s29+$0xFFFFFF80]  }
0xde: {  	[tilespmem:v54+s20+$0x0] =	vst.idx.msk $0xffff, v44;
	v11 =	vadd.s32 v3, v39;
	v44 =	vbroadcast v60, $0x0;
	v60 =	vshll.u32 v48, v1;
	v48 =	vld [tilespmem:s29+$0xC0]  }
0xdf: {  	v51 =	vshrl.u32 v51, $0x3;
	v55 =	vadd.s32 v2, v61;
	v54 =	vld [tilespmem:s29+$0x1D0];
	v43 =	vbroadcast v10, $0x0  }
0xe0: {  	v6 =	vshll.u32 v59, v1;
	v9 =	vshll.u32 v50, v1;
	v53 =	vadd.s32 v0, v42;
	v0 =	vld [tilespmem:$0x1FF80]  }
0xe1: {  	v49 =	vshrl.u32 v49, $0x3;
	v10 =	vshll.u32 v51, v1;
	[tilespmem:v8+s20+$0x0] =	vst.idx.msk $0xffff, v56;
	v56 =	vld [tilespmem:s29+$0x0];
	v63 =	vadd.s32 v12, v43  }
0xe2: {  	v34 =	vbroadcast v9, $0x0;
	v9 =	vld [tilespmem:s29+$0x180];
	v8 =	vadd.s32 v16, v44;
	[tilespmem:v62+s20+$0x0] =	vst.idx.msk $0xffff, v35;
	v35 =	vbroadcast v10, $0x0  }
0xe3: {  	v47 =	vbroadcast v6, $0x0;
	v62 =	vshll.u32 v49, v1;
	v49 =	vld [tilespmem:s29+$0xFFFFFED0];
	[tilespmem:v11+s20+$0x0] =	vst.idx.msk $0xffff, v36  }
0xe4: {  	[tilespmem:v55+s20+$0x0] =	vst.idx.msk $0xffff, v54;
	v6 =	vadd.s32 v5, v35;
	v5 =	vld [tilespmem:$0x1FFF0]  }
0xe5: {  	v11 =	vadd.s32 v20, v47;
	v50 =	vld [tilespmem:s29+$0x1E0];
	[tilespmem:v53+s20+$0x0] =	vst.idx.msk $0xffff, v37  }
0xe6: {  	v51 =	vadd.s32 v0, v61;
	[tilespmem:v63+s20+$0x0] =	vst.idx.msk $0xffff, v56;
	v63 =	vld [tilespmem:s29+$0x100]  }
0xe7: {  	v36 =	vbroadcast v60, $0x0;
	v53 =	vadd.s32 v24, v34;
	[tilespmem:v8+s20+$0x0] =	vst.idx.msk $0xffff, v7;
	v7 =	vld [tilespmem:s29+$0x140]  }
0xe8: {  	v37 =	vbroadcast v62, $0x0;
	v56 =	vld [tilespmem:s29+$0xFFFFFF10]  }
0xe9: {  	v8 =	vadd.s32 v4, v36;
	v4 =	vld [tilespmem:$0x1FFC0]  }
0xea: {  	v10 =	vadd.s32 v3, v37;
	v3 =	vld [tilespmem:$0x1FF40];
	[tilespmem:v11+s20+$0x0] =	vst.idx.msk $0xffff, v52  }
0xeb: {  	v60 =	vadd.s32 v17, v45;
	v11 =	vld [tilespmem:s29+$0xFFFFFE50];
	[tilespmem:v51+s20+$0x0] =	vst.idx.msk $0xffff, v50  }
0xec: {  	v62 =	vadd.s32 v21, v46;
	v51 =	vadd.s32 v30, v61;
	[tilespmem:v53+s20+$0x0] =	vst.idx.msk $0xffff, v48;
	v61 =	vld [tilespmem:s29+$0xFFFFFE90]  }
0xed: {  	v50 =	vld [tilespmem:s29+$0x1F0];
	[tilespmem:v6+s20+$0x0] =	vst.idx.msk $0xffff, v63  }
0xee: {  	v63 =	vadd.s32 v25, v40;
	[tilespmem:v8+s20+$0x0] =	vst.idx.msk $0xffff, v7;
	v7 =	vld [tilespmem:s29+$0x50]  }
0xef: {  	v8 =	vadd.s32 v5, v38;
	[tilespmem:v10+s20+$0x0] =	vst.idx.msk $0xffff, v9;
	v9 =	vld [tilespmem:s29+$0xFFFFFF50]  }
0xf0: {  	v10 =	vadd.s32 v4, v41;
	[tilespmem:v60+s20+$0x0] =	vst.idx.msk $0xffff, v11;
	v11 =	vld [tilespmem:s29+$0xFFFFFF90]  }
0xf1: {  	v60 =	vadd.s32 v3, v39;
	v54 =	vld [tilespmem:s29+$0x190];
	[tilespmem:v62+s20+$0x0] =	vst.idx.msk $0xffff, v61  }
0xf2: {  	v61 =	vld [tilespmem:s29+$0xFFFFFFD0];
	v62 =	vadd.s32 v2, v42;
	[tilespmem:v51+s20+$0x0] =	vst.idx.msk $0xffff, v50  }
0xf3: {  	v6 =	vadd.s32 v13, v43;
	[tilespmem:v63+s20+$0x0] =	vst.idx.msk $0xffff, v49;
	v63 =	vld [tilespmem:s29+$0x10]  }
0xf4: {  	v2 =	vld [tilespmem:$0x1FF50];
	[tilespmem:v8+s20+$0x0] =	vst.idx.msk $0xffff, v56;
	v8 =	vadd.s32 v17, v44  }
0xf5: {  	[tilespmem:v10+s20+$0x0] =	vst.idx.msk $0xffff, v9;
	v9 =	vld [tilespmem:s29+$0x90];
	v10 =	vadd.s32 v21, v47  }
0xf6: {  	[tilespmem:v60+s20+$0x0] =	vst.idx.msk $0xffff, v11;
	v11 =	vld [tilespmem:s29+$0xD0];
	v60 =	vadd.s32 v25, v34  }
0xf7: {  	[tilespmem:v62+s20+$0x0] =	vst.idx.msk $0xffff, v61;
	v61 =	vld [tilespmem:s29+$0x110];
	v62 =	vadd.s32 v5, v35  }
0xf8: {  	v5 =	vadd.s32 v4, v36;
	[tilespmem:v6+s20+$0x0] =	vst.idx.msk $0xffff, v63;
	v63 =	vld [tilespmem:s29+$0x150]  }
0xf9: {  	[tilespmem:v8+s20+$0x0] =	vst.idx.msk $0xffff, v7;
	v6 =	vadd.s32 v3, v37;
	v3 =	vld [tilespmem:$0x1FFE0]  }
0xfa: {  	v7 =	vld [tilespmem:s29+$0xFFFFFE10];
	v8 =	vadd.s32 v13, v33;
	[tilespmem:v10+s20+$0x0] =	vst.idx.msk $0xffff, v9  }
0xfb: {  	v9 =	vld [tilespmem:s29+$0xFFFFFE60];
	v10 =	vadd.s32 v18, v45;
	[tilespmem:v60+s20+$0x0] =	vst.idx.msk $0xffff, v11  }
0xfc: {  	v11 =	vld [tilespmem:s29+$0xFFFFFEA0];
	v60 =	vadd.s32 v22, v46;
	[tilespmem:v62+s20+$0x0] =	vst.idx.msk $0xffff, v61  }
0xfd: {  	v61 =	vld [tilespmem:s29+$0xFFFFFEE0];
	v62 =	vadd.s32 v26, v40;
	[tilespmem:v5+s20+$0x0] =	vst.idx.msk $0xffff, v63  }
0xfe: {  	v63 =	vld [tilespmem:s29+$0xFFFFFF20];
	v4 =	vadd.s32 v3, v38;
	[tilespmem:v6+s20+$0x0] =	vst.idx.msk $0xffff, v54  }
0xff: {  	[tilespmem:v8+s20+$0x0] =	vst.idx.msk $0xffff, v7;
	v5 =	vld [tilespmem:s29+$0xFFFFFF60];
	v6 =	vadd.s32 v27, v41  }
0x100: {  	v7 =	vld [tilespmem:s29+$0xFFFFFFA0];
	v8 =	vadd.s32 v2, v39;
	[tilespmem:v10+s20+$0x0] =	vst.idx.msk $0xffff, v9  }
0x101: {  	v9 =	vld [tilespmem:s29+$0xFFFFFFE0];
	v10 =	vadd.s32 v0, v42;
	[tilespmem:v60+s20+$0x0] =	vst.idx.msk $0xffff, v11  }
0x102: {  	v59 =	vadd.s32 v2, v37;
	v49 =	vld [tilespmem:s29+$0x1A0];
	[tilespmem:v62+s20+$0x0] =	vst.idx.msk $0xffff, v61  }
0x103: {  	v11 =	vld [tilespmem:s29+$0x20];
	v60 =	vadd.s32 v14, v43;
	[tilespmem:v4+s20+$0x0] =	vst.idx.msk $0xffff, v63  }
0x104: {  	v2 =	vadd.s32 v19, v45;
	v54 =	vld [tilespmem:s29+$0xFFFFFE70];
	[tilespmem:v6+s20+$0x0] =	vst.idx.msk $0xffff, v5  }
0x105: {  	v61 =	vld [tilespmem:s29+$0x60];
	v62 =	vadd.s32 v18, v44;
	[tilespmem:v8+s20+$0x0] =	vst.idx.msk $0xffff, v7  }
0x106: {  	v4 =	vld [tilespmem:s29+$0xA0];
	v5 =	vadd.s32 v22, v47;
	[tilespmem:v10+s20+$0x0] =	vst.idx.msk $0xffff, v9  }
0x107: {  	v6 =	vld [tilespmem:s29+$0xE0];
	v7 =	vadd.s32 v26, v34;
	[tilespmem:v59+s20+$0x0] =	vst.idx.msk $0xffff, v49  }
0x108: {  	s1 =	sadd.s32 $0x3, s30;
	v40 =	vadd.s32 v29, v40;
	v8 =	vld [tilespmem:s29+$0x120];
	v9 =	vadd.s32 v3, v35;
	[tilespmem:v60+s20+$0x0] =	vst.idx.msk $0xffff, v11  }
0x109: {  	s31 =	sadd.s32 $0x1, s30;
	v0 =	vmov s1;
	v63 =	vmov s30;
	v10 =	vld [tilespmem:s29+$0x160];
	v11 =	vadd.s32 v27, v36;
	[tilespmem:v2+s20+$0x0] =	vst.idx.msk $0xffff, v54  }
0x10a: {  	s1 =	sadd.s32 $0x4, s30;
	v60 =	vld [tilespmem:s29+$0xFFFFFE20];
	[tilespmem:v62+s20+$0x0] =	vst.idx.msk $0xffff, v61;
	v61 =	vshrl.u32 v63, $0x3;
	v62 =	vmov s31;
	s31 =	sadd.s32 $0x2, s30;
	v63 =	vadd.s32 v14, v33  }
0x10b: {  	v56 =	vld [tilespmem:s29+$0xFFFFFEB0];
	v3 =	vmov s1;
	s1 =	sadd.s32 $0x6, s30;
	[tilespmem:v5+s20+$0x0] =	vst.idx.msk $0xffff, v4;
	v55 =	vmov s31;
	v5 =	vadd.s32 v23, v46  }
0x10c: {  	s31 =	sadd.s32 $0x5, s30;
	[tilespmem:v7+s20+$0x0] =	vst.idx.msk $0xffff, v6;
	v6 =	vmov s1;
	s1 =	sadd.s32 $0x8, s30;
	v7 =	vld [tilespmem:s29+$0xFFFFFEF0];
	v54 =	vshll.u32 v61, v1;
	v61 =	vadd.s32 v30, v42  }
0x10d: {  	v4 =	vmov s31;
	s31 =	sadd.s32 $0x7, s30;
	[tilespmem:v9+s20+$0x0] =	vst.idx.msk $0xffff, v8;
	v53 =	vmov s1;
	v8 =	vld [tilespmem:s29+$0xFFFFFF30];
	v9 =	vadd.s32 v31, v38  }
0x10e: {  	p1 =	slt.u32 s30, $0x70;
	s1 =	sadd.s32 $0xA, s30;
	v55 =	vshrl.u32 v55, $0x3;
	v52 =	vmov s31;
	s31 =	sadd.s32 $0x9, s30;
	[tilespmem:v11+s20+$0x0] =	vst.idx.msk $0xffff, v10;
	v10 =	vld [tilespmem:s29+$0xFFFFFF70];
	v11 =	vadd.s32 v32, v41  }
.Ltmp2:
0x10f: {  	v57 =	vld [tilespmem:s29+$0xFFFFFFB0];
	v38 =	vshrl.u32 v3, $0x3;
	v46 =	vmov s1;
	s1 =	sadd.s32 $0xC, s30;
	v45 =	vmov s31;
	s31 =	sadd.s32 $0xB, s30;
	[tilespmem:v63+s20+$0x0] =	vst.idx.msk $0xffff, v60;
	(pc) =	sbr.rel @p1 .LBB2_3-.Ltmp2, $4  }
0x110: {  	v58 =	vld [tilespmem:s29+$0xFFFFFFF0];
	v41 =	vshrl.u32 v4, $0x3;
	v51 =	vmov s1;
	s1 =	sadd.s32 $0xE, s30;
	v50 =	vmov s31;
	[tilespmem:v5+s20+$0x0] =	vst.idx.msk $0xffff, v56  }
0x111: {  	v59 =	vld [tilespmem:s29+$0x30];
	s31 =	sadd.s32 $0xD, s30;
	v60 =	vadd.s32 v28, v39;
	v49 =	vmov s1;
	v63 =	vadd.s32 v19, v44;
	[tilespmem:v40+s20+$0x0] =	vst.idx.msk $0xffff, v7  }
0x112: {  	v42 =	vld [tilespmem:s29+$0x70];
	v39 =	vshrl.u32 v6, $0x3;
	v44 =	vadd.s32 v23, v47;
	v48 =	vmov s31;
	[tilespmem:v9+s20+$0x0] =	vst.idx.msk $0xffff, v8  }
0x113: {  	v56 =	vshrl.u32 v62, $0x3;
	v62 =	vadd.s32 v15, v43;
	v40 =	vshrl.u32 v0, $0x3;
	s31 =	sadd.s32 $0xF, s30;
	s30 =	sadd.s32 $0x10, s30;
	v43 =	vld [tilespmem:s29+$0xB0];
	[tilespmem:v11+s20+$0x0] =	vst.idx.msk $0xffff, v10  }
0x114: {  	_ =	sdelay $0x3  }
0x115: {  	[tilespmem:v60+s20+$0x0] =	vst.idx.msk $0xffff, v57  }
0x116: {  	[tilespmem:v61+s20+$0x0] =	vst.idx.msk $0xffff, v58  }
0x117: {  	[tilespmem:v62+s20+$0x0] =	vst.idx.msk $0xffff, v59  }
0x118: {  	v3 =	vld [tilespmem:s29+$0xF0];
	[tilespmem:v63+s20+$0x0] =	vst.idx.msk $0xffff, v42  }
0x119: {  	v0 =	vshrl.u32 v52, $0x3;
	v4 =	vadd.s32 v29, v34;
	v6 =	vld [tilespmem:s29+$0x130];
	[tilespmem:v44+s20+$0x0] =	vst.idx.msk $0xffff, v43  }
0x11a: {  	v2 =	vmov s31;
	v7 =	vadd.s32 v31, v35;
	v8 =	vshrl.u32 v45, $0x3;
	v58 =	vld [tilespmem:$0x1FFA0]  }
0x11b: {  	v9 =	vld [tilespmem:s29+$0x170];
	v10 =	vadd.s32 v32, v36;
	v11 =	vshrl.u32 v46, $0x3;
	v2 =	vshrl.u32 v2, $0x3  }
0x11c: {  	v34 =	vbroadcast v54, $0x0;
	v46 =	vld [tilespmem:s29+$0xFFFFFE30];
	v47 =	vadd.s32 v15, v33;
	v2 =	vshll.u32 v2, v1  }
0x11d: {  	v45 =	vadd.s32 v28, v37;
	v52 =	vshll.u32 v56, v1;
	s1 =	sadd.s32 $0x400, s29;
	v2 =	vbroadcast v2, $0x0;
	v42 =	vld [tilespmem:s29+$0x1B0]  }
0x11e: {  	v33 =	vbroadcast v52, $0x0;
	v60 =	vadd.s32 v12, v34;
	[tilespmem:v4+s20+$0x0] =	vst.idx.msk $0xffff, v3;
	v3 =	vld [tilespmem:s1+$0xFFFFFE00]  }
0x11f: {  	v54 =	vld [tilespmem:s1+$0x1C0];
	[tilespmem:v7+s20+$0x0] =	vst.idx.msk $0xffff, v6;
	v59 =	vadd.s32 v58, v2  }
0x120: {  	v62 =	vld [tilespmem:s1+$0xFFFFFE40];
	v63 =	vadd.s32 v16, v33;
	[tilespmem:v10+s20+$0x0] =	vst.idx.msk $0xffff, v9  }
0x121: {  	[tilespmem:v47+s20+$0x0] =	vst.idx.msk $0xffff, v46  }
0x122: {  	v5 =	vshrl.u32 v53, $0x3;
	v53 =	vshll.u32 v55, v1;
	[tilespmem:v45+s20+$0x0] =	vst.idx.msk $0xffff, v42  }
0x123: {  	v35 =	vbroadcast v53, $0x0;
	v30 =	vld [tilespmem:$0x1FFD0];
	[tilespmem:v60+s20+$0x0] =	vst.idx.msk $0xffff, v3  }
0x124: {  	v55 =	vshll.u32 v38, v1;
	v56 =	vshll.u32 v41, v1;
	v9 =	vld [tilespmem:s1+$0xFFFFFE80];
	[tilespmem:v59+s20+$0x0] =	vst.idx.msk $0xffff, v54  }
0x125: {  	v61 =	vshll.u32 v40, v1;
	v38 =	vbroadcast v56, $0x0;
	v10 =	vadd.s32 v20, v35;
	v56 =	vld [tilespmem:$0x1FF70];
	[tilespmem:v63+s20+$0x0] =	vst.idx.msk $0xffff, v62  }
0x126: {  	v36 =	vbroadcast v61, $0x0;
	v63 =	vld [tilespmem:$0x1FFB0]  }
0x127: {  	v37 =	vbroadcast v55, $0x0;
	v57 =	vld [tilespmem:s1+$0xFFFFFF40]  }
0x128: {  	v42 =	vld [tilespmem:s1+$0xFFFFFEC0];
	v45 =	vadd.s32 v24, v36  }
0x129: {  	v46 =	vld [tilespmem:s1+$0xFFFFFF00];
	v47 =	vadd.s32 v30, v37  }
0x12a: {  	v3 =	vld [tilespmem:s1+$0x1D0];
	[tilespmem:v10+s20+$0x0] =	vst.idx.msk $0xffff, v9;
	v4 =	vadd.s32 v56, v2  }
0x12b: {  	v54 =	vld [tilespmem:$0x1FF30];
	v60 =	vadd.s32 v63, v38;
	_ =	sdelay $0x1  }
0x12c: {  	v39 =	vshll.u32 v39, v1;
	[tilespmem:v45+s20+$0x0] =	vst.idx.msk $0xffff, v42  }
0x12d: {  	v39 =	vbroadcast v39, $0x0;
	v0 =	vshll.u32 v0, v1;
	[tilespmem:v47+s20+$0x0] =	vst.idx.msk $0xffff, v46  }
0x12e: {  	v50 =	vshrl.u32 v50, $0x3;
	v40 =	vbroadcast v0, $0x0;
	v0 =	vshll.u32 v5, v1;
	[tilespmem:v4+s20+$0x0] =	vst.idx.msk $0xffff, v3  }
0x12f: {  	v61 =	vld [tilespmem:s1+$0xFFFFFF80];
	v59 =	vshll.u32 v50, v1;
	v62 =	vadd.s32 v54, v39;
	[tilespmem:v60+s20+$0x0] =	vst.idx.msk $0xffff, v57  }
0x130: {  	v41 =	vbroadcast v0, $0x0;
	v0 =	vshll.u32 v8, v1;
	v44 =	vbroadcast v59, $0x0;
	v59 =	vld [tilespmem:$0x1FF80]  }
0x131: {  	v11 =	vshll.u32 v11, v1;
	v8 =	vld [tilespmem:s1+$0xFFFFFFC0];
	v10 =	vadd.s32 v58, v40;
	v42 =	vbroadcast v0, $0x0  }
0x132: {  	v43 =	vbroadcast v11, $0x0;
	v0 =	vshrl.u32 v48, $0x3;
	v48 =	vadd.s32 v12, v41;
	v47 =	vld [tilespmem:s1+$0x0]  }
0x133: {  	v52 =	vld [tilespmem:s1+$0x40];
	v53 =	vadd.s32 v16, v42  }
0x134: {  	[tilespmem:v62+s20+$0x0] =	vst.idx.msk $0xffff, v61;
	v61 =	vld [tilespmem:s1+$0x80];
	v62 =	vadd.s32 v20, v43  }
0x135: {  	v4 =	vld [tilespmem:s1+$0x1E0];
	v60 =	vadd.s32 v59, v2  }
0x136: {  	[tilespmem:v10+s20+$0x0] =	vst.idx.msk $0xffff, v8  }
0x137: {  	v51 =	vshrl.u32 v51, $0x3;
	[tilespmem:v48+s20+$0x0] =	vst.idx.msk $0xffff, v47  }
0x138: {  	v3 =	vshll.u32 v51, v1;
	[tilespmem:v53+s20+$0x0] =	vst.idx.msk $0xffff, v52  }
0x139: {  	v9 =	vld [tilespmem:s1+$0x100];
	v0 =	vshll.u32 v0, v1;
	v45 =	vbroadcast v3, $0x0;
	[tilespmem:v62+s20+$0x0] =	vst.idx.msk $0xffff, v61  }
0x13a: {  	v49 =	vshrl.u32 v49, $0x3;
	v46 =	vbroadcast v0, $0x0;
	v3 =	vld [tilespmem:s1+$0xC0];
	v8 =	vadd.s32 v24, v44;
	[tilespmem:v60+s20+$0x0] =	vst.idx.msk $0xffff, v4  }
0x13b: {  	v0 =	vshll.u32 v49, v1;
	v10 =	vadd.s32 v30, v45;
	v61 =	vld [tilespmem:$0x1FF90]  }
0x13c: {  	v47 =	vbroadcast v0, $0x0;
	v0 =	vld [tilespmem:s1+$0x140];
	v53 =	vadd.s32 v63, v46;
	_ =	sdelay $0x1  }
0x13d: {  	v55 =	vld [tilespmem:s1+$0x180];
	v57 =	vadd.s32 v54, v47  }
0x13e: {  	v6 =	vadd.s32 v17, v33;
	v5 =	vld [tilespmem:s1+$0xFFFFFE50];
	[tilespmem:v8+s20+$0x0] =	vst.idx.msk $0xffff, v3  }
0x13f: {  	v4 =	vld [tilespmem:s1+$0x1F0];
	[tilespmem:v10+s20+$0x0] =	vst.idx.msk $0xffff, v9;
	v2 =	vadd.s32 v61, v2  }
0x140: {  	[tilespmem:v53+s20+$0x0] =	vst.idx.msk $0xffff, v0  }
0x141: {  	v51 =	vld [tilespmem:$0x1FFF0]  }
0x142: {  	v3 =	vld [tilespmem:s1+$0xFFFFFE90];
	[tilespmem:v57+s20+$0x0] =	vst.idx.msk $0xffff, v55  }
0x143: {  	v62 =	vld [tilespmem:$0x1FFC0];
	[tilespmem:v6+s20+$0x0] =	vst.idx.msk $0xffff, v5  }
0x144: {  	v7 =	vadd.s32 v21, v35;
	v8 =	vld [tilespmem:s1+$0xFFFFFED0];
	[tilespmem:v2+s20+$0x0] =	vst.idx.msk $0xffff, v4  }
0x145: {  	v9 =	vadd.s32 v25, v36;
	v49 =	vld [tilespmem:$0x1FF40]  }
0x146: {  	v0 =	vld [tilespmem:s1+$0xFFFFFF10];
	v53 =	vadd.s32 v51, v37  }
0x147: {  	v52 =	vadd.s32 v13, v41;
	v50 =	vld [tilespmem:s1+$0x10]  }
0x148: {  	v55 =	vld [tilespmem:s1+$0xFFFFFF50];
	v57 =	vadd.s32 v62, v38  }
0x149: {  	v5 =	vadd.s32 v56, v40;
	[tilespmem:v7+s20+$0x0] =	vst.idx.msk $0xffff, v3;
	v3 =	vld [tilespmem:s1+$0xFFFFFFD0]  }
0x14a: {  	v2 =	vld [tilespmem:s1+$0xFFFFFF90];
	[tilespmem:v9+s20+$0x0] =	vst.idx.msk $0xffff, v8;
	v60 =	vadd.s32 v49, v39  }
0x14b: {  	[tilespmem:v53+s20+$0x0] =	vst.idx.msk $0xffff, v0;
	v0 =	vld [tilespmem:s1+$0x50];
	v53 =	vadd.s32 v17, v42  }
0x14c: {  	v6 =	vld [tilespmem:s1+$0x150];
	[tilespmem:v52+s20+$0x0] =	vst.idx.msk $0xffff, v50;
	v7 =	vadd.s32 v62, v46  }
0x14d: {  	[tilespmem:v57+s20+$0x0] =	vst.idx.msk $0xffff, v55;
	v55 =	vld [tilespmem:s1+$0x90];
	v57 =	vadd.s32 v21, v43  }
0x14e: {  	[tilespmem:v5+s20+$0x0] =	vst.idx.msk $0xffff, v3;
	v3 =	vld [tilespmem:s1+$0x110];
	v5 =	vadd.s32 v51, v45  }
0x14f: {  	[tilespmem:v60+s20+$0x0] =	vst.idx.msk $0xffff, v2;
	v2 =	vld [tilespmem:s1+$0xD0];
	v60 =	vadd.s32 v25, v44  }
0x150: {  	[tilespmem:v53+s20+$0x0] =	vst.idx.msk $0xffff, v0;
	v0 =	vld [tilespmem:s1+$0x190];
	v8 =	vadd.s32 v49, v47  }
0x151: {  	v52 =	vld [tilespmem:s1+$0xFFFFFE10];
	v53 =	vadd.s32 v13, v34;
	[tilespmem:v7+s20+$0x0] =	vst.idx.msk $0xffff, v6  }
0x152: {  	[tilespmem:v57+s20+$0x0] =	vst.idx.msk $0xffff, v55;
	v55 =	vld [tilespmem:s1+$0xFFFFFE60];
	v57 =	vadd.s32 v18, v33  }
0x153: {  	[tilespmem:v5+s20+$0x0] =	vst.idx.msk $0xffff, v3;
	v3 =	vld [tilespmem:s1+$0xFFFFFEE0]  }
0x154: {  	v5 =	vadd.s32 v26, v36;
	[tilespmem:v60+s20+$0x0] =	vst.idx.msk $0xffff, v2;
	v2 =	vld [tilespmem:s1+$0xFFFFFEA0]  }
0x155: {  	v60 =	vadd.s32 v22, v35;
	v50 =	vld [tilespmem:$0x1FFE0];
	[tilespmem:v8+s20+$0x0] =	vst.idx.msk $0xffff, v0  }
0x156: {  	[tilespmem:v53+s20+$0x0] =	vst.idx.msk $0xffff, v52  }
0x157: {  	v0 =	vld [tilespmem:s1+$0xFFFFFF60];
	v8 =	vadd.s32 v27, v38;
	[tilespmem:v57+s20+$0x0] =	vst.idx.msk $0xffff, v55  }
0x158: {  	v55 =	vld [tilespmem:$0x1FF50]  }
0x159: {  	[tilespmem:v5+s20+$0x0] =	vst.idx.msk $0xffff, v3;
	v3 =	vld [tilespmem:s1+$0x20];
	v5 =	vadd.s32 v14, v41  }
0x15a: {  	[tilespmem:v60+s20+$0x0] =	vst.idx.msk $0xffff, v2;
	v2 =	vld [tilespmem:s1+$0xFFFFFFE0];
	v60 =	vadd.s32 v59, v40  }
0x15b: {  	v6 =	vld [tilespmem:s1+$0xFFFFFF20];
	v7 =	vadd.s32 v50, v37  }
0x15c: {  	v52 =	vadd.s32 v22, v43;
	[tilespmem:v8+s20+$0x0] =	vst.idx.msk $0xffff, v0;
	v0 =	vld [tilespmem:s1+$0xA0]  }
0x15d: {  	v9 =	vld [tilespmem:s1+$0xFFFFFFA0];
	v57 =	vadd.s32 v55, v39  }
0x15e: {  	[tilespmem:v5+s20+$0x0] =	vst.idx.msk $0xffff, v3;
	v3 =	vld [tilespmem:s1+$0x160];
	v5 =	vadd.s32 v27, v46  }
0x15f: {  	[tilespmem:v60+s20+$0x0] =	vst.idx.msk $0xffff, v2;
	v2 =	vld [tilespmem:s1+$0x120];
	v60 =	vadd.s32 v50, v45  }
0x160: {  	v48 =	vadd.s32 v18, v42;
	[tilespmem:v7+s20+$0x0] =	vst.idx.msk $0xffff, v6;
	v6 =	vld [tilespmem:s1+$0x60]  }
0x161: {  	v43 =	vadd.s32 v23, v43;
	[tilespmem:v52+s20+$0x0] =	vst.idx.msk $0xffff, v0;
	v0 =	vld [tilespmem:s1+$0xFFFFFE70];
	v52 =	vadd.s32 v19, v33  }
0x162: {  	v53 =	vld [tilespmem:s1+$0xE0];
	v33 =	vadd.s32 v31, v37;
	[tilespmem:v57+s20+$0x0] =	vst.idx.msk $0xffff, v9;
	v57 =	vadd.s32 v26, v44  }
0x163: {  	v37 =	vadd.s32 v28, v39;
	v39 =	vadd.s32 v61, v40;
	[tilespmem:v5+s20+$0x0] =	vst.idx.msk $0xffff, v3;
	v3 =	vld [tilespmem:s1+$0xFFFFFF30]  }
0x164: {  	v40 =	vadd.s32 v15, v41;
	v41 =	vadd.s32 v19, v42;
	v42 =	vld [tilespmem:s1+$0xB0];
	[tilespmem:v60+s20+$0x0] =	vst.idx.msk $0xffff, v2  }
0x165: {  	v2 =	vld [tilespmem:s1+$0xFFFFFEF0];
	v60 =	vadd.s32 v29, v36;
	[tilespmem:v48+s20+$0x0] =	vst.idx.msk $0xffff, v6  }
0x166: {  	v36 =	vadd.s32 v32, v38;
	v38 =	vld [tilespmem:s1+$0xFFFFFFF0];
	[tilespmem:v52+s20+$0x0] =	vst.idx.msk $0xffff, v0  }
0x167: {  	v7 =	vadd.s32 v55, v47;
	v6 =	vld [tilespmem:s1+$0x1A0];
	[tilespmem:v57+s20+$0x0] =	vst.idx.msk $0xffff, v53  }
0x168: {  	v11 =	vld [tilespmem:s1+$0xFFFFFE20];
	v48 =	vadd.s32 v14, v34;
	[tilespmem:v33+s20+$0x0] =	vst.idx.msk $0xffff, v3  }
0x169: {  	v0 =	vld [tilespmem:s1+$0xFFFFFFB0];
	[tilespmem:v43+s20+$0x0] =	vst.idx.msk $0xffff, v42  }
0x16a: {  	v53 =	vld [tilespmem:s1+$0xFFFFFEB0];
	v57 =	vadd.s32 v23, v35;
	[tilespmem:v60+s20+$0x0] =	vst.idx.msk $0xffff, v2  }
0x16b: {  	v3 =	vld [tilespmem:s1+$0x70];
	[tilespmem:v39+s20+$0x0] =	vst.idx.msk $0xffff, v38  }
0x16c: {  	v35 =	vld [tilespmem:s1+$0xFFFFFF70];
	[tilespmem:v7+s20+$0x0] =	vst.idx.msk $0xffff, v6  }
0x16d: {  	v2 =	vld [tilespmem:s1+$0x30];
	[tilespmem:v48+s20+$0x0] =	vst.idx.msk $0xffff, v11  }
0x16e: {  	v44 =	vadd.s32 v29, v44;
	[tilespmem:v37+s20+$0x0] =	vst.idx.msk $0xffff, v0;
	v0 =	vld [tilespmem:s1+$0xF0]  }
0x16f: {  	v52 =	vadd.s32 v31, v45;
	v48 =	vld [tilespmem:s1+$0x130];
	[tilespmem:v57+s20+$0x0] =	vst.idx.msk $0xffff, v53  }
0x170: {  	[tilespmem:v41+s20+$0x0] =	vst.idx.msk $0xffff, v3;
	v3 =	vld [tilespmem:s1+$0x1B0];
	v57 =	vadd.s32 v28, v47  }
0x171: {  	v60 =	vadd.s32 v15, v34;
	[tilespmem:v36+s20+$0x0] =	vst.idx.msk $0xffff, v35;
	v11 =	vld [tilespmem:s1+$0xFFFFFE30]  }
0x172: {  	v53 =	vadd.s32 v32, v46;
	[tilespmem:v40+s20+$0x0] =	vst.idx.msk $0xffff, v2;
	v2 =	vld [tilespmem:s1+$0x170]  }
0x173: {  	s1 =	sadd.s32 s5, s28;
	[tilespmem:v44+s20+$0x0] =	vst.idx.msk $0xffff, v0  }
0x174: {  	[tilespmem:v52+s20+$0x0] =	vst.idx.msk $0xffff, v48;
	s30 =	sshll.u32 s1, $0xA;
	s1 =	sshll.u32 s1, $0x7  }
0x175: {  	s29 =	sand.u32 $0xFFE0000, s30;
	s1 =	sand.u32 $0x3F00, s1;
	[tilespmem:v57+s20+$0x0] =	vst.idx.msk $0xffff, v3  }
0x176: {  	[tilespmem:v60+s20+$0x0] =	vst.idx.msk $0xffff, v11;
	s29 =	sor.u32 s1, s29  }
0x177: {  	s1 =	sadd.s32 s2, s29;
	[tilespmem:v53+s20+$0x0] =	vst.idx.msk $0xffff, v2  }
0x178: {  	[hbm4b:s1+s3] =	stream.linear.scatter [tilespmem:s20], [sflag:$0x3], $0x80, $0x38;
	[tilespmem:$0xEC00] =	vst v63  }
0x179: {  	s31 =	simm.s32 $0xA490;
	s30 =	sadd.s32 $0x10, s1  }
0x17a: {  	[hbm4b:s30+s3] =	stream.linear.scatter [tilespmem:s31], [sflag:$0x3], $0x80, $0x38;
	[tilespmem:$0xEC00] =	vst v63  }
0x17b: {  	s30 =	sadd.s32 $0x20, s1;
	s31 =	simm.s32 $0xA520  }
0x17c: {  	[hbm4b:s30+s3] =	stream.linear.scatter [tilespmem:s31], [sflag:$0x3], $0x80, $0x38;
	[tilespmem:$0xEC00] =	vst v63  }
0x17d: {  	s30 =	sadd.s32 $0x30, s1;
	s31 =	simm.s32 $0xA5B0  }
0x17e: {  	[hbm4b:s30+s3] =	stream.linear.scatter [tilespmem:s31], [sflag:$0x3], $0x80, $0x38;
	[tilespmem:$0xEC00] =	vst v63  }
0x17f: {  	s30 =	sadd.s32 $0x40, s1;
	s31 =	simm.s32 $0xA640  }
0x180: {  	[hbm4b:s30+s3] =	stream.linear.scatter [tilespmem:s31], [sflag:$0x3], $0x80, $0x38;
	[tilespmem:$0xEC00] =	vst v63  }
0x181: {  	s30 =	sadd.s32 $0x50, s1;
	s31 =	simm.s32 $0xA6D0  }
0x182: {  	[hbm4b:s30+s3] =	stream.linear.scatter [tilespmem:s31], [sflag:$0x3], $0x80, $0x38;
	[tilespmem:$0xEC00] =	vst v63  }
0x183: {  	s30 =	sadd.s32 $0x60, s1;
	s31 =	simm.s32 $0xA760  }
0x184: {  	[hbm4b:s30+s3] =	stream.linear.scatter [tilespmem:s31], [sflag:$0x3], $0x80, $0x38;
	[tilespmem:$0xEC00] =	vst v63  }
0x185: {  	s1 =	sadd.s32 $0x70, s1;
	s31 =	simm.s32 $0xA7F0  }
0x186: {  	[hbm4b:s1+s3] =	stream.linear.scatter [tilespmem:s31], [sflag:$0x3], $0x80, $0x38;
	[tilespmem:$0xEC00] =	vst v63  }
0x187: {  	s1 =	sadd.s32 s29, s7;
	s31 =	simm.s32 $0xA880  }
0x188: {  	[hbm4b:s1+s3] =	stream.linear.scatter [tilespmem:s31], [sflag:$0x3], $0x80, $0x38;
	[tilespmem:$0xEC00] =	vst v63  }
0x189: {  	s30 =	sadd.s32 $0x10, s1;
	s31 =	simm.s32 $0xA910  }
0x18a: {  	[hbm4b:s30+s3] =	stream.linear.scatter [tilespmem:s31], [sflag:$0x3], $0x80, $0x38;
	[tilespmem:$0xEC00] =	vst v63  }
0x18b: {  	s30 =	sadd.s32 $0x20, s1;
	s31 =	simm.s32 $0xA9A0  }
0x18c: {  	[hbm4b:s30+s3] =	stream.linear.scatter [tilespmem:s31], [sflag:$0x3], $0x80, $0x38;
	[tilespmem:$0xEC00] =	vst v63  }
0x18d: {  	s30 =	sadd.s32 $0x30, s1;
	s31 =	simm.s32 $0xAA30  }
0x18e: {  	[hbm4b:s30+s3] =	stream.linear.scatter [tilespmem:s31], [sflag:$0x3], $0x80, $0x38;
	[tilespmem:$0xEC00] =	vst v63  }
0x18f: {  	s30 =	sadd.s32 $0x40, s1;
	s31 =	simm.s32 $0xAAC0  }
0x190: {  	[hbm4b:s30+s3] =	stream.linear.scatter [tilespmem:s31], [sflag:$0x3], $0x80, $0x38;
	[tilespmem:$0xEC00] =	vst v63  }
0x191: {  	s30 =	sadd.s32 $0x50, s1;
	s31 =	simm.s32 $0xAB50  }
0x192: {  	[hbm4b:s30+s3] =	stream.linear.scatter [tilespmem:s31], [sflag:$0x3], $0x80, $0x38;
	[tilespmem:$0xEC00] =	vst v63  }
0x193: {  	s30 =	sadd.s32 $0x60, s1;
	s31 =	simm.s32 $0xABE0  }
0x194: {  	[hbm4b:s30+s3] =	stream.linear.scatter [tilespmem:s31], [sflag:$0x3], $0x80, $0x38;
	[tilespmem:$0xEC00] =	vst v63  }
0x195: {  	s1 =	sadd.s32 $0x70, s1;
	s31 =	simm.s32 $0xAC70  }
0x196: {  	[hbm4b:s1+s3] =	stream.linear.scatter [tilespmem:s31], [sflag:$0x3], $0x80, $0x38;
	[tilespmem:$0xEC00] =	vst v63  }
0x197: {  	s1 =	sadd.s32 s29, s8;
	s31 =	simm.s32 $0xAD00  }
0x198: {  	[hbm4b:s1+s3] =	stream.linear.scatter [tilespmem:s31], [sflag:$0x3], $0x80, $0x38;
	[tilespmem:$0xEC00] =	vst v63  }
0x199: {  	s30 =	sadd.s32 $0x10, s1;
	s31 =	simm.s32 $0xAD90  }
0x19a: {  	[hbm4b:s30+s3] =	stream.linear.scatter [tilespmem:s31], [sflag:$0x3], $0x80, $0x38;
	[tilespmem:$0xEC00] =	vst v63  }
0x19b: {  	s30 =	sadd.s32 $0x20, s1;
	s31 =	simm.s32 $0xAE20  }
0x19c: {  	[hbm4b:s30+s3] =	stream.linear.scatter [tilespmem:s31], [sflag:$0x3], $0x80, $0x38;
	[tilespmem:$0xEC00] =	vst v63  }
0x19d: {  	s30 =	sadd.s32 $0x30, s1;
	s31 =	simm.s32 $0xAEB0  }
0x19e: {  	[hbm4b:s30+s3] =	stream.linear.scatter [tilespmem:s31], [sflag:$0x3], $0x80, $0x38;
	[tilespmem:$0xEC00] =	vst v63  }
0x19f: {  	s30 =	sadd.s32 $0x40, s1;
	s31 =	simm.s32 $0xAF40  }
0x1a0: {  	[hbm4b:s30+s3] =	stream.linear.scatter [tilespmem:s31], [sflag:$0x3], $0x80, $0x38;
	[tilespmem:$0xEC00] =	vst v63  }
0x1a1: {  	s30 =	sadd.s32 $0x50, s1;
	s31 =	simm.s32 $0xAFD0  }
0x1a2: {  	[hbm4b:s30+s3] =	stream.linear.scatter [tilespmem:s31], [sflag:$0x3], $0x80, $0x38;
	[tilespmem:$0xEC00] =	vst v63  }
0x1a3: {  	s30 =	sadd.s32 $0x60, s1;
	s31 =	simm.s32 $0xB060  }
0x1a4: {  	[hbm4b:s30+s3] =	stream.linear.scatter [tilespmem:s31], [sflag:$0x3], $0x80, $0x38;
	[tilespmem:$0xEC00] =	vst v63  }
0x1a5: {  	s1 =	sadd.s32 $0x70, s1;
	s31 =	simm.s32 $0xB0F0  }
0x1a6: {  	[hbm4b:s1+s3] =	stream.linear.scatter [tilespmem:s31], [sflag:$0x3], $0x80, $0x38;
	[tilespmem:$0xEC00] =	vst v63  }
0x1a7: {  	s1 =	sadd.s32 s29, s9;
	s31 =	simm.s32 $0xB180  }
0x1a8: {  	[hbm4b:s1+s3] =	stream.linear.scatter [tilespmem:s31], [sflag:$0x3], $0x80, $0x38;
	[tilespmem:$0xEC00] =	vst v63  }
0x1a9: {  	s30 =	sadd.s32 $0x10, s1;
	s31 =	simm.s32 $0xB210  }
0x1aa: {  	[hbm4b:s30+s3] =	stream.linear.scatter [tilespmem:s31], [sflag:$0x3], $0x80, $0x38;
	[tilespmem:$0xEC00] =	vst v63  }
0x1ab: {  	s30 =	sadd.s32 $0x20, s1;
	s31 =	simm.s32 $0xB2A0  }
0x1ac: {  	[hbm4b:s30+s3] =	stream.linear.scatter [tilespmem:s31], [sflag:$0x3], $0x80, $0x38;
	[tilespmem:$0xEC00] =	vst v63  }
0x1ad: {  	s30 =	sadd.s32 $0x30, s1;
	s31 =	simm.s32 $0xB330  }
0x1ae: {  	[hbm4b:s30+s3] =	stream.linear.scatter [tilespmem:s31], [sflag:$0x3], $0x80, $0x38;
	[tilespmem:$0xEC00] =	vst v63  }
0x1af: {  	s30 =	sadd.s32 $0x40, s1;
	s31 =	simm.s32 $0xB3C0  }
0x1b0: {  	[hbm4b:s30+s3] =	stream.linear.scatter [tilespmem:s31], [sflag:$0x3], $0x80, $0x38;
	[tilespmem:$0xEC00] =	vst v63  }
0x1b1: {  	s30 =	sadd.s32 $0x50, s1;
	s31 =	simm.s32 $0xB450  }
0x1b2: {  	[hbm4b:s30+s3] =	stream.linear.scatter [tilespmem:s31], [sflag:$0x3], $0x80, $0x38;
	[tilespmem:$0xEC00] =	vst v63  }
0x1b3: {  	s30 =	sadd.s32 $0x60, s1;
	s31 =	simm.s32 $0xB4E0  }
0x1b4: {  	[hbm4b:s30+s3] =	stream.linear.scatter [tilespmem:s31], [sflag:$0x3], $0x80, $0x38;
	[tilespmem:$0xEC00] =	vst v63  }
0x1b5: {  	s1 =	sadd.s32 $0x70, s1;
	s31 =	simm.s32 $0xB570  }
0x1b6: {  	[hbm4b:s1+s3] =	stream.linear.scatter [tilespmem:s31], [sflag:$0x3], $0x80, $0x38;
	[tilespmem:$0xEC00] =	vst v63  }
0x1b7: {  	s1 =	sadd.s32 s29, s10;
	s31 =	simm.s32 $0xB600  }
0x1b8: {  	[hbm4b:s1+s3] =	stream.linear.scatter [tilespmem:s31], [sflag:$0x3], $0x80, $0x38;
	[tilespmem:$0xEC00] =	vst v63  }
0x1b9: {  	s30 =	sadd.s32 $0x10, s1;
	s31 =	simm.s32 $0xB690  }
0x1ba: {  	[hbm4b:s30+s3] =	stream.linear.scatter [tilespmem:s31], [sflag:$0x3], $0x80, $0x38;
	[tilespmem:$0xEC00] =	vst v63  }
0x1bb: {  	s30 =	sadd.s32 $0x20, s1;
	s31 =	simm.s32 $0xB720  }
0x1bc: {  	[hbm4b:s30+s3] =	stream.linear.scatter [tilespmem:s31], [sflag:$0x3], $0x80, $0x38;
	[tilespmem:$0xEC00] =	vst v63  }
0x1bd: {  	s30 =	sadd.s32 $0x30, s1;
	s31 =	simm.s32 $0xB7B0  }
0x1be: {  	[hbm4b:s30+s3] =	stream.linear.scatter [tilespmem:s31], [sflag:$0x3], $0x80, $0x38;
	[tilespmem:$0xEC00] =	vst v63  }
0x1bf: {  	s30 =	sadd.s32 $0x40, s1;
	s31 =	simm.s32 $0xB840  }
0x1c0: {  	[hbm4b:s30+s3] =	stream.linear.scatter [tilespmem:s31], [sflag:$0x3], $0x80, $0x38;
	[tilespmem:$0xEC00] =	vst v63  }
0x1c1: {  	s30 =	sadd.s32 $0x50, s1;
	s31 =	simm.s32 $0xB8D0  }
0x1c2: {  	[hbm4b:s30+s3] =	stream.linear.scatter [tilespmem:s31], [sflag:$0x3], $0x80, $0x38;
	[tilespmem:$0xEC00] =	vst v63  }
0x1c3: {  	s30 =	sadd.s32 $0x60, s1;
	s31 =	simm.s32 $0xB960  }
0x1c4: {  	[hbm4b:s30+s3] =	stream.linear.scatter [tilespmem:s31], [sflag:$0x3], $0x80, $0x38;
	[tilespmem:$0xEC00] =	vst v63  }
0x1c5: {  	s1 =	sadd.s32 $0x70, s1;
	s31 =	simm.s32 $0xB9F0  }
0x1c6: {  	[hbm4b:s1+s3] =	stream.linear.scatter [tilespmem:s31], [sflag:$0x3], $0x80, $0x38;
	[tilespmem:$0xEC00] =	vst v63  }
0x1c7: {  	s1 =	sadd.s32 s29, s11;
	s31 =	simm.s32 $0xBA80  }
0x1c8: {  	[hbm4b:s1+s3] =	stream.linear.scatter [tilespmem:s31], [sflag:$0x3], $0x80, $0x38;
	[tilespmem:$0xEC00] =	vst v63  }
0x1c9: {  	s30 =	sadd.s32 $0x10, s1;
	s31 =	simm.s32 $0xBB10  }
0x1ca: {  	[hbm4b:s30+s3] =	stream.linear.scatter [tilespmem:s31], [sflag:$0x3], $0x80, $0x38;
	[tilespmem:$0xEC00] =	vst v63  }
0x1cb: {  	s30 =	sadd.s32 $0x20, s1;
	s31 =	simm.s32 $0xBBA0  }
0x1cc: {  	[hbm4b:s30+s3] =	stream.linear.scatter [tilespmem:s31], [sflag:$0x3], $0x80, $0x38;
	[tilespmem:$0xEC00] =	vst v63  }
0x1cd: {  	s30 =	sadd.s32 $0x30, s1;
	s31 =	simm.s32 $0xBC30  }
0x1ce: {  	[hbm4b:s30+s3] =	stream.linear.scatter [tilespmem:s31], [sflag:$0x3], $0x80, $0x38;
	[tilespmem:$0xEC00] =	vst v63  }
0x1cf: {  	s30 =	sadd.s32 $0x40, s1;
	s31 =	simm.s32 $0xBCC0  }
0x1d0: {  	[hbm4b:s30+s3] =	stream.linear.scatter [tilespmem:s31], [sflag:$0x3], $0x80, $0x38;
	[tilespmem:$0xEC00] =	vst v63  }
0x1d1: {  	s30 =	sadd.s32 $0x50, s1;
	s31 =	simm.s32 $0xBD50  }
0x1d2: {  	[hbm4b:s30+s3] =	stream.linear.scatter [tilespmem:s31], [sflag:$0x3], $0x80, $0x38;
	[tilespmem:$0xEC00] =	vst v63  }
0x1d3: {  	s30 =	sadd.s32 $0x60, s1;
	s31 =	simm.s32 $0xBDE0  }
0x1d4: {  	[hbm4b:s30+s3] =	stream.linear.scatter [tilespmem:s31], [sflag:$0x3], $0x80, $0x38;
	[tilespmem:$0xEC00] =	vst v63  }
0x1d5: {  	s1 =	sadd.s32 $0x70, s1;
	s31 =	simm.s32 $0xBE70  }
0x1d6: {  	[hbm4b:s1+s3] =	stream.linear.scatter [tilespmem:s31], [sflag:$0x3], $0x80, $0x38;
	[tilespmem:$0xEC00] =	vst v63  }
0x1d7: {  	s1 =	sadd.s32 s29, s12;
	s31 =	simm.s32 $0xBF00  }
0x1d8: {  	[hbm4b:s1+s3] =	stream.linear.scatter [tilespmem:s31], [sflag:$0x3], $0x80, $0x38;
	[tilespmem:$0xEC00] =	vst v63  }
0x1d9: {  	s30 =	sadd.s32 $0x10, s1;
	s31 =	simm.s32 $0xBF90  }
0x1da: {  	[hbm4b:s30+s3] =	stream.linear.scatter [tilespmem:s31], [sflag:$0x3], $0x80, $0x38;
	[tilespmem:$0xEC00] =	vst v63  }
0x1db: {  	s30 =	sadd.s32 $0x20, s1;
	s31 =	simm.s32 $0xC020  }
0x1dc: {  	[hbm4b:s30+s3] =	stream.linear.scatter [tilespmem:s31], [sflag:$0x3], $0x80, $0x38;
	[tilespmem:$0xEC00] =	vst v63  }
0x1dd: {  	s30 =	sadd.s32 $0x30, s1;
	s31 =	simm.s32 $0xC0B0  }
0x1de: {  	[hbm4b:s30+s3] =	stream.linear.scatter [tilespmem:s31], [sflag:$0x3], $0x80, $0x38;
	[tilespmem:$0xEC00] =	vst v63  }
0x1df: {  	s30 =	sadd.s32 $0x40, s1;
	s31 =	simm.s32 $0xC140  }
0x1e0: {  	[hbm4b:s30+s3] =	stream.linear.scatter [tilespmem:s31], [sflag:$0x3], $0x80, $0x38;
	[tilespmem:$0xEC00] =	vst v63  }
0x1e1: {  	s30 =	sadd.s32 $0x50, s1;
	s31 =	simm.s32 $0xC1D0  }
0x1e2: {  	[hbm4b:s30+s3] =	stream.linear.scatter [tilespmem:s31], [sflag:$0x3], $0x80, $0x38;
	[tilespmem:$0xEC00] =	vst v63  }
0x1e3: {  	s30 =	sadd.s32 $0x60, s1;
	s31 =	simm.s32 $0xC260  }
0x1e4: {  	[hbm4b:s30+s3] =	stream.linear.scatter [tilespmem:s31], [sflag:$0x3], $0x80, $0x38;
	[tilespmem:$0xEC00] =	vst v63  }
0x1e5: {  	s1 =	sadd.s32 $0x70, s1;
	s31 =	simm.s32 $0xC2F0  }
0x1e6: {  	[hbm4b:s1+s3] =	stream.linear.scatter [tilespmem:s31], [sflag:$0x3], $0x80, $0x38;
	[tilespmem:$0xEC00] =	vst v63  }
0x1e7: {  	s30 =	simm.s32 $0xC380;
	s1 =	sadd.s32 s29, s13  }
0x1e8: {  	[hbm4b:s1+s3] =	stream.linear.scatter [tilespmem:s30], [sflag:$0x3], $0x80, $0x38;
	[tilespmem:$0xEC00] =	vst v63  }
0x1e9: {  	s31 =	simm.s32 $0xC410;
	s29 =	sadd.s32 $0x10, s1  }
0x1ea: {  	[hbm4b:s29+s3] =	stream.linear.scatter [tilespmem:s31], [sflag:$0x3], $0x80, $0x38;
	[tilespmem:$0xEC00] =	vst v63  }
0x1eb: {  	s29 =	sadd.s32 $0x20, s1;
	s31 =	simm.s32 $0xC4A0  }
0x1ec: {  	[hbm4b:s29+s3] =	stream.linear.scatter [tilespmem:s31], [sflag:$0x3], $0x80, $0x38;
	[tilespmem:$0xEC00] =	vst v63  }
0x1ed: {  	s29 =	sadd.s32 $0x30, s1;
	s31 =	simm.s32 $0xC530  }
0x1ee: {  	[hbm4b:s29+s3] =	stream.linear.scatter [tilespmem:s31], [sflag:$0x3], $0x80, $0x38;
	[tilespmem:$0xEC00] =	vst v63  }
0x1ef: {  	s29 =	sadd.s32 $0x40, s1;
	s31 =	simm.s32 $0xC5C0  }
0x1f0: {  	[hbm4b:s29+s3] =	stream.linear.scatter [tilespmem:s31], [sflag:$0x3], $0x80, $0x38;
	[tilespmem:$0xEC00] =	vst v63  }
0x1f1: {  	p1 =	sne.s32 s26, $0x63;
	s29 =	sadd.s32 $0x50, s1;
	s31 =	simm.s32 $0xC650  }
0x1f2: {  	[hbm4b:s29+s3] =	stream.linear.scatter [tilespmem:s31], [sflag:$0x3], $0x80, $0x38;
	[tilespmem:$0xEC00] =	vst v63  }
.Ltmp3:
0x1f3: {  	_ = 	snop;
	(pc) =	sbr.rel @p1 .LBB2_6-.Ltmp3, $4  }
0x1f4: {  	s29 =	sadd.s32 $0x60, s1;
	s31 =	simm.s32 $0xC6E0  }
0x1f5: {  	[hbm4b:s29+s3] =	stream.linear.scatter [tilespmem:s31], [sflag:$0x3], $0x80, $0x38;
	[tilespmem:$0xEC00] =	vst v63  }
0x1f6: {  	v60 =	vmov v19;
	v57 =	vmov v29;
	s1 =	sadd.s32 $0x70, s1;
	s31 =	simm.s32 $0xC770  }
0x1f7: {  	v19 =	vmovc v30;
	v29 =	vmovc v51;
	v30 =	vmov v50;
	v53 =	vmov v54;
	v54 =	vmov v49;
	[hbm4b:s1+s3] =	stream.linear.scatter [tilespmem:s31], [sflag:$0x3], $0x80, $0x38;
	[tilespmem:$0xEC00] =	vst v63  }
.Ltmp4:
0x1f8: {  	(pc) =	sbr.rel .LBB2_7-.Ltmp4, $4  }
0x1f9: {  	_ = 	snop  }
0x1fa: {  	_ =	swait.ge [sflag:s6], $0x2000  }
0x1fb: {  	[sflag:s6] =	ssyncset.done $0x0  }
0x1fc: {  	[sflag:s6] =	ssyncadd.s32 $0xFFFFE000  }
.LBB2_6:
0x1fd: {  	s1 =	sshll.u32 s26, $0x8  }
0x1fe: {  	s1 =	sand.u32 $0x3FFFFF00, s1  }
.Ltmp5:
0x1ff: {  	s29 =	simm.s32 $0x6400;
	s1 =	sadd.s32 $0x100, s1;
	(pc) =	sbr.rel @p0 .LBB2_8-.Ltmp5, $4  }
0x200: {  	[tilespmem:s29], [sflag:$0x1] =	stream.indirect.gather [hbm4b:s4+s16], $0x40, s1, s16, $0xb8;
	[tilespmem:$0xEC00] =	vst v63  }
0x201: {  	_ =	swait.ge [sflag:s6], $0x2000  }
0x202: {  	[sflag:s6] =	ssyncset.done $0x0  }
0x203: {  	[sflag:s6] =	ssyncadd.s32 $0xFFFFE000  }
.LBB2_7:
0x204: {  	_ =	swait.ge [sflag:s14], $0x400  }
0x205: {  	[sflag:s14] =	ssyncset.done $0x0  }
0x206: {  	[sflag:s14] =	ssyncadd.s32 $0xFFFFFC00  }
0x207: {  	_ =	swait.ge [sflag:s14], $0x400  }
0x208: {  	[sflag:s14] =	ssyncset.done $0x0  }
0x209: {  	[sflag:s14] =	ssyncadd.s32 $0xFFFFFC00  }
0x20a: {  	_ =	swait.ge [sflag:s14], $0x400  }
0x20b: {  	[sflag:s14] =	ssyncset.done $0x0  }
0x20c: {  	[sflag:s14] =	ssyncadd.s32 $0xFFFFFC00  }
0x20d: {  	_ =	swait.ge [sflag:s14], $0x400  }
0x20e: {  	[sflag:s14] =	ssyncset.done $0x0  }
0x20f: {  	[sflag:s14] =	ssyncadd.s32 $0xFFFFFC00  }
0x210: {  	_ =	swait.ge [sflag:s14], $0x400  }
0x211: {  	[sflag:s14] =	ssyncset.done $0x0  }
0x212: {  	[sflag:s14] =	ssyncadd.s32 $0xFFFFFC00  }
0x213: {  	_ =	swait.ge [sflag:s14], $0x400  }
0x214: {  	[sflag:s14] =	ssyncset.done $0x0  }
0x215: {  	[sflag:s14] =	ssyncadd.s32 $0xFFFFFC00  }
0x216: {  	_ =	swait.ge [sflag:s14], $0x400  }
0x217: {  	[sflag:s14] =	ssyncset.done $0x0  }
0x218: {  	[sflag:s14] =	ssyncadd.s32 $0xFFFFFC00  }
0x219: {  	_ =	swait.ge [sflag:s14], $0x400  }
0x21a: {  	[sflag:s14] =	ssyncset.done $0x0  }
0x21b: {  	[sflag:s14] =	ssyncadd.s32 $0xFFFFFC00  }
.LBB2_8:
0x21c: {  	s1 =	simm.s32 $0x0  }
0x21d: {  	s29 =	simm.s32 $0x3;
	v0 =	vmov s1;
	s1 =	simm.s32 $0x1  }
0x21e: {  	s30 =	simm.s32 $0x4;
	v4 =	vmov s29;
	v2 =	vmov s1;
	s1 =	simm.s32 $0x2  }
0x21f: {  	v5 =	vmov s30;
	s29 =	simm.s32 $0x6;
	s30 =	simm.s32 $0x7;
	v0 =	vshrl.u32 v0, $0x3;
	v3 =	vmov s1;
	s1 =	simm.s32 $0x5  }
0x220: {  	v7 =	vmov s29;
	v8 =	vmov s30;
	v6 =	vmov s1;
	s1 =	simm.s32 $0x8  }
0x221: {  	s29 =	simm.s32 $0x9;
	s30 =	simm.s32 $0xA;
	v4 =	vshrl.u32 v4, $0x3;
	v5 =	vshrl.u32 v5, $0x3;
	v9 =	vmov s1;
	s1 =	simm.s32 $0xB  }
0x222: {  	v10 =	vmov s29;
	v11 =	vmov s30;
	v34 =	vmov s1;
	s1 =	simm.s32 $0xE  }
0x223: {  	v0 =	vshll.u32 v0, v1;
	v2 =	vshrl.u32 v2, $0x3;
	v37 =	vmov s1;
	s1 =	simm.s32 $0xF  }
0x224: {  	s29 =	simm.s32 $0xC;
	s30 =	simm.s32 $0xD;
	v7 =	vshrl.u32 v7, $0x3;
	v8 =	vshrl.u32 v8, $0x3;
	v33 =	vmov s1  }
0x225: {  	v35 =	vmov s29;
	v36 =	vmov s30;
	v33 =	vshrl.u32 v33, $0x3  }
0x226: {  	v3 =	vshrl.u32 v3, $0x3;
	v10 =	vshrl.u32 v10, $0x3;
	v33 =	vshll.u32 v33, v1  }
0x227: {  	v11 =	vshrl.u32 v11, $0x3;
	v52 =	vshll.u32 v7, v1;
	v48 =	vbroadcast v33, $0x0  }
0x228: {  	s29 =	simm.s32 $0x8600;
	v6 =	vshrl.u32 v6, $0x3;
	v33 =	vbroadcast v0, $0x0;
	v0 =	vshll.u32 v2, v1  }
0x229: {  	v2 =	vld [tilespmem:s29+$0x1C0];
	v47 =	vbroadcast v0, $0x0;
	v0 =	vshll.u32 v3, v1;
	v3 =	vadd.s32 v58, v48  }
0x22a: {  	v38 =	vld [tilespmem:s29+$0xFFFFFE00];
	v11 =	vshll.u32 v11, v1;
	v6 =	vshll.u32 v6, v1;
	v41 =	vadd.s32 v12, v33  }
0x22b: {  	v40 =	vbroadcast v6, $0x0;
	v46 =	vbroadcast v0, $0x0;
	v0 =	vshll.u32 v4, v1  }
0x22c: {  	v4 =	vld [tilespmem:s29+$0xFFFFFE40];
	v42 =	vadd.s32 v16, v47;
	v45 =	vbroadcast v0, $0x0;
	v0 =	vshll.u32 v5, v1  }
0x22d: {  	v9 =	vshrl.u32 v9, $0x3;
	v5 =	vld [tilespmem:s29+$0xFFFFFE80];
	v43 =	vadd.s32 v20, v46;
	v39 =	vbroadcast v0, $0x0  }
0x22e: {  	v7 =	vadd.s32 v63, v40;
	v0 =	vshrl.u32 v34, $0x3;
	v34 =	vld [tilespmem:s29+$0xFFFFFEC0];
	v44 =	vadd.s32 v24, v45;
	[tilespmem:v3+s15+$0x0] =	vst.idx.msk $0xffff, v2  }
0x22f: {  	v49 =	vld [tilespmem:s29+$0xFFFFFF00];
	v50 =	vadd.s32 v19, v39;
	[tilespmem:v41+s15+$0x0] =	vst.idx.msk $0xffff, v38;
	v38 =	vbroadcast v52, $0x0;
	v2 =	vshll.u32 v8, v1  }
0x230: {  	v6 =	vadd.s32 v56, v48;
	v0 =	vshll.u32 v0, v1;
	v3 =	vld [tilespmem:s29+$0x1D0];
	v41 =	vbroadcast v2, $0x0  }
0x231: {  	v35 =	vshrl.u32 v35, $0x3;
	[tilespmem:v42+s15+$0x0] =	vst.idx.msk $0xffff, v4;
	v4 =	vld [tilespmem:s29+$0xFFFFFF40];
	v2 =	vshll.u32 v9, v1;
	v8 =	vadd.s32 v53, v38  }
0x232: {  	[tilespmem:v43+s15+$0x0] =	vst.idx.msk $0xffff, v5;
	v5 =	vld [tilespmem:s29+$0xFFFFFF80];
	v42 =	vbroadcast v2, $0x0;
	v2 =	vshll.u32 v10, v1;
	v58 =	vadd.s32 v58, v41  }
0x233: {  	v9 =	vld [tilespmem:s29+$0xFFFFFFC0];
	[tilespmem:v44+s15+$0x0] =	vst.idx.msk $0xffff, v34;
	v43 =	vbroadcast v2, $0x0;
	v2 =	vshrl.u32 v36, $0x3;
	v44 =	vbroadcast v11, $0x0  }
0x234: {  	v34 =	vbroadcast v0, $0x0;
	v0 =	vshll.u32 v35, v1;
	[tilespmem:v50+s15+$0x0] =	vst.idx.msk $0xffff, v49;
	v49 =	vld [tilespmem:s29+$0x0];
	v50 =	vadd.s32 v12, v42  }
0x235: {  	v51 =	vld [tilespmem:s29+$0x40];
	v35 =	vbroadcast v0, $0x0;
	v0 =	vshll.u32 v2, v1;
	v52 =	vadd.s32 v16, v43;
	[tilespmem:v6+s15+$0x0] =	vst.idx.msk $0xffff, v3  }
0x236: {  	v37 =	vshrl.u32 v37, $0x3;
	v36 =	vbroadcast v0, $0x0;
	[tilespmem:v7+s15+$0x0] =	vst.idx.msk $0xffff, v4;
	v4 =	vadd.s32 v59, v48;
	v3 =	vld [tilespmem:s29+$0x1E0]  }
0x237: {  	v0 =	vshll.u32 v37, v1;
	v6 =	vadd.s32 v20, v44;
	[tilespmem:v8+s15+$0x0] =	vst.idx.msk $0xffff, v5;
	v5 =	vld [tilespmem:s29+$0x80]  }
0x238: {  	v37 =	vbroadcast v0, $0x0;
	v0 =	vld [tilespmem:s29+$0x140];
	v10 =	vadd.s32 v63, v36;
	[tilespmem:v58+s15+$0x0] =	vst.idx.msk $0xffff, v9  }
0x239: {  	v2 =	vld [tilespmem:s29+$0xC0];
	v58 =	vadd.s32 v24, v34;
	[tilespmem:v50+s15+$0x0] =	vst.idx.msk $0xffff, v49  }
0x23a: {  	v8 =	vld [tilespmem:s29+$0x100];
	v9 =	vadd.s32 v19, v35;
	[tilespmem:v52+s15+$0x0] =	vst.idx.msk $0xffff, v51  }
0x23b: {  	v11 =	vld [tilespmem:s29+$0x180];
	v52 =	vadd.s32 v53, v37;
	[tilespmem:v4+s15+$0x0] =	vst.idx.msk $0xffff, v3  }
0x23c: {  	v53 =	vadd.s32 v17, v47;
	[tilespmem:v6+s15+$0x0] =	vst.idx.msk $0xffff, v5;
	v5 =	vld [tilespmem:s29+$0xFFFFFE50]  }
0x23d: {  	[tilespmem:v10+s15+$0x0] =	vst.idx.msk $0xffff, v0;
	v0 =	vld [tilespmem:s29+$0xFFFFFF10];
	v10 =	vadd.s32 v29, v39  }
0x23e: {  	v4 =	vadd.s32 v61, v48;
	v3 =	vld [tilespmem:s29+$0x1F0];
	[tilespmem:v58+s15+$0x0] =	vst.idx.msk $0xffff, v2  }
0x23f: {  	v2 =	vld [tilespmem:s29+$0xFFFFFE90];
	v58 =	vadd.s32 v21, v46;
	[tilespmem:v9+s15+$0x0] =	vst.idx.msk $0xffff, v8  }
0x240: {  	v8 =	vld [tilespmem:s29+$0xFFFFFED0];
	v9 =	vadd.s32 v25, v45;
	[tilespmem:v52+s15+$0x0] =	vst.idx.msk $0xffff, v11  }
0x241: {  	v11 =	vld [tilespmem:s29+$0xFFFFFF50];
	v52 =	vadd.s32 v62, v40;
	[tilespmem:v53+s15+$0x0] =	vst.idx.msk $0xffff, v5  }
0x242: {  	v50 =	vadd.s32 v13, v42;
	v49 =	vld [tilespmem:s29+$0x10];
	[tilespmem:v10+s15+$0x0] =	vst.idx.msk $0xffff, v0  }
0x243: {  	v51 =	vadd.s32 v17, v43;
	v0 =	vld [tilespmem:s29+$0x50];
	[tilespmem:v4+s15+$0x0] =	vst.idx.msk $0xffff, v3  }
0x244: {  	v53 =	vadd.s32 v54, v38;
	v3 =	vld [tilespmem:s29+$0xFFFFFF90];
	[tilespmem:v58+s15+$0x0] =	vst.idx.msk $0xffff, v2  }
0x245: {  	v2 =	vld [tilespmem:s29+$0xFFFFFFD0];
	v58 =	vadd.s32 v56, v41;
	[tilespmem:v9+s15+$0x0] =	vst.idx.msk $0xffff, v8  }
0x246: {  	v9 =	vld [tilespmem:s29+$0x90];
	[tilespmem:v52+s15+$0x0] =	vst.idx.msk $0xffff, v11;
	v52 =	vadd.s32 v21, v44  }
0x247: {  	v48 =	vadd.s32 v13, v33;
	[tilespmem:v50+s15+$0x0] =	vst.idx.msk $0xffff, v49;
	v11 =	vld [tilespmem:s29+$0xFFFFFE10]  }
0x248: {  	v8 =	vadd.s32 v54, v37;
	[tilespmem:v51+s15+$0x0] =	vst.idx.msk $0xffff, v0;
	v0 =	vld [tilespmem:s29+$0x190]  }
0x249: {  	[tilespmem:v53+s15+$0x0] =	vst.idx.msk $0xffff, v3;
	v3 =	vld [tilespmem:s29+$0xD0];
	v53 =	vadd.s32 v25, v34  }
0x24a: {  	v5 =	vadd.s32 v29, v35;
	[tilespmem:v58+s15+$0x0] =	vst.idx.msk $0xffff, v2;
	v2 =	vld [tilespmem:s29+$0x110]  }
0x24b: {  	v56 =	vld [tilespmem:s29+$0x150];
	v58 =	vadd.s32 v62, v36;
	[tilespmem:v52+s15+$0x0] =	vst.idx.msk $0xffff, v9  }
0x24c: {  	v51 =	vld [tilespmem:s29+$0xFFFFFE60];
	v52 =	vadd.s32 v18, v47;
	[tilespmem:v48+s15+$0x0] =	vst.idx.msk $0xffff, v11  }
0x24d: {  	v49 =	vadd.s32 v27, v40;
	[tilespmem:v8+s15+$0x0] =	vst.idx.msk $0xffff, v0;
	v0 =	vld [tilespmem:s29+$0xFFFFFF60]  }
0x24e: {  	[tilespmem:v53+s15+$0x0] =	vst.idx.msk $0xffff, v3;
	v3 =	vld [tilespmem:s29+$0xFFFFFEA0];
	v53 =	vadd.s32 v22, v46  }
0x24f: {  	v54 =	vadd.s32 v26, v45;
	[tilespmem:v5+s15+$0x0] =	vst.idx.msk $0xffff, v2;
	v2 =	vld [tilespmem:s29+$0xFFFFFEE0]  }
0x250: {  	[tilespmem:v58+s15+$0x0] =	vst.idx.msk $0xffff, v56;
	v56 =	vld [tilespmem:s29+$0xFFFFFF20];
	v58 =	vadd.s32 v30, v39  }
0x251: {  	v7 =	vadd.s32 v55, v37;
	v6 =	vld [tilespmem:s29+$0x1A0];
	[tilespmem:v52+s15+$0x0] =	vst.idx.msk $0xffff, v51  }
0x252: {  	v50 =	vld [tilespmem:s29+$0xFFFFFFA0];
	v51 =	vadd.s32 v55, v38;
	[tilespmem:v49+s15+$0x0] =	vst.idx.msk $0xffff, v0  }
0x253: {  	v8 =	vadd.s32 v22, v44;
	v0 =	vld [tilespmem:s29+$0xA0];
	[tilespmem:v53+s15+$0x0] =	vst.idx.msk $0xffff, v3  }
0x254: {  	v52 =	vadd.s32 v59, v41;
	v3 =	vld [tilespmem:s29+$0xFFFFFFE0];
	[tilespmem:v54+s15+$0x0] =	vst.idx.msk $0xffff, v2  }
0x255: {  	v2 =	vld [tilespmem:s29+$0x20];
	v53 =	vadd.s32 v14, v42;
	[tilespmem:v58+s15+$0x0] =	vst.idx.msk $0xffff, v56  }
0x256: {  	v54 =	vld [tilespmem:s29+$0x60];
	v56 =	vadd.s32 v18, v43;
	[tilespmem:v7+s15+$0x0] =	vst.idx.msk $0xffff, v6  }
0x257: {  	v9 =	vld [tilespmem:s29+$0xE0];
	v58 =	vadd.s32 v26, v34;
	[tilespmem:v51+s15+$0x0] =	vst.idx.msk $0xffff, v50  }
0x258: {  	v48 =	vld [tilespmem:s29+$0xFFFFFE20];
	v49 =	vadd.s32 v14, v33;
	[tilespmem:v8+s15+$0x0] =	vst.idx.msk $0xffff, v0  }
0x259: {  	s1 =	simm.s32 $0x10;
	v61 =	vadd.s32 v61, v41;
	v4 =	vadd.s32 v30, v35;
	[tilespmem:v52+s15+$0x0] =	vst.idx.msk $0xffff, v3;
	v3 =	vld [tilespmem:s29+$0x120]  }
0x25a: {  	s30 =	simm.s32 $0x13;
	v47 =	vadd.s32 v60, v47;
	v5 =	vadd.s32 v27, v36;
	v59 =	vmov s1;
	[tilespmem:v53+s15+$0x0] =	vst.idx.msk $0xffff, v2;
	v2 =	vld [tilespmem:s29+$0x160]  }
0x25b: {  	v44 =	vadd.s32 v23, v44;
	s1 =	simm.s32 $0x11;
	v11 =	vshrl.u32 v59, $0x3;
	v8 =	vmov s30;
	s30 =	simm.s32 $0x15;
	[tilespmem:v56+s15+$0x0] =	vst.idx.msk $0xffff, v54;
	v54 =	vld [tilespmem:s29+$0xFFFFFE70]  }
0x25c: {  	v55 =	vmov s1;
	s1 =	simm.s32 $0x12;
	[tilespmem:v58+s15+$0x0] =	vst.idx.msk $0xffff, v9;
	v10 =	vmov s30;
	s30 =	simm.s32 $0x17;
	v56 =	vld [tilespmem:s29+$0xFFFFFEB0];
	v58 =	vadd.s32 v23, v46  }
0x25d: {  	v6 =	vld [tilespmem:s29+$0xFFFFFF70];
	v7 =	vadd.s32 v32, v40;
	v0 =	vmov s1;
	s1 =	simm.s32 $0x14;
	[tilespmem:v49+s15+$0x0] =	vst.idx.msk $0xffff, v48;
	v52 =	vmov s30;
	s30 =	simm.s32 $0x19  }
0x25e: {  	v59 =	vadd.s32 v57, v45;
	v9 =	vmov s1;
	v45 =	vmov s30;
	s30 =	simm.s32 $0x1B;
	[tilespmem:v4+s15+$0x0] =	vst.idx.msk $0xffff, v3;
	v4 =	vld [tilespmem:s29+$0xFFFFFEF0]  }
0x25f: {  	s1 =	simm.s32 $0x16;
	v40 =	vshrl.u32 v8, $0x3;
	v50 =	vmov s30;
	s30 =	simm.s32 $0x1D;
	[tilespmem:v5+s15+$0x0] =	vst.idx.msk $0xffff, v2;
	v2 =	vld [tilespmem:s29+$0xFFFFFF30];
	v5 =	vadd.s32 v31, v39  }
0x260: {  	v57 =	vld [tilespmem:s29+$0xFFFFFFB0];
	v41 =	vshrl.u32 v10, $0x3;
	v48 =	vmov s30;
	v3 =	vmov s1;
	s1 =	simm.s32 $0x18;
	[tilespmem:v47+s15+$0x0] =	vst.idx.msk $0xffff, v54  }
0x261: {  	v47 =	vmovc v60;
	v60 =	vadd.s32 v28, v38;
	v54 =	vshll.u32 v11, v1;
	[tilespmem:v58+s15+$0x0] =	vst.idx.msk $0xffff, v56;
	v58 =	vld [tilespmem:s29+$0xFFFFFFF0];
	v53 =	vmov s1;
	s1 =	simm.s32 $0x1A  }
0x262: {  	[tilespmem:v7+s15+$0x0] =	vst.idx.msk $0xffff, v6;
	v56 =	vshrl.u32 v55, $0x3;
	v31 =	vmovc v62;
	v62 =	vadd.s32 v15, v42;
	v42 =	vld [tilespmem:s29+$0x70];
	v46 =	vmov s1;
	s1 =	simm.s32 $0x1C  }
0x263: {  	v32 =	vmovc v63;
	v55 =	vshrl.u32 v0, $0x3;
	v63 =	vadd.s32 v47, v43;
	v43 =	vld [tilespmem:s29+$0xB0];
	v51 =	vmov s1;
	s1 =	simm.s32 $0x1E;
	[tilespmem:v59+s15+$0x0] =	vst.idx.msk $0xffff, v4  }
0x264: {  	s31 =	simm.s32 $0x1F;
	s30 =	simm.s32 $0x20;
	v28 =	vmovc v19;
	v38 =	vshrl.u32 v9, $0x3;
	v19 =	vmovc v47;
	v39 =	vshrl.u32 v3, $0x3;
	v49 =	vmov s1;
	v59 =	vld [tilespmem:s29+$0x30];
	[tilespmem:v5+s15+$0x0] =	vst.idx.msk $0xffff, v2  }
.LBB2_9:
0x265: {  	v3 =	vld [tilespmem:s29+$0xF0]  }
0x266: {  	v6 =	vld [tilespmem:s29+$0x130]  }
0x267: {  	v9 =	vld [tilespmem:s29+$0x170]  }
0x268: {  	v0 =	vshrl.u32 v52, $0x3;
	v52 =	vld [tilespmem:$0x1FFA0]  }
0x269: {  	[tilespmem:v60+s15+$0x0] =	vst.idx.msk $0xffff, v57;
	v60 =	vld [tilespmem:$0x1FF00]  }
0x26a: {  	[tilespmem:v61+s15+$0x0] =	vst.idx.msk $0xffff, v58;
	v61 =	vld [tilespmem:$0x1FF10]  }
0x26b: {  	[tilespmem:v62+s15+$0x0] =	vst.idx.msk $0xffff, v59;
	v62 =	vld [tilespmem:$0x1FF60]  }
0x26c: {  	v57 =	vld [tilespmem:$0x1FF20]  }
0x26d: {  	v2 =	vmov s31;
	v5 =	vshrl.u32 v53, $0x3;
	v53 =	vld [tilespmem:$0x1FF30]  }
0x26e: {  	v2 =	vshrl.u32 v2, $0x3;
	[tilespmem:v63+s15+$0x0] =	vst.idx.msk $0xffff, v42;
	v42 =	vadd.s32 v15, v33;
	v33 =	vbroadcast v54, $0x0;
	v54 =	vld [tilespmem:$0x1FF70]  }
0x26f: {  	v8 =	vshrl.u32 v45, $0x3;
	v2 =	vshll.u32 v2, v1;
	v4 =	vadd.s32 v60, v34;
	v34 =	vld [tilespmem:s29+$0x1B0]  }
0x270: {  	v59 =	vshll.u32 v56, v1;
	v7 =	vadd.s32 v61, v35;
	v35 =	vadd.s32 v62, v37;
	v37 =	vld [tilespmem:s29+$0xFFFFFE30];
	s29 =	sadd.s32 $0x400, s29  }
0x271: {  	[tilespmem:v44+s15+$0x0] =	vst.idx.msk $0xffff, v43;
	v45 =	vbroadcast v59, $0x0;
	v59 =	vshll.u32 v38, v1;
	v10 =	vadd.s32 v57, v36;
	v43 =	vld [tilespmem:s29+$0x1C0]  }
0x272: {  	v11 =	vshrl.u32 v46, $0x3;
	v2 =	vbroadcast v2, $0x0;
	v38 =	vbroadcast v59, $0x0;
	v59 =	vld [tilespmem:s29+$0xFFFFFF00]  }
0x273: {  	v63 =	vshll.u32 v55, v1;
	v36 =	vshrl.u32 v50, $0x3;
	v50 =	vshrl.u32 v51, $0x3;
	v51 =	vld [tilespmem:s29+$0x40]  }
0x274: {  	v58 =	vshll.u32 v40, v1;
	v55 =	vadd.s32 v52, v2;
	v46 =	vbroadcast v63, $0x0;
	[tilespmem:v4+s15+$0x0] =	vst.idx.msk $0xffff, v3;
	v3 =	vld [tilespmem:s29+$0xFFFFFE00]  }
0x275: {  	v40 =	vbroadcast v58, $0x0;
	v56 =	vadd.s32 v12, v33;
	[tilespmem:v7+s15+$0x0] =	vst.idx.msk $0xffff, v6;
	v6 =	vld [tilespmem:s29+$0xFFFFFE40]  }
0x276: {  	v39 =	vshll.u32 v39, v1;
	v63 =	vadd.s32 v20, v46;
	[tilespmem:v10+s15+$0x0] =	vst.idx.msk $0xffff, v9;
	v9 =	vld [tilespmem:s29+$0xFFFFFE80]  }
0x277: {  	v0 =	vshll.u32 v0, v1;
	v58 =	vadd.s32 v24, v40;
	[tilespmem:v35+s15+$0x0] =	vst.idx.msk $0xffff, v34;
	v34 =	vld [tilespmem:s29+$0xFFFFFEC0]  }
0x278: {  	v47 =	vadd.s32 v28, v38;
	[tilespmem:v42+s15+$0x0] =	vst.idx.msk $0xffff, v37;
	v42 =	vbroadcast v0, $0x0;
	v0 =	vshll.u32 v5, v1;
	v5 =	vld [tilespmem:s29+$0xFFFFFF80]  }
0x279: {  	v41 =	vshll.u32 v41, v1;
	v39 =	vbroadcast v39, $0x0;
	v7 =	vadd.s32 v16, v45;
	v37 =	vld [tilespmem:s29+$0x0];
	[tilespmem:v55+s15+$0x0] =	vst.idx.msk $0xffff, v43  }
0x27a: {  	v4 =	vadd.s32 v54, v2;
	v43 =	vbroadcast v0, $0x0;
	v0 =	vshll.u32 v8, v1;
	[tilespmem:v56+s15+$0x0] =	vst.idx.msk $0xffff, v3;
	v3 =	vld [tilespmem:s29+$0x1D0]  }
0x27b: {  	v8 =	vld [tilespmem:s29+$0xFFFFFFC0];
	v44 =	vbroadcast v0, $0x0;
	v0 =	vshrl.u32 v48, $0x3;
	[tilespmem:v63+s15+$0x0] =	vst.idx.msk $0xffff, v9;
	v63 =	vadd.s32 v53, v39  }
0x27c: {  	v49 =	vshrl.u32 v49, $0x3;
	v48 =	vld [tilespmem:$0x1FF50];
	v0 =	vshll.u32 v0, v1;
	[tilespmem:v58+s15+$0x0] =	vst.idx.msk $0xffff, v34;
	v58 =	vadd.s32 v12, v43  }
0x27d: {  	[tilespmem:v47+s15+$0x0] =	vst.idx.msk $0xffff, v59;
	v59 =	vshll.u32 v36, v1;
	v36 =	vbroadcast v0, $0x0;
	v0 =	vshll.u32 v49, v1;
	v49 =	vld [tilespmem:$0x1FF40]  }
0x27e: {  	v41 =	vbroadcast v41, $0x0;
	v11 =	vshll.u32 v11, v1;
	[tilespmem:v7+s15+$0x0] =	vst.idx.msk $0xffff, v6;
	v6 =	vld [tilespmem:s29+$0xFFFFFF40];
	v56 =	vadd.s32 v52, v42  }
0x27f: {  	v47 =	vbroadcast v11, $0x0;
	v52 =	vadd.s32 v16, v44;
	[tilespmem:v4+s15+$0x0] =	vst.idx.msk $0xffff, v3;
	v3 =	vshll.u32 v50, v1;
	v50 =	vld [tilespmem:$0x1FF80]  }
0x280: {  	v7 =	vadd.s32 v32, v41;
	[tilespmem:v63+s15+$0x0] =	vst.idx.msk $0xffff, v5;
	v63 =	vld [tilespmem:s29+$0x80]  }
0x281: {  	v55 =	vadd.s32 v20, v47;
	v34 =	vbroadcast v59, $0x0;
	[tilespmem:v58+s15+$0x0] =	vst.idx.msk $0xffff, v37;
	v58 =	vld [tilespmem:s29+$0x100]  }
0x282: {  	v11 =	vadd.s32 v32, v36;
	v37 =	vbroadcast v0, $0x0;
	v0 =	vld [tilespmem:s29+$0x140]  }
0x283: {  	[tilespmem:v56+s15+$0x0] =	vst.idx.msk $0xffff, v8;
	v56 =	vadd.s32 v24, v34;
	v35 =	vbroadcast v3, $0x0;
	v3 =	vld [tilespmem:s29+$0xC0]  }
0x284: {  	[tilespmem:v52+s15+$0x0] =	vst.idx.msk $0xffff, v51;
	v52 =	vld [tilespmem:s29+$0x180];
	v53 =	vadd.s32 v53, v37  }
0x285: {  	[tilespmem:v7+s15+$0x0] =	vst.idx.msk $0xffff, v6;
	v5 =	vld [tilespmem:s29+$0xFFFFFE50];
	v59 =	vadd.s32 v28, v35  }
0x286: {  	v4 =	vld [tilespmem:s29+$0x1E0];
	v6 =	vadd.s32 v50, v2;
	[tilespmem:v55+s15+$0x0] =	vst.idx.msk $0xffff, v63  }
0x287: {  	v63 =	vld [tilespmem:$0x1FF90];
	v55 =	vadd.s32 v17, v45;
	[tilespmem:v11+s15+$0x0] =	vst.idx.msk $0xffff, v0  }
0x288: {  	v10 =	vadd.s32 v29, v38;
	v0 =	vld [tilespmem:s29+$0xFFFFFF10];
	[tilespmem:v56+s15+$0x0] =	vst.idx.msk $0xffff, v3  }
0x289: {  	v3 =	vld [tilespmem:s29+$0xFFFFFE90];
	v56 =	vadd.s32 v21, v46;
	[tilespmem:v53+s15+$0x0] =	vst.idx.msk $0xffff, v52  }
0x28a: {  	v52 =	vld [tilespmem:s29+$0xFFFFFF50];
	v53 =	vadd.s32 v31, v41;
	[tilespmem:v59+s15+$0x0] =	vst.idx.msk $0xffff, v58  }
0x28b: {  	v58 =	vld [tilespmem:s29+$0xFFFFFED0];
	v59 =	vadd.s32 v25, v40;
	[tilespmem:v6+s15+$0x0] =	vst.idx.msk $0xffff, v4  }
0x28c: {  	v2 =	vadd.s32 v63, v2;
	[tilespmem:v55+s15+$0x0] =	vst.idx.msk $0xffff, v5;
	v4 =	vld [tilespmem:s29+$0x1F0]  }
0x28d: {  	v51 =	vadd.s32 v17, v44;
	[tilespmem:v10+s15+$0x0] =	vst.idx.msk $0xffff, v0;
	v0 =	vld [tilespmem:s29+$0x50]  }
0x28e: {  	[tilespmem:v56+s15+$0x0] =	vst.idx.msk $0xffff, v3;
	v3 =	vld [tilespmem:s29+$0xFFFFFFD0];
	v56 =	vadd.s32 v54, v42  }
0x28f: {  	v9 =	vld [tilespmem:s29+$0x90];
	[tilespmem:v53+s15+$0x0] =	vst.idx.msk $0xffff, v52;
	v52 =	vadd.s32 v21, v47  }
0x290: {  	[tilespmem:v59+s15+$0x0] =	vst.idx.msk $0xffff, v58;
	v58 =	vld [tilespmem:s29+$0x10];
	v59 =	vadd.s32 v13, v43  }
0x291: {  	v55 =	vadd.s32 v49, v39;
	[tilespmem:v2+s15+$0x0] =	vst.idx.msk $0xffff, v4;
	v2 =	vld [tilespmem:s29+$0xFFFFFF90]  }
0x292: {  	v8 =	vadd.s32 v49, v37;
	[tilespmem:v51+s15+$0x0] =	vst.idx.msk $0xffff, v0;
	v0 =	vld [tilespmem:s29+$0x190]  }
0x293: {  	v54 =	vadd.s32 v29, v35;
	[tilespmem:v56+s15+$0x0] =	vst.idx.msk $0xffff, v3;
	v3 =	vld [tilespmem:s29+$0x110]  }
0x294: {  	v51 =	vld [tilespmem:s29+$0xFFFFFE60];
	[tilespmem:v52+s15+$0x0] =	vst.idx.msk $0xffff, v9;
	v52 =	vadd.s32 v18, v45  }
0x295: {  	[tilespmem:v59+s15+$0x0] =	vst.idx.msk $0xffff, v58;
	v58 =	vld [tilespmem:s29+$0xFFFFFE10];
	v59 =	vadd.s32 v13, v33  }
0x296: {  	v53 =	vadd.s32 v25, v34;
	[tilespmem:v55+s15+$0x0] =	vst.idx.msk $0xffff, v2;
	v2 =	vld [tilespmem:s29+$0xD0]  }
0x297: {  	v56 =	vadd.s32 v31, v36;
	[tilespmem:v8+s15+$0x0] =	vst.idx.msk $0xffff, v0;
	v55 =	vld [tilespmem:s29+$0x150]  }
0x298: {  	[tilespmem:v54+s15+$0x0] =	vst.idx.msk $0xffff, v3;
	v3 =	vld [tilespmem:s29+$0xFFFFFEE0];
	v54 =	vadd.s32 v26, v40  }
0x299: {  	v7 =	vadd.s32 v48, v37;
	v6 =	vld [tilespmem:s29+$0x1A0];
	[tilespmem:v52+s15+$0x0] =	vst.idx.msk $0xffff, v51  }
0x29a: {  	v0 =	vld [tilespmem:s29+$0xFFFFFF60];
	[tilespmem:v59+s15+$0x0] =	vst.idx.msk $0xffff, v58;
	v58 =	vadd.s32 v27, v41  }
0x29b: {  	[tilespmem:v53+s15+$0x0] =	vst.idx.msk $0xffff, v2;
	v2 =	vld [tilespmem:s29+$0xFFFFFEA0];
	v53 =	vadd.s32 v22, v46  }
0x29c: {  	v52 =	vadd.s32 v48, v39;
	v59 =	vld [tilespmem:s29+$0xFFFFFFA0];
	[tilespmem:v56+s15+$0x0] =	vst.idx.msk $0xffff, v55  }
0x29d: {  	v49 =	vadd.s32 v14, v33;
	v48 =	vld [tilespmem:s29+$0xFFFFFE20];
	[tilespmem:v54+s15+$0x0] =	vst.idx.msk $0xffff, v3  }
0x29e: {  	v55 =	vld [tilespmem:s29+$0xFFFFFF20];
	v56 =	vadd.s32 v30, v38;
	[tilespmem:v7+s15+$0x0] =	vst.idx.msk $0xffff, v6  }
0x29f: {  	v3 =	vld [tilespmem:s29+$0x20];
	v54 =	vadd.s32 v14, v43;
	[tilespmem:v58+s15+$0x0] =	vst.idx.msk $0xffff, v0  }
0x2a0: {  	[tilespmem:v53+s15+$0x0] =	vst.idx.msk $0xffff, v2;
	v2 =	vld [tilespmem:s29+$0xFFFFFFE0];
	v53 =	vadd.s32 v50, v42  }
0x2a1: {  	v10 =	vadd.s32 v26, v34;
	v9 =	vld [tilespmem:s29+$0xE0];
	[tilespmem:v52+s15+$0x0] =	vst.idx.msk $0xffff, v59  }
0x2a2: {  	v0 =	vld [tilespmem:s29+$0xA0];
	v58 =	vadd.s32 v22, v47;
	[tilespmem:v49+s15+$0x0] =	vst.idx.msk $0xffff, v48  }
0x2a3: {  	[tilespmem:v56+s15+$0x0] =	vst.idx.msk $0xffff, v55;
	v55 =	vld [tilespmem:s29+$0x60];
	v56 =	vadd.s32 v18, v44  }
0x2a4: {  	s31 =	sadd.s32 $0x3, s30;
	v5 =	vadd.s32 v27, v36;
	v4 =	vadd.s32 v30, v35;
	[tilespmem:v54+s15+$0x0] =	vst.idx.msk $0xffff, v3;
	v3 =	vld [tilespmem:s29+$0x160]  }
0x2a5: {  	v8 =	vmov s31;
	v40 =	vadd.s32 v60, v40;
	v60 =	vadd.s32 v62, v39;
	[tilespmem:v53+s15+$0x0] =	vst.idx.msk $0xffff, v2;
	v2 =	vld [tilespmem:s29+$0x120]  }
0x2a6: {  	s31 =	sadd.s32 $0x5, s30;
	v62 =	vadd.s32 v15, v43;
	v7 =	vadd.s32 v57, v41;
	v59 =	vmov s30;
	v6 =	vld [tilespmem:s29+$0xFFFFFF70];
	[tilespmem:v10+s15+$0x0] =	vst.idx.msk $0xffff, v9  }
0x2a7: {  	s1 =	sadd.s32 $0x1, s30;
	v11 =	vshrl.u32 v59, $0x3;
	v59 =	vadd.s32 v23, v46;
	v10 =	vmov s31;
	s31 =	sadd.s32 $0x7, s30;
	[tilespmem:v58+s15+$0x0] =	vst.idx.msk $0xffff, v0;
	v58 =	vld [tilespmem:s29+$0xFFFFFEB0]  }
0x2a8: {  	v54 =	vld [tilespmem:s29+$0xFFFFFE70];
	v52 =	vmov s31;
	[tilespmem:v56+s15+$0x0] =	vst.idx.msk $0xffff, v55;
	v55 =	vmov s1;
	s1 =	sadd.s32 $0x2, s30;
	v56 =	vadd.s32 v19, v45  }
0x2a9: {  	s31 =	sadd.s32 $0x9, s30;
	v41 =	vshrl.u32 v10, $0x3;
	[tilespmem:v5+s15+$0x0] =	vst.idx.msk $0xffff, v3;
	v3 =	vld [tilespmem:s29+$0xFFFFFF30];
	v5 =	vadd.s32 v61, v38;
	v0 =	vmov s1;
	s1 =	sadd.s32 $0x4, s30  }
0x2aa: {  	p0 =	slt.u32 s30, $0x70;
	v45 =	vmov s31;
	s31 =	sadd.s32 $0xB, s30;
	v61 =	vadd.s32 v63, v42;
	v9 =	vmov s1;
	s1 =	sadd.s32 $0x6, s30;
	[tilespmem:v4+s15+$0x0] =	vst.idx.msk $0xffff, v2;
	v4 =	vld [tilespmem:s29+$0xFFFFFEF0]  }
.Ltmp6:
0x2ab: {  	v57 =	vld [tilespmem:s29+$0xFFFFFFB0];
	[tilespmem:v7+s15+$0x0] =	vst.idx.msk $0xffff, v6;
	v63 =	vadd.s32 v19, v44;
	v50 =	vmov s31;
	s31 =	sadd.s32 $0xD, s30;
	v2 =	vmov s1;
	s1 =	sadd.s32 $0x8, s30;
	(pc) =	sbr.rel @p0 .LBB2_9-.Ltmp6, $4  }
0x2ac: {  	v43 =	vld [tilespmem:s29+$0xB0];
	v44 =	vadd.s32 v23, v47;
	v48 =	vmov s31;
	[tilespmem:v59+s15+$0x0] =	vst.idx.msk $0xffff, v58;
	v53 =	vmov s1;
	s1 =	sadd.s32 $0xA, s30  }
0x2ad: {  	v42 =	vld [tilespmem:s29+$0x70];
	v38 =	vshrl.u32 v9, $0x3;
	[tilespmem:v56+s15+$0x0] =	vst.idx.msk $0xffff, v54;
	v54 =	vshll.u32 v11, v1;
	v46 =	vmov s1;
	s1 =	sadd.s32 $0xC, s30  }
0x2ae: {  	v58 =	vld [tilespmem:s29+$0xFFFFFFF0];
	v56 =	vshrl.u32 v55, $0x3;
	v55 =	vshrl.u32 v0, $0x3;
	[tilespmem:v5+s15+$0x0] =	vst.idx.msk $0xffff, v3;
	v51 =	vmov s1;
	s1 =	sadd.s32 $0xE, s30  }
0x2af: {  	v59 =	vld [tilespmem:s29+$0x30];
	s31 =	sadd.s32 $0xF, s30;
	v39 =	vshrl.u32 v2, $0x3;
	s30 =	sadd.s32 $0x10, s30;
	v49 =	vmov s1;
	[tilespmem:v40+s15+$0x0] =	vst.idx.msk $0xffff, v4;
	v40 =	vshrl.u32 v8, $0x3  }
0x2b0: {  	_ =	sdelay $0x3  }
0x2b1: {  	[tilespmem:v60+s15+$0x0] =	vst.idx.msk $0xffff, v57  }
0x2b2: {  	v4 =	vld [tilespmem:$0x1FF00]  }
0x2b3: {  	v3 =	vld [tilespmem:s29+$0xF0];
	[tilespmem:v61+s15+$0x0] =	vst.idx.msk $0xffff, v58  }
0x2b4: {  	v60 =	vld [tilespmem:$0x1FF10];
	[tilespmem:v62+s15+$0x0] =	vst.idx.msk $0xffff, v59  }
0x2b5: {  	v58 =	vld [tilespmem:$0x1FF20];
	[tilespmem:v63+s15+$0x0] =	vst.idx.msk $0xffff, v42  }
0x2b6: {  	v57 =	vld [tilespmem:$0x1FF60]  }
0x2b7: {  	v61 =	vld [tilespmem:s29+$0xFFFFFE30];
	v4 =	vadd.s32 v4, v34;
	[tilespmem:v44+s15+$0x0] =	vst.idx.msk $0xffff, v43  }
0x2b8: {  	v2 =	vmov s31;
	v47 =	vadd.s32 v15, v33;
	v59 =	vshll.u32 v56, v1;
	v56 =	vld [tilespmem:$0x1FFA0]  }
0x2b9: {  	v0 =	vshrl.u32 v52, $0x3;
	v6 =	vld [tilespmem:s29+$0x130];
	v2 =	vshrl.u32 v2, $0x3;
	v7 =	vadd.s32 v60, v35  }
0x2ba: {  	v9 =	vld [tilespmem:s29+$0x170];
	v2 =	vshll.u32 v2, v1;
	v34 =	vbroadcast v54, $0x0;
	v10 =	vadd.s32 v58, v36  }
0x2bb: {  	v5 =	vshrl.u32 v53, $0x3;
	v52 =	vld [tilespmem:s29+$0x1B0];
	s1 =	sadd.s32 $0x400, s29;
	v2 =	vbroadcast v2, $0x0;
	v53 =	vadd.s32 v57, v37  }
0x2bc: {  	v63 =	vadd.s32 v12, v34;
	[tilespmem:v4+s15+$0x0] =	vst.idx.msk $0xffff, v3;
	v3 =	vld [tilespmem:s1+$0xFFFFFE00]  }
0x2bd: {  	v43 =	vld [tilespmem:s1+$0x1C0];
	[tilespmem:v47+s15+$0x0] =	vst.idx.msk $0xffff, v61;
	v44 =	vadd.s32 v56, v2  }
0x2be: {  	[tilespmem:v7+s15+$0x0] =	vst.idx.msk $0xffff, v6  }
0x2bf: {  	v62 =	vshll.u32 v55, v1;
	v33 =	vbroadcast v59, $0x0;
	[tilespmem:v10+s15+$0x0] =	vst.idx.msk $0xffff, v9  }
0x2c0: {  	v35 =	vbroadcast v62, $0x0;
	[tilespmem:v53+s15+$0x0] =	vst.idx.msk $0xffff, v52  }
0x2c1: {  	v55 =	vshll.u32 v38, v1;
	v6 =	vld [tilespmem:s1+$0xFFFFFE40];
	v7 =	vadd.s32 v16, v33;
	[tilespmem:v63+s15+$0x0] =	vst.idx.msk $0xffff, v3  }
0x2c2: {  	v54 =	vshll.u32 v40, v1;
	v9 =	vld [tilespmem:s1+$0xFFFFFE80];
	v10 =	vadd.s32 v20, v35;
	[tilespmem:v44+s15+$0x0] =	vst.idx.msk $0xffff, v43  }
0x2c3: {  	v36 =	vbroadcast v54, $0x0;
	v37 =	vbroadcast v55, $0x0;
	v55 =	vld [tilespmem:$0x1FF70]  }
0x2c4: {  	v42 =	vld [tilespmem:s1+$0xFFFFFEC0];
	v59 =	vshll.u32 v41, v1  }
0x2c5: {  	v8 =	vshrl.u32 v45, $0x3;
	v38 =	vbroadcast v59, $0x0;
	v61 =	vld [tilespmem:s1+$0xFFFFFF00];
	v45 =	vadd.s32 v24, v36  }
0x2c6: {  	v62 =	vadd.s32 v28, v37;
	v3 =	vld [tilespmem:s1+$0x1D0];
	[tilespmem:v7+s15+$0x0] =	vst.idx.msk $0xffff, v6  }
0x2c7: {  	v6 =	vld [tilespmem:s1+$0xFFFFFF40];
	v7 =	vadd.s32 v32, v38;
	[tilespmem:v10+s15+$0x0] =	vst.idx.msk $0xffff, v9  }
0x2c8: {  	v54 =	vld [tilespmem:$0x1FF30];
	v4 =	vadd.s32 v55, v2;
	_ =	sdelay $0x1  }
0x2c9: {  	v39 =	vshll.u32 v39, v1;
	[tilespmem:v45+s15+$0x0] =	vst.idx.msk $0xffff, v42  }
0x2ca: {  	v39 =	vbroadcast v39, $0x0;
	[tilespmem:v62+s15+$0x0] =	vst.idx.msk $0xffff, v61  }
0x2cb: {  	v11 =	vshrl.u32 v46, $0x3;
	v51 =	vshrl.u32 v51, $0x3;
	v0 =	vshll.u32 v0, v1;
	[tilespmem:v7+s15+$0x0] =	vst.idx.msk $0xffff, v6  }
0x2cc: {  	v40 =	vbroadcast v0, $0x0;
	v0 =	vshll.u32 v5, v1;
	v63 =	vld [tilespmem:s1+$0xFFFFFF80];
	v9 =	vadd.s32 v54, v39;
	[tilespmem:v4+s15+$0x0] =	vst.idx.msk $0xffff, v3  }
0x2cd: {  	v41 =	vbroadcast v0, $0x0;
	v0 =	vshll.u32 v8, v1;
	v3 =	vshll.u32 v51, v1;
	v51 =	vld [tilespmem:$0x1FF80]  }
0x2ce: {  	v11 =	vshll.u32 v11, v1;
	v8 =	vld [tilespmem:s1+$0xFFFFFFC0];
	v10 =	vadd.s32 v56, v40;
	v42 =	vbroadcast v0, $0x0  }
0x2cf: {  	v47 =	vld [tilespmem:s1+$0x0];
	v59 =	vadd.s32 v12, v41;
	v43 =	vbroadcast v11, $0x0  }
0x2d0: {  	v61 =	vld [tilespmem:s1+$0x40];
	v62 =	vadd.s32 v16, v42  }
0x2d1: {  	v7 =	vadd.s32 v20, v43;
	[tilespmem:v9+s15+$0x0] =	vst.idx.msk $0xffff, v63;
	v63 =	vld [tilespmem:s1+$0x80]  }
0x2d2: {  	v4 =	vld [tilespmem:s1+$0x1E0];
	v6 =	vadd.s32 v51, v2  }
0x2d3: {  	[tilespmem:v10+s15+$0x0] =	vst.idx.msk $0xffff, v8  }
0x2d4: {  	v50 =	vshrl.u32 v50, $0x3;
	[tilespmem:v59+s15+$0x0] =	vst.idx.msk $0xffff, v47  }
0x2d5: {  	v11 =	vshll.u32 v50, v1;
	[tilespmem:v62+s15+$0x0] =	vst.idx.msk $0xffff, v61  }
0x2d6: {  	v44 =	vbroadcast v11, $0x0;
	v0 =	vshrl.u32 v48, $0x3;
	[tilespmem:v7+s15+$0x0] =	vst.idx.msk $0xffff, v63  }
0x2d7: {  	v49 =	vshrl.u32 v49, $0x3;
	v0 =	vshll.u32 v0, v1;
	v45 =	vbroadcast v3, $0x0;
	v3 =	vld [tilespmem:s1+$0xC0];
	[tilespmem:v6+s15+$0x0] =	vst.idx.msk $0xffff, v4  }
0x2d8: {  	v46 =	vbroadcast v0, $0x0;
	v0 =	vshll.u32 v49, v1;
	v8 =	vadd.s32 v24, v44;
	v52 =	vld [tilespmem:$0x1FF90]  }
0x2d9: {  	v47 =	vbroadcast v0, $0x0;
	v9 =	vld [tilespmem:s1+$0x100];
	v10 =	vadd.s32 v28, v45  }
0x2da: {  	v11 =	vadd.s32 v32, v46;
	v0 =	vld [tilespmem:s1+$0x140]  }
0x2db: {  	v59 =	vld [tilespmem:s1+$0x180];
	v61 =	vadd.s32 v54, v47  }
0x2dc: {  	v62 =	vld [tilespmem:s1+$0xFFFFFE50];
	v6 =	vadd.s32 v17, v33  }
0x2dd: {  	v4 =	vld [tilespmem:s1+$0x1F0];
	[tilespmem:v8+s15+$0x0] =	vst.idx.msk $0xffff, v3;
	v2 =	vadd.s32 v52, v2  }
0x2de: {  	[tilespmem:v10+s15+$0x0] =	vst.idx.msk $0xffff, v9  }
0x2df: {  	v7 =	vadd.s32 v21, v35;
	v3 =	vld [tilespmem:s1+$0xFFFFFE90];
	[tilespmem:v11+s15+$0x0] =	vst.idx.msk $0xffff, v0  }
0x2e0: {  	v8 =	vld [tilespmem:s1+$0xFFFFFED0];
	v9 =	vadd.s32 v25, v36;
	[tilespmem:v61+s15+$0x0] =	vst.idx.msk $0xffff, v59  }
0x2e1: {  	v0 =	vld [tilespmem:s1+$0xFFFFFF10];
	v10 =	vadd.s32 v29, v37;
	[tilespmem:v6+s15+$0x0] =	vst.idx.msk $0xffff, v62  }
0x2e2: {  	v11 =	vld [tilespmem:s1+$0xFFFFFF50];
	[tilespmem:v2+s15+$0x0] =	vst.idx.msk $0xffff, v4  }
0x2e3: {  	v63 =	vadd.s32 v31, v38;
	v53 =	vld [tilespmem:$0x1FF40]  }
0x2e4: {  	v59 =	vadd.s32 v55, v40;
	[tilespmem:v7+s15+$0x0] =	vst.idx.msk $0xffff, v3;
	v3 =	vld [tilespmem:s1+$0xFFFFFFD0]  }
0x2e5: {  	v6 =	vld [tilespmem:s1+$0x10];
	[tilespmem:v9+s15+$0x0] =	vst.idx.msk $0xffff, v8;
	v7 =	vadd.s32 v13, v41  }
0x2e6: {  	[tilespmem:v10+s15+$0x0] =	vst.idx.msk $0xffff, v0;
	v0 =	vld [tilespmem:s1+$0x50];
	v8 =	vadd.s32 v17, v42  }
0x2e7: {  	v9 =	vld [tilespmem:s1+$0x90];
	v10 =	vadd.s32 v21, v43  }
0x2e8: {  	[tilespmem:v63+s15+$0x0] =	vst.idx.msk $0xffff, v11;
	v11 =	vld [tilespmem:s1+$0xFFFFFE10];
	v63 =	vadd.s32 v13, v34  }
0x2e9: {  	v2 =	vld [tilespmem:s1+$0xFFFFFF90];
	v54 =	vadd.s32 v53, v39;
	[tilespmem:v59+s15+$0x0] =	vst.idx.msk $0xffff, v3  }
0x2ea: {  	v62 =	vadd.s32 v29, v45;
	v3 =	vld [tilespmem:s1+$0x110];
	[tilespmem:v7+s15+$0x0] =	vst.idx.msk $0xffff, v6  }
0x2eb: {  	v6 =	vld [tilespmem:s1+$0x150];
	v7 =	vadd.s32 v31, v46;
	[tilespmem:v8+s15+$0x0] =	vst.idx.msk $0xffff, v0  }
0x2ec: {  	v0 =	vld [tilespmem:s1+$0x190];
	v8 =	vadd.s32 v53, v47;
	[tilespmem:v10+s15+$0x0] =	vst.idx.msk $0xffff, v9  }
0x2ed: {  	v9 =	vld [tilespmem:s1+$0xFFFFFE60];
	v10 =	vadd.s32 v18, v33;
	[tilespmem:v63+s15+$0x0] =	vst.idx.msk $0xffff, v11  }
0x2ee: {  	v61 =	vadd.s32 v25, v44;
	[tilespmem:v54+s15+$0x0] =	vst.idx.msk $0xffff, v2;
	v2 =	vld [tilespmem:s1+$0xD0]  }
0x2ef: {  	[tilespmem:v62+s15+$0x0] =	vst.idx.msk $0xffff, v3  }
0x2f0: {  	[tilespmem:v7+s15+$0x0] =	vst.idx.msk $0xffff, v6  }
0x2f1: {  	[tilespmem:v8+s15+$0x0] =	vst.idx.msk $0xffff, v0  }
0x2f2: {  	[tilespmem:v10+s15+$0x0] =	vst.idx.msk $0xffff, v9  }
0x2f3: {  	v53 =	vadd.s32 v22, v35;
	[tilespmem:v61+s15+$0x0] =	vst.idx.msk $0xffff, v2;
	v2 =	vld [tilespmem:s1+$0xFFFFFEA0]  }
0x2f4: {  	v49 =	vld [tilespmem:$0x1FF50]  }
0x2f5: {  	v3 =	vld [tilespmem:s1+$0xFFFFFEE0];
	v54 =	vadd.s32 v26, v36  }
0x2f6: {  	v6 =	vld [tilespmem:s1+$0xFFFFFF20];
	v7 =	vadd.s32 v30, v37  }
0x2f7: {  	v0 =	vld [tilespmem:s1+$0xFFFFFF60];
	v8 =	vadd.s32 v27, v38  }
0x2f8: {  	v55 =	vadd.s32 v51, v40;
	[tilespmem:v53+s15+$0x0] =	vst.idx.msk $0xffff, v2;
	v2 =	vld [tilespmem:s1+$0xFFFFFFE0]  }
0x2f9: {  	v9 =	vld [tilespmem:s1+$0xFFFFFFA0];
	v10 =	vadd.s32 v49, v39  }
0x2fa: {  	v59 =	vadd.s32 v14, v41;
	[tilespmem:v54+s15+$0x0] =	vst.idx.msk $0xffff, v3;
	v3 =	vld [tilespmem:s1+$0x20]  }
0x2fb: {  	[tilespmem:v7+s15+$0x0] =	vst.idx.msk $0xffff, v6;
	v6 =	vld [tilespmem:s1+$0x60];
	v7 =	vadd.s32 v18, v42  }
0x2fc: {  	[tilespmem:v8+s15+$0x0] =	vst.idx.msk $0xffff, v0;
	v0 =	vld [tilespmem:s1+$0xA0];
	v8 =	vadd.s32 v22, v43  }
0x2fd: {  	v61 =	vadd.s32 v30, v45;
	[tilespmem:v55+s15+$0x0] =	vst.idx.msk $0xffff, v2;
	v2 =	vld [tilespmem:s1+$0x120]  }
0x2fe: {  	[tilespmem:v10+s15+$0x0] =	vst.idx.msk $0xffff, v9;
	v9 =	vld [tilespmem:s1+$0xE0];
	v10 =	vadd.s32 v26, v44  }
0x2ff: {  	[tilespmem:v59+s15+$0x0] =	vst.idx.msk $0xffff, v3  }
0x300: {  	[tilespmem:v7+s15+$0x0] =	vst.idx.msk $0xffff, v6  }
0x301: {  	v11 =	vld [tilespmem:s1+$0xFFFFFE20];
	[tilespmem:v8+s15+$0x0] =	vst.idx.msk $0xffff, v0  }
0x302: {  	v62 =	vadd.s32 v27, v46;
	v3 =	vld [tilespmem:s1+$0x160];
	[tilespmem:v61+s15+$0x0] =	vst.idx.msk $0xffff, v2  }
0x303: {  	v6 =	vld [tilespmem:s1+$0x1A0];
	v7 =	vadd.s32 v49, v47;
	[tilespmem:v10+s15+$0x0] =	vst.idx.msk $0xffff, v9  }
0x304: {  	v63 =	vadd.s32 v14, v34;
	v51 =	vld [tilespmem:$0x1FF00]  }
0x305: {  	v0 =	vld [tilespmem:s1+$0xFFFFFE70];
	v8 =	vadd.s32 v19, v33  }
0x306: {  	v9 =	vld [tilespmem:s1+$0xFFFFFEB0];
	v10 =	vadd.s32 v23, v35  }
0x307: {  	v54 =	vadd.s32 v60, v37;
	[tilespmem:v62+s15+$0x0] =	vst.idx.msk $0xffff, v3;
	v3 =	vld [tilespmem:s1+$0xFFFFFF30]  }
0x308: {  	[tilespmem:v7+s15+$0x0] =	vst.idx.msk $0xffff, v6;
	v6 =	vld [tilespmem:s1+$0xFFFFFF70];
	v7 =	vadd.s32 v58, v38  }
0x309: {  	v2 =	vld [tilespmem:s1+$0xFFFFFEF0];
	[tilespmem:v63+s15+$0x0] =	vst.idx.msk $0xffff, v11;
	v53 =	vadd.s32 v51, v36  }
0x30a: {  	[tilespmem:v8+s15+$0x0] =	vst.idx.msk $0xffff, v0;
	v0 =	vld [tilespmem:s1+$0xFFFFFFB0];
	v8 =	vadd.s32 v57, v39  }
0x30b: {  	v63 =	vadd.s32 v15, v34;
	v11 =	vld [tilespmem:s1+$0xFFFFFE30];
	[tilespmem:v10+s15+$0x0] =	vst.idx.msk $0xffff, v9  }
0x30c: {  	v9 =	vld [tilespmem:s1+$0xFFFFFFF0];
	v10 =	vadd.s32 v52, v40;
	[tilespmem:v54+s15+$0x0] =	vst.idx.msk $0xffff, v3  }
0x30d: {  	v59 =	vadd.s32 v19, v42;
	v3 =	vld [tilespmem:s1+$0x70];
	[tilespmem:v7+s15+$0x0] =	vst.idx.msk $0xffff, v6  }
0x30e: {  	v55 =	vadd.s32 v15, v41;
	[tilespmem:v53+s15+$0x0] =	vst.idx.msk $0xffff, v2;
	v2 =	vld [tilespmem:s1+$0x30]  }
0x30f: {  	v6 =	vld [tilespmem:s1+$0xB0];
	v7 =	vadd.s32 v23, v43;
	[tilespmem:v8+s15+$0x0] =	vst.idx.msk $0xffff, v0  }
0x310: {  	v0 =	vld [tilespmem:s1+$0xF0];
	v8 =	vadd.s32 v51, v44;
	[tilespmem:v63+s15+$0x0] =	vst.idx.msk $0xffff, v11  }
0x311: {  	[tilespmem:v10+s15+$0x0] =	vst.idx.msk $0xffff, v9;
	v9 =	vld [tilespmem:s1+$0x130];
	v10 =	vadd.s32 v60, v45  }
0x312: {  	v62 =	vadd.s32 v57, v47;
	[tilespmem:v59+s15+$0x0] =	vst.idx.msk $0xffff, v3;
	v3 =	vld [tilespmem:s1+$0x1B0]  }
0x313: {  	v61 =	vadd.s32 v58, v46;
	[tilespmem:v55+s15+$0x0] =	vst.idx.msk $0xffff, v2;
	v2 =	vld [tilespmem:s1+$0x170];
	s1 =	sadd.s32 s28, s5  }
0x314: {  	[tilespmem:v7+s15+$0x0] =	vst.idx.msk $0xffff, v6;
	s1 =	sadd.s32 $0x1, s1  }
0x315: {  	[tilespmem:v8+s15+$0x0] =	vst.idx.msk $0xffff, v0;
	s30 =	sshll.u32 s1, $0xA;
	s1 =	sshll.u32 s1, $0x7  }
0x316: {  	[tilespmem:v10+s15+$0x0] =	vst.idx.msk $0xffff, v9;
	s28 =	sand.u32 $0xFFE0000, s30;
	s1 =	sand.u32 $0x3F80, s1  }
0x317: {  	[tilespmem:v62+s15+$0x0] =	vst.idx.msk $0xffff, v3;
	s28 =	sor.u32 s1, s28  }
0x318: {  	[tilespmem:v61+s15+$0x0] =	vst.idx.msk $0xffff, v2;
	s1 =	sadd.s32 s2, s28  }
0x319: {  	[hbm4b:s1+s3] =	stream.linear.scatter [tilespmem:s15], [sflag:$0x4], $0x80, $0x38;
	[tilespmem:$0xEC00] =	vst v63  }
0x31a: {  	s30 =	simm.s32 $0xC890;
	s31 =	sadd.s32 $0x10, s1  }
0x31b: {  	[hbm4b:s31+s3] =	stream.linear.scatter [tilespmem:s30], [sflag:$0x4], $0x80, $0x38;
	[tilespmem:$0xEC00] =	vst v63  }
0x31c: {  	s29 =	sadd.s32 $0x20, s1;
	s31 =	simm.s32 $0xC920  }
0x31d: {  	[hbm4b:s29+s3] =	stream.linear.scatter [tilespmem:s31], [sflag:$0x4], $0x80, $0x38;
	[tilespmem:$0xEC00] =	vst v63  }
0x31e: {  	s29 =	sadd.s32 $0x30, s1;
	s31 =	simm.s32 $0xC9B0  }
0x31f: {  	[hbm4b:s29+s3] =	stream.linear.scatter [tilespmem:s31], [sflag:$0x4], $0x80, $0x38;
	[tilespmem:$0xEC00] =	vst v63  }
0x320: {  	s29 =	sadd.s32 $0x40, s1;
	s31 =	simm.s32 $0xCA40  }
0x321: {  	[hbm4b:s29+s3] =	stream.linear.scatter [tilespmem:s31], [sflag:$0x4], $0x80, $0x38;
	[tilespmem:$0xEC00] =	vst v63  }
0x322: {  	s29 =	sadd.s32 $0x50, s1;
	s31 =	simm.s32 $0xCAD0  }
0x323: {  	[hbm4b:s29+s3] =	stream.linear.scatter [tilespmem:s31], [sflag:$0x4], $0x80, $0x38;
	[tilespmem:$0xEC00] =	vst v63  }
0x324: {  	s29 =	sadd.s32 $0x60, s1;
	s31 =	simm.s32 $0xCB60  }
0x325: {  	[hbm4b:s29+s3] =	stream.linear.scatter [tilespmem:s31], [sflag:$0x4], $0x80, $0x38;
	[tilespmem:$0xEC00] =	vst v63  }
0x326: {  	s1 =	sadd.s32 $0x70, s1;
	s31 =	simm.s32 $0xCBF0  }
0x327: {  	[hbm4b:s1+s3] =	stream.linear.scatter [tilespmem:s31], [sflag:$0x4], $0x80, $0x38;
	[tilespmem:$0xEC00] =	vst v63  }
0x328: {  	s30 =	simm.s32 $0xCC80;
	s1 =	sadd.s32 s28, s7  }
0x329: {  	[hbm4b:s1+s3] =	stream.linear.scatter [tilespmem:s30], [sflag:$0x4], $0x80, $0x38;
	[tilespmem:$0xEC00] =	vst v63  }
0x32a: {  	s31 =	simm.s32 $0xCD10;
	s29 =	sadd.s32 $0x10, s1  }
0x32b: {  	[hbm4b:s29+s3] =	stream.linear.scatter [tilespmem:s31], [sflag:$0x4], $0x80, $0x38;
	[tilespmem:$0xEC00] =	vst v63  }
0x32c: {  	s29 =	sadd.s32 $0x20, s1;
	s31 =	simm.s32 $0xCDA0  }
0x32d: {  	[hbm4b:s29+s3] =	stream.linear.scatter [tilespmem:s31], [sflag:$0x4], $0x80, $0x38;
	[tilespmem:$0xEC00] =	vst v63  }
0x32e: {  	s29 =	sadd.s32 $0x30, s1;
	s31 =	simm.s32 $0xCE30  }
0x32f: {  	[hbm4b:s29+s3] =	stream.linear.scatter [tilespmem:s31], [sflag:$0x4], $0x80, $0x38;
	[tilespmem:$0xEC00] =	vst v63  }
0x330: {  	s29 =	sadd.s32 $0x40, s1;
	s31 =	simm.s32 $0xCEC0  }
0x331: {  	[hbm4b:s29+s3] =	stream.linear.scatter [tilespmem:s31], [sflag:$0x4], $0x80, $0x38;
	[tilespmem:$0xEC00] =	vst v63  }
0x332: {  	s29 =	sadd.s32 $0x50, s1;
	s31 =	simm.s32 $0xCF50  }
0x333: {  	[hbm4b:s29+s3] =	stream.linear.scatter [tilespmem:s31], [sflag:$0x4], $0x80, $0x38;
	[tilespmem:$0xEC00] =	vst v63  }
0x334: {  	s29 =	sadd.s32 $0x60, s1;
	s31 =	simm.s32 $0xCFE0  }
0x335: {  	[hbm4b:s29+s3] =	stream.linear.scatter [tilespmem:s31], [sflag:$0x4], $0x80, $0x38;
	[tilespmem:$0xEC00] =	vst v63  }
0x336: {  	s1 =	sadd.s32 $0x70, s1;
	s31 =	simm.s32 $0xD070  }
0x337: {  	[hbm4b:s1+s3] =	stream.linear.scatter [tilespmem:s31], [sflag:$0x4], $0x80, $0x38;
	[tilespmem:$0xEC00] =	vst v63  }
0x338: {  	s30 =	simm.s32 $0xD100;
	s1 =	sadd.s32 s28, s8  }
0x339: {  	[hbm4b:s1+s3] =	stream.linear.scatter [tilespmem:s30], [sflag:$0x4], $0x80, $0x38;
	[tilespmem:$0xEC00] =	vst v63  }
0x33a: {  	s31 =	simm.s32 $0xD190;
	s29 =	sadd.s32 $0x10, s1  }
0x33b: {  	[hbm4b:s29+s3] =	stream.linear.scatter [tilespmem:s31], [sflag:$0x4], $0x80, $0x38;
	[tilespmem:$0xEC00] =	vst v63  }
0x33c: {  	s29 =	sadd.s32 $0x20, s1;
	s31 =	simm.s32 $0xD220  }
0x33d: {  	[hbm4b:s29+s3] =	stream.linear.scatter [tilespmem:s31], [sflag:$0x4], $0x80, $0x38;
	[tilespmem:$0xEC00] =	vst v63  }
0x33e: {  	s29 =	sadd.s32 $0x30, s1;
	s31 =	simm.s32 $0xD2B0  }
0x33f: {  	[hbm4b:s29+s3] =	stream.linear.scatter [tilespmem:s31], [sflag:$0x4], $0x80, $0x38;
	[tilespmem:$0xEC00] =	vst v63  }
0x340: {  	s29 =	sadd.s32 $0x40, s1;
	s31 =	simm.s32 $0xD340  }
0x341: {  	[hbm4b:s29+s3] =	stream.linear.scatter [tilespmem:s31], [sflag:$0x4], $0x80, $0x38;
	[tilespmem:$0xEC00] =	vst v63  }
0x342: {  	s29 =	sadd.s32 $0x50, s1;
	s31 =	simm.s32 $0xD3D0  }
0x343: {  	[hbm4b:s29+s3] =	stream.linear.scatter [tilespmem:s31], [sflag:$0x4], $0x80, $0x38;
	[tilespmem:$0xEC00] =	vst v63  }
0x344: {  	s29 =	sadd.s32 $0x60, s1;
	s31 =	simm.s32 $0xD460  }
0x345: {  	[hbm4b:s29+s3] =	stream.linear.scatter [tilespmem:s31], [sflag:$0x4], $0x80, $0x38;
	[tilespmem:$0xEC00] =	vst v63  }
0x346: {  	s1 =	sadd.s32 $0x70, s1;
	s31 =	simm.s32 $0xD4F0  }
0x347: {  	[hbm4b:s1+s3] =	stream.linear.scatter [tilespmem:s31], [sflag:$0x4], $0x80, $0x38;
	[tilespmem:$0xEC00] =	vst v63  }
0x348: {  	s30 =	simm.s32 $0xD580;
	s1 =	sadd.s32 s28, s9  }
0x349: {  	[hbm4b:s1+s3] =	stream.linear.scatter [tilespmem:s30], [sflag:$0x4], $0x80, $0x38;
	[tilespmem:$0xEC00] =	vst v63  }
0x34a: {  	s31 =	simm.s32 $0xD610;
	s29 =	sadd.s32 $0x10, s1  }
0x34b: {  	[hbm4b:s29+s3] =	stream.linear.scatter [tilespmem:s31], [sflag:$0x4], $0x80, $0x38;
	[tilespmem:$0xEC00] =	vst v63  }
0x34c: {  	s29 =	sadd.s32 $0x20, s1;
	s31 =	simm.s32 $0xD6A0  }
0x34d: {  	[hbm4b:s29+s3] =	stream.linear.scatter [tilespmem:s31], [sflag:$0x4], $0x80, $0x38;
	[tilespmem:$0xEC00] =	vst v63  }
0x34e: {  	s29 =	sadd.s32 $0x30, s1;
	s31 =	simm.s32 $0xD730  }
0x34f: {  	[hbm4b:s29+s3] =	stream.linear.scatter [tilespmem:s31], [sflag:$0x4], $0x80, $0x38;
	[tilespmem:$0xEC00] =	vst v63  }
0x350: {  	s29 =	sadd.s32 $0x40, s1;
	s31 =	simm.s32 $0xD7C0  }
0x351: {  	[hbm4b:s29+s3] =	stream.linear.scatter [tilespmem:s31], [sflag:$0x4], $0x80, $0x38;
	[tilespmem:$0xEC00] =	vst v63  }
0x352: {  	s29 =	sadd.s32 $0x50, s1;
	s31 =	simm.s32 $0xD850  }
0x353: {  	[hbm4b:s29+s3] =	stream.linear.scatter [tilespmem:s31], [sflag:$0x4], $0x80, $0x38;
	[tilespmem:$0xEC00] =	vst v63  }
0x354: {  	s29 =	sadd.s32 $0x60, s1;
	s31 =	simm.s32 $0xD8E0  }
0x355: {  	[hbm4b:s29+s3] =	stream.linear.scatter [tilespmem:s31], [sflag:$0x4], $0x80, $0x38;
	[tilespmem:$0xEC00] =	vst v63  }
0x356: {  	s1 =	sadd.s32 $0x70, s1;
	s31 =	simm.s32 $0xD970  }
0x357: {  	[hbm4b:s1+s3] =	stream.linear.scatter [tilespmem:s31], [sflag:$0x4], $0x80, $0x38;
	[tilespmem:$0xEC00] =	vst v63  }
0x358: {  	s30 =	simm.s32 $0xDA00;
	s1 =	sadd.s32 s28, s10  }
0x359: {  	[hbm4b:s1+s3] =	stream.linear.scatter [tilespmem:s30], [sflag:$0x4], $0x80, $0x38;
	[tilespmem:$0xEC00] =	vst v63  }
0x35a: {  	s31 =	simm.s32 $0xDA90;
	s29 =	sadd.s32 $0x10, s1  }
0x35b: {  	[hbm4b:s29+s3] =	stream.linear.scatter [tilespmem:s31], [sflag:$0x4], $0x80, $0x38;
	[tilespmem:$0xEC00] =	vst v63  }
0x35c: {  	s29 =	sadd.s32 $0x20, s1;
	s31 =	simm.s32 $0xDB20  }
0x35d: {  	[hbm4b:s29+s3] =	stream.linear.scatter [tilespmem:s31], [sflag:$0x4], $0x80, $0x38;
	[tilespmem:$0xEC00] =	vst v63  }
0x35e: {  	s29 =	sadd.s32 $0x30, s1;
	s31 =	simm.s32 $0xDBB0  }
0x35f: {  	[hbm4b:s29+s3] =	stream.linear.scatter [tilespmem:s31], [sflag:$0x4], $0x80, $0x38;
	[tilespmem:$0xEC00] =	vst v63  }
0x360: {  	s29 =	sadd.s32 $0x40, s1;
	s31 =	simm.s32 $0xDC40  }
0x361: {  	[hbm4b:s29+s3] =	stream.linear.scatter [tilespmem:s31], [sflag:$0x4], $0x80, $0x38;
	[tilespmem:$0xEC00] =	vst v63  }
0x362: {  	s29 =	sadd.s32 $0x50, s1;
	s31 =	simm.s32 $0xDCD0  }
0x363: {  	[hbm4b:s29+s3] =	stream.linear.scatter [tilespmem:s31], [sflag:$0x4], $0x80, $0x38;
	[tilespmem:$0xEC00] =	vst v63  }
0x364: {  	s29 =	sadd.s32 $0x60, s1;
	s31 =	simm.s32 $0xDD60  }
0x365: {  	[hbm4b:s29+s3] =	stream.linear.scatter [tilespmem:s31], [sflag:$0x4], $0x80, $0x38;
	[tilespmem:$0xEC00] =	vst v63  }
0x366: {  	s1 =	sadd.s32 $0x70, s1;
	s31 =	simm.s32 $0xDDF0  }
0x367: {  	[hbm4b:s1+s3] =	stream.linear.scatter [tilespmem:s31], [sflag:$0x4], $0x80, $0x38;
	[tilespmem:$0xEC00] =	vst v63  }
0x368: {  	s30 =	simm.s32 $0xDE80;
	s1 =	sadd.s32 s28, s11  }
0x369: {  	[hbm4b:s1+s3] =	stream.linear.scatter [tilespmem:s30], [sflag:$0x4], $0x80, $0x38;
	[tilespmem:$0xEC00] =	vst v63  }
0x36a: {  	s31 =	simm.s32 $0xDF10;
	s29 =	sadd.s32 $0x10, s1  }
0x36b: {  	[hbm4b:s29+s3] =	stream.linear.scatter [tilespmem:s31], [sflag:$0x4], $0x80, $0x38;
	[tilespmem:$0xEC00] =	vst v63  }
0x36c: {  	s29 =	sadd.s32 $0x20, s1;
	s31 =	simm.s32 $0xDFA0  }
0x36d: {  	[hbm4b:s29+s3] =	stream.linear.scatter [tilespmem:s31], [sflag:$0x4], $0x80, $0x38;
	[tilespmem:$0xEC00] =	vst v63  }
0x36e: {  	s29 =	sadd.s32 $0x30, s1;
	s31 =	simm.s32 $0xE030  }
0x36f: {  	[hbm4b:s29+s3] =	stream.linear.scatter [tilespmem:s31], [sflag:$0x4], $0x80, $0x38;
	[tilespmem:$0xEC00] =	vst v63  }
0x370: {  	s29 =	sadd.s32 $0x40, s1;
	s31 =	simm.s32 $0xE0C0  }
0x371: {  	[hbm4b:s29+s3] =	stream.linear.scatter [tilespmem:s31], [sflag:$0x4], $0x80, $0x38;
	[tilespmem:$0xEC00] =	vst v63  }
0x372: {  	s29 =	sadd.s32 $0x50, s1;
	s31 =	simm.s32 $0xE150  }
0x373: {  	[hbm4b:s29+s3] =	stream.linear.scatter [tilespmem:s31], [sflag:$0x4], $0x80, $0x38;
	[tilespmem:$0xEC00] =	vst v63  }
0x374: {  	s29 =	sadd.s32 $0x60, s1;
	s31 =	simm.s32 $0xE1E0  }
0x375: {  	[hbm4b:s29+s3] =	stream.linear.scatter [tilespmem:s31], [sflag:$0x4], $0x80, $0x38;
	[tilespmem:$0xEC00] =	vst v63  }
0x376: {  	s1 =	sadd.s32 $0x70, s1;
	s31 =	simm.s32 $0xE270  }
0x377: {  	[hbm4b:s1+s3] =	stream.linear.scatter [tilespmem:s31], [sflag:$0x4], $0x80, $0x38;
	[tilespmem:$0xEC00] =	vst v63  }
0x378: {  	s30 =	simm.s32 $0xE300;
	s1 =	sadd.s32 s28, s12  }
0x379: {  	[hbm4b:s1+s3] =	stream.linear.scatter [tilespmem:s30], [sflag:$0x4], $0x80, $0x38;
	[tilespmem:$0xEC00] =	vst v63  }
0x37a: {  	s31 =	simm.s32 $0xE390;
	s29 =	sadd.s32 $0x10, s1  }
0x37b: {  	[hbm4b:s29+s3] =	stream.linear.scatter [tilespmem:s31], [sflag:$0x4], $0x80, $0x38;
	[tilespmem:$0xEC00] =	vst v63  }
0x37c: {  	s29 =	sadd.s32 $0x20, s1;
	s31 =	simm.s32 $0xE420  }
0x37d: {  	[hbm4b:s29+s3] =	stream.linear.scatter [tilespmem:s31], [sflag:$0x4], $0x80, $0x38;
	[tilespmem:$0xEC00] =	vst v63  }
0x37e: {  	s29 =	sadd.s32 $0x30, s1;
	s31 =	simm.s32 $0xE4B0  }
0x37f: {  	[hbm4b:s29+s3] =	stream.linear.scatter [tilespmem:s31], [sflag:$0x4], $0x80, $0x38;
	[tilespmem:$0xEC00] =	vst v63  }
0x380: {  	s29 =	sadd.s32 $0x40, s1;
	s31 =	simm.s32 $0xE540  }
0x381: {  	[hbm4b:s29+s3] =	stream.linear.scatter [tilespmem:s31], [sflag:$0x4], $0x80, $0x38;
	[tilespmem:$0xEC00] =	vst v63  }
0x382: {  	s29 =	sadd.s32 $0x50, s1;
	s31 =	simm.s32 $0xE5D0  }
0x383: {  	[hbm4b:s29+s3] =	stream.linear.scatter [tilespmem:s31], [sflag:$0x4], $0x80, $0x38;
	[tilespmem:$0xEC00] =	vst v63  }
0x384: {  	s29 =	sadd.s32 $0x60, s1;
	s31 =	simm.s32 $0xE660  }
0x385: {  	[hbm4b:s29+s3] =	stream.linear.scatter [tilespmem:s31], [sflag:$0x4], $0x80, $0x38;
	[tilespmem:$0xEC00] =	vst v63  }
0x386: {  	s1 =	sadd.s32 $0x70, s1;
	s31 =	simm.s32 $0xE6F0  }
0x387: {  	[hbm4b:s1+s3] =	stream.linear.scatter [tilespmem:s31], [sflag:$0x4], $0x80, $0x38;
	[tilespmem:$0xEC00] =	vst v63  }
0x388: {  	s1 =	sadd.s32 s28, s13  }
0x389: {  	[hbm4b:s1+s3] =	stream.linear.scatter [tilespmem:s0], [sflag:$0x4], $0x80, $0x38;
	[tilespmem:$0xEC00] =	vst v63  }
0x38a: {  	s28 =	sadd.s32 $0x10, s1  }
0x38b: {  	[hbm4b:s28+s3] =	stream.linear.scatter [tilespmem:s17], [sflag:$0x4], $0x80, $0x38;
	[tilespmem:$0xEC00] =	vst v63  }
0x38c: {  	s30 =	sadd.s32 $0x20, s1  }
0x38d: {  	[hbm4b:s30+s3] =	stream.linear.scatter [tilespmem:s18], [sflag:$0x4], $0x80, $0x38;
	[tilespmem:$0xEC00] =	vst v63  }
0x38e: {  	s31 =	sadd.s32 $0x30, s1  }
0x38f: {  	[hbm4b:s31+s3] =	stream.linear.scatter [tilespmem:s21], [sflag:$0x4], $0x80, $0x38;
	[tilespmem:$0xEC00] =	vst v63  }
0x390: {  	s29 =	sadd.s32 $0x40, s1  }
0x391: {  	[hbm4b:s29+s3] =	stream.linear.scatter [tilespmem:s22], [sflag:$0x4], $0x80, $0x38;
	[tilespmem:$0xEC00] =	vst v63  }
0x392: {  	p0 =	seq.s32 s26, $0x63;
	s30 =	sadd.s32 $0x50, s1  }
0x393: {  	[hbm4b:s30+s3] =	stream.linear.scatter [tilespmem:s23], [sflag:$0x4], $0x80, $0x38;
	[tilespmem:$0xEC00] =	vst v63  }
.Ltmp7:
0x394: {  	_ = 	snop;
	(pc) =	sbr.rel @p0 .LBB2_12-.Ltmp7, $4  }
0x395: {  	s31 =	sadd.s32 $0x60, s1  }
0x396: {  	[hbm4b:s31+s3] =	stream.linear.scatter [tilespmem:s24], [sflag:$0x4], $0x80, $0x38;
	[tilespmem:$0xEC00] =	vst v63  }
0x397: {  	s1 =	sadd.s32 $0x70, s1  }
0x398: {  	v8 =	vmov v56;
	[hbm4b:s1+s3] =	stream.linear.scatter [tilespmem:s25], [sflag:$0x4], $0x80, $0x38;
	[tilespmem:$0xEC00] =	vst v63  }
.Ltmp8:
0x399: {  	(pc) =	sbr.rel .LBB2_2-.Ltmp8, $4  }
0x39a: {  	s1 =	sshll.u32 s26, $0x8  }
0x39b: {  	s1 =	sand.u32 $0x3FFFFF00, s1  }
0x39c: {  	s28 =	simm.s32 $0x8400;
	s26 =	sadd.s32 $0x1, s26;
	s1 =	sadd.s32 $0x180, s1  }
0x39d: {  	[tilespmem:s28], [sflag:$0x2] =	stream.indirect.gather [hbm4b:s4+s16], $0x40, s1, s16, $0xb8;
	[tilespmem:$0xEC00] =	vst v63  }
.LBB2_13:
0x39e: {  	_ =	sfence.sel $0x180000  }
0x39f: {  	[bflag:$0x0] =	sbarrier.arrive $0xFFFF  }
0x3a0: {  	_ =	strace $0x90000047  }
0x3a1: {  	s0 =	stileid.u32;
	[bflag:$0x2] =	sbarrier.arrive $0xFFFF  }
0x3a2: {  	p0 =	sne.s32 s0, $0x0;
	s0 =	rddreg [dreg:$0x2]  }
0x3a3: {  	s0 =	sadd.s32 @!p0 $0x100000, s0  }
0x3a4: {  	[sflag:s0] =	ssyncadd.tile.s32 @!p0 $0x1;
	_ =	shalt  }
.Lfunc_end2:
_tile_overlayer_lowered:
.L_overlay_start_2:
0x3a5: {  	(tag) =	ssettag $0x2  }
0x3a6: {  	s0 =	rddreg [dreg:$0x0];
	s2 =	stileid.u32  }
0x3a7: {  	s1 =	rddreg [dreg:$0x1];
	p0 =	sne.s32 s2, $0x0  }
0x3a8: {  	s3 =	rddreg [dreg:$0x2];
	[bflag:$0x3] =	sbarrier.arrive $0xFFFF;
	s2 =	simm.s32 @!p0 $0x1C05  }
0x3a9: {  	[timem:s3], [sflag:s2] =	dma.local @!p0 [hbm:s0], s1  }
0x3aa: {  	s0 =	simm.s32 @!p0 $0x5  }
0x3ab: {  	_ =	swait.ge @!p0 [sflag:s0], s1  }
0x3ac: {  	s1 =	ssub.s32 @!p0 $0x0, s1;
	[sflag:s0] =	ssyncset.done @!p0 $0x0  }
0x3ad: {  	[sflag:s0] =	ssyncadd.s32 @!p0 s1  }
0x3ae: {  	[bflag:$0x3] =	sbarrier.arrive $0xFFFF  }
0x3af: {  	_ =	shalt  }

</sc_bundles>
